<compile_context>
chip_gen: v7x
topology: tpu7x:2x2x1
jax: 0.10.2.dev20260603
libtpu: 0.0.44.dev20260713+nightly
codegen_flags: <defaults>
</compile_context>

<pallas_src>
import functools

import jax
import jax.numpy as jnp
from jax import lax
from jax.experimental import pallas as pl
from jax.experimental.pallas import tpu as pltpu
from jax.experimental.pallas import tpu_sc as plsc

_NUM_CORES = 2
_NUM_SUBCORES = 16
_NUM_WORKERS = _NUM_CORES * _NUM_SUBCORES
_LANES = 16

_D = 10
_TAB_ROWS = 16
_TAB_COLS = 1024
_UB = 256
_UL = 8


def _fuse_table_body(table_ref, w_ref, b_ref, out_ref):
    fused_t = (
        lax.dot_general(
            w_ref[...], table_ref[...],
            dimension_numbers=(((1,), (1,)), ((), ())),
            preferred_element_type=jnp.float32,
        )
        + b_ref[...]
    )
    out_ref[...] = jnp.pad(
        fused_t,
        ((0, _TAB_ROWS - fused_t.shape[0]),
         (0, _TAB_COLS - fused_t.shape[1])))


def _fuse_table(table, W, b_col):
    return pl.pallas_call(
        _fuse_table_body,
        out_shape=jax.ShapeDtypeStruct((_TAB_ROWS, _TAB_COLS), jnp.float32),
    )(table, W, b_col)


def _make_gather(batch, hist):
    bcol = batch // _NUM_WORKERS
    assert batch % (_NUM_WORKERS * _UB) == 0
    assert bcol % _UB == 0 and hist % _UL == 0
    halves = bcol // _UB
    lgroups = hist // _UL
    n_units = halves * lgroups
    assert n_units % 2 == 0

    mesh = plsc.VectorSubcoreMesh(
        core_axis_name="c", subcore_axis_name="s",
        num_cores=_NUM_CORES, num_subcores=_NUM_SUBCORES,
    )

    @functools.partial(
        pl.kernel,
        mesh=mesh,
        compiler_params=pltpu.CompilerParams(needs_layout_passes=False),
        out_type=jax.ShapeDtypeStruct((_D, hist, batch), jnp.float32),
        scratch_types=[
            pltpu.VMEM((_TAB_ROWS, _TAB_COLS), jnp.float32),
            pltpu.VMEM((_UL * _UB,), jnp.int32),
            pltpu.VMEM((_UL * _UB,), jnp.int32),
            pltpu.VMEM((_D, _UL * _UB), jnp.float32),
            pltpu.VMEM((_D, _UL * _UB), jnp.float32),
            pltpu.SemaphoreType.DMA,
            pltpu.SemaphoreType.DMA,
            pltpu.SemaphoreType.DMA,
            pltpu.SemaphoreType.DMA,
        ],
    )
    def gather_kernel(idx_hbm, tab_hbm, out_hbm,
                      tab_v, idx_a, idx_b, out_a, out_b,
                      sin_a, sin_b, sout_a, sout_b):
        wid = lax.axis_index("s") * _NUM_CORES + lax.axis_index("c")
        wb0 = wid * bcol
        pltpu.sync_copy(tab_hbm, tab_v)
        dvs = [jnp.full((_LANES,), d, jnp.int32) for d in range(_D)]

        def in_copies(u, idx_v):
            b0 = wb0 + (u % halves) * _UB
            l0 = (u // halves) * _UL
            return [(idx_hbm.at[l0 + r, pl.ds(b0, _UB)],
                     idx_v.at[pl.ds(r * _UB, _UB)])
                    for r in range(_UL)]

        def out_copies(u, out_v):
            b0 = wb0 + (u % halves) * _UB
            l0 = (u // halves) * _UL
            return [(out_v.at[:, pl.ds(r * _UB, _UB)],
                     out_hbm.at[:, l0 + r, pl.ds(b0, _UB)])
                    for r in range(_UL)]

        for s, d in in_copies(0, idx_a):
            pltpu.async_copy(s, d, sin_a)
        for s, d in in_copies(1, idx_b):
            pltpu.async_copy(s, d, sin_b)

        def pair_body(g, carry):
            for j, idx_v, out_v, sin, sout in (
                    (0, idx_a, out_a, sin_a, sout_a),
                    (1, idx_b, out_b, sin_b, sout_b)):
                u = 2 * g + j
                for s, d in in_copies(u, idx_v):
                    pltpu.make_async_copy(s, d, sin).wait()
                @pl.when(g >= 1)
                def _():
                    for s, d in out_copies(u - 2, out_v):
                        pltpu.make_async_copy(s, d, sout).wait()

                @plsc.parallel_loop(0, _UL * (_UB // _LANES), 1, unroll=2)
                def l_body(i):
                    boff = i * _LANES
                    idx16 = idx_v[pl.ds(boff, _LANES)]
                    vals = [plsc.load_gather(tab_v, [dvs[d], idx16])
                            for d in range(_D)]
                    for d in range(_D):
                        out_v[d, pl.ds(boff, _LANES)] = vals[d]

                for s, d in out_copies(u, out_v):
                    pltpu.async_copy(s, d, sout)

                @pl.when(g <= n_units // 2 - 2)
                def _():
                    for s, d in in_copies(u + 2, idx_v):
                        pltpu.async_copy(s, d, sin)
            return carry

        lax.fori_loop(0, n_units // 2, pair_body, 0)
        for s, d in out_copies(n_units - 2, out_a):
            pltpu.make_async_copy(s, d, sout_a).wait()
        for s, d in out_copies(n_units - 1, out_b):
            pltpu.make_async_copy(s, d, sout_b).wait()

    return gather_kernel


def kernel(x, table, W, b):
    batch, hist = x.shape
    fused_t = _fuse_table(table, W, b.reshape(-1, 1))
    gather = _make_gather(batch, hist)
    out_t = gather(x.T, fused_t)
    return jnp.transpose(out_t, (2, 1, 0))

# --- scband reference (transcript-rebuilt; emitter-appended) ---
"""Pipeline reference for scband-distributed-model-38774964748637 (READ-ONLY COPY).

The authoritative reference and input builder live on the scoring server;
editing this copy changes nothing except your own understanding.
"""

import jax, jax.numpy as jnp
import numpy as np

VOCAB = 1000
EMB_DIM = 10
OUT_DIM = 10
BATCH = 16384
HIST = 200

def setup_inputs(seed: int = 0) -> dict:
    key = jax.random.key(seed)
    k1, k2, k3, k4 = jax.random.split(key, 4)
    x = jax.random.randint(k1, (BATCH, HIST), 0, VOCAB, dtype=jnp.int64) if jax.config.jax_enable_x64 else jax.random.randint(k1, (BATCH, HIST), 0, VOCAB, dtype=jnp.int32)
    # embedding table (nn.Embedding(1000, 10))
    table = jax.random.normal(k2, (VOCAB, EMB_DIM), dtype=jnp.float32)
    # linear layer nn.Linear(10, 10): weight [out, in], bias [out]
    bound = 1.0 / np.sqrt(EMB_DIM)
    W = jax.random.uniform(k3, (OUT_DIM, EMB_DIM), dtype=jnp.float32, minval=-bound, maxval=bound)
    b = jax.random.uniform(k4, (OUT_DIM,), dtype=jnp.float32, minval=-bound, maxval=bound)
    return {"x": x, "table": table, "W": W, "b": b}

def reference(x, table, W, b):
    # x = self.embedding(x)
    emb = jnp.take(table, x, axis=0)  # [B, L, EMB_DIM]
    # x = self.rnn(x)  (nn.Linear: y = x @ W^T + b)
    out = jnp.einsum('bld,od->blo', emb, W) + b
    return out

if __name__ == "__main__":
    import jax
    _d = setup_inputs()
    print(jax.jit(kernel)(*tuple(_d.values())))

</pallas_src>

<mosaic_0001>
#map = affine_map<(d0, d1) -> (0, 0)>
#map1 = affine_map<(d0, d1) -> (0, 0, 0)>
module attributes {stable_mosaic.version = 14 : i64} {
  func.func @gather_kernel(%arg0: i32, %arg1: i32, %arg2: memref<200x16384xi32, #tpu.memory_space<hbm>>, %arg3: memref<16x1024xf32, #tpu.memory_space<hbm>>, %arg4: memref<10x200x16384xf32, #tpu.memory_space<hbm>>, %arg5: memref<16x1024xf32, #tpu.memory_space<vmem>>, %arg6: memref<2048xi32, #tpu.memory_space<vmem>>, %arg7: memref<2048xi32, #tpu.memory_space<vmem>>, %arg8: memref<10x2048xf32, #tpu.memory_space<vmem>>, %arg9: memref<10x2048xf32, #tpu.memory_space<vmem>>, %arg10: memref<!tpu.dma_semaphore, #tpu.memory_space<semaphore_mem>>, %arg11: memref<!tpu.dma_semaphore, #tpu.memory_space<semaphore_mem>>, %arg12: memref<!tpu.dma_semaphore, #tpu.memory_space<semaphore_mem>>, %arg13: memref<!tpu.dma_semaphore, #tpu.memory_space<semaphore_mem>>) attributes {dimension_semantics = [#tpu.dimension_semantics<core_parallel>, #tpu.dimension_semantics<subcore_parallel>], iteration_bounds = array<i64: 2, 16>, scalar_prefetch = 0 : i64, scratch_operands = 9 : i64, tpu.core_type = #tpu.core_type<sc_vector_subcore>, window_params = [{transform_indices = #map}, {transform_indices = #map}, {transform_indices = #map1}]} {
    %mul3A = arith.constant 2 : i32
    %mul3A_0 = arith.muli %arg1, %mul3A : i32
    %add3A = arith.addi %mul3A_0, %arg0 : i32
    %mul3A_1 = arith.constant 512 : i32
    %mul3A_2 = arith.muli %add3A, %mul3A_1 : i32
    "tpu.region"() ({
      %run_scoped3A = tpu.sem_alloc : memref<!tpu.dma_semaphore, #tpu.memory_space<semaphore_mem>>
      tpu.enqueue_dma source(%arg3 : memref<16x1024xf32, #tpu.memory_space<hbm>>) target(%arg5 : memref<16x1024xf32, #tpu.memory_space<vmem>>) target_semaphore(%run_scoped3A : memref<!tpu.dma_semaphore, #tpu.memory_space<semaphore_mem>>)
      tpu.wait_dma2 semaphore(%run_scoped3A : memref<!tpu.dma_semaphore, #tpu.memory_space<semaphore_mem>>) src(%arg3 : memref<16x1024xf32, #tpu.memory_space<hbm>>) dst(%arg5 : memref<16x1024xf32, #tpu.memory_space<vmem>>)
      tpu.yield
    }) : () -> ()
    %broadcast_in_dim3A = arith.constant 0 : i32
    %broadcast_in_dim3A_3 = vector.broadcast %broadcast_in_dim3A : i32 to vector<16xi32>
    %broadcast_in_dim3A_4 = arith.constant 1 : i32
    %broadcast_in_dim3A_5 = vector.broadcast %broadcast_in_dim3A_4 : i32 to vector<16xi32>
    %broadcast_in_dim3A_6 = arith.constant 2 : i32
    %broadcast_in_dim3A_7 = vector.broadcast %broadcast_in_dim3A_6 : i32 to vector<16xi32>
    %broadcast_in_dim3A_8 = arith.constant 3 : i32
    %broadcast_in_dim3A_9 = vector.broadcast %broadcast_in_dim3A_8 : i32 to vector<16xi32>
    %broadcast_in_dim3A_10 = arith.constant 4 : i32
    %broadcast_in_dim3A_11 = vector.broadcast %broadcast_in_dim3A_10 : i32 to vector<16xi32>
    %broadcast_in_dim3A_12 = arith.constant 5 : i32
    %broadcast_in_dim3A_13 = vector.broadcast %broadcast_in_dim3A_12 : i32 to vector<16xi32>
    %broadcast_in_dim3A_14 = arith.constant 6 : i32
    %broadcast_in_dim3A_15 = vector.broadcast %broadcast_in_dim3A_14 : i32 to vector<16xi32>
    %broadcast_in_dim3A_16 = arith.constant 7 : i32
    %broadcast_in_dim3A_17 = vector.broadcast %broadcast_in_dim3A_16 : i32 to vector<16xi32>
    %broadcast_in_dim3A_18 = arith.constant 8 : i32
    %broadcast_in_dim3A_19 = vector.broadcast %broadcast_in_dim3A_18 : i32 to vector<16xi32>
    %broadcast_in_dim3A_20 = arith.constant 9 : i32
    %broadcast_in_dim3A_21 = vector.broadcast %broadcast_in_dim3A_20 : i32 to vector<16xi32>
    %add3A_22 = arith.constant 0 : i32
    %add3A_23 = arith.addi %mul3A_2, %add3A_22 : i32
    %dma_start3A = arith.constant 0 : i32
    %dma_start3A_24 = arith.constant 0 : i32
    %dma_start3A_25 = tpu.memref_slice %arg6[%dma_start3A_24] : memref<2048xi32, #tpu.memory_space<vmem>> -> memref<256xi32, #tpu.memory_space<vmem>>
    %dma_start3A_26 = tpu.memref_slice %arg2[%dma_start3A, %add3A_23] : memref<200x16384xi32, #tpu.memory_space<hbm>> -> memref<1x256xi32, #tpu.memory_space<hbm>>
    %dma_start3A_27 = tpu.memref_squeeze %dma_start3A_26 : memref<1x256xi32, #tpu.memory_space<hbm>> -> memref<256xi32, #tpu.memory_space<hbm>>
    %dma_start3A_28 = arith.constant 0 : i32
    %dma_start3A_29 = tpu.memref_slice %arg6[%dma_start3A_28] : memref<2048xi32, #tpu.memory_space<vmem>> -> memref<256xi32, #tpu.memory_space<vmem>>
    %dma_start3A_30 = tpu.memref_slice %arg2[%dma_start3A, %add3A_23] : memref<200x16384xi32, #tpu.memory_space<hbm>> -> memref<1x256xi32, #tpu.memory_space<hbm>>
    %dma_start3A_31 = tpu.memref_squeeze %dma_start3A_30 : memref<1x256xi32, #tpu.memory_space<hbm>> -> memref<256xi32, #tpu.memory_space<hbm>>
    tpu.enqueue_dma source(%dma_start3A_31 : memref<256xi32, #tpu.memory_space<hbm>>) target(%dma_start3A_29 : memref<256xi32, #tpu.memory_space<vmem>>) target_semaphore(%arg10 : memref<!tpu.dma_semaphore, #tpu.memory_space<semaphore_mem>>)
    %dma_start3A_32 = arith.constant 1 : i32
    %dma_start3A_33 = arith.constant 256 : i32
    %dma_start3A_34 = tpu.memref_slice %arg6[%dma_start3A_33] : memref<2048xi32, #tpu.memory_space<vmem>> -> memref<256xi32, #tpu.memory_space<vmem>>
    %dma_start3A_35 = tpu.memref_slice %arg2[%dma_start3A_32, %add3A_23] : memref<200x16384xi32, #tpu.memory_space<hbm>> -> memref<1x256xi32, #tpu.memory_space<hbm>>
    %dma_start3A_36 = tpu.memref_squeeze %dma_start3A_35 : memref<1x256xi32, #tpu.memory_space<hbm>> -> memref<256xi32, #tpu.memory_space<hbm>>
    %dma_start3A_37 = arith.constant 256 : i32
    %dma_start3A_38 = tpu.memref_slice %arg6[%dma_start3A_37] : memref<2048xi32, #tpu.memory_space<vmem>> -> memref<256xi32, #tpu.memory_space<vmem>>
    %dma_start3A_39 = tpu.memref_slice %arg2[%dma_start3A_32, %add3A_23] : memref<200x16384xi32, #tpu.memory_space<hbm>> -> memref<1x256xi32, #tpu.memory_space<hbm>>
    %dma_start3A_40 = tpu.memref_squeeze %dma_start3A_39 : memref<1x256xi32, #tpu.memory_space<hbm>> -> memref<256xi32, #tpu.memory_space<hbm>>
    tpu.enqueue_dma source(%dma_start3A_40 : memref<256xi32, #tpu.memory_space<hbm>>) target(%dma_start3A_38 : memref<256xi32, #tpu.memory_space<vmem>>) target_semaphore(%arg10 : memref<!tpu.dma_semaphore, #tpu.memory_space<semaphore_mem>>)
    %dma_start3A_41 = arith.constant 2 : i32
    %dma_start3A_42 = arith.constant 512 : i32
    %dma_start3A_43 = tpu.memref_slice %arg6[%dma_start3A_42] : memref<2048xi32, #tpu.memory_space<vmem>> -> memref<256xi32, #tpu.memory_space<vmem>>
    %dma_start3A_44 = tpu.memref_slice %arg2[%dma_start3A_41, %add3A_23] : memref<200x16384xi32, #tpu.memory_space<hbm>> -> memref<1x256xi32, #tpu.memory_space<hbm>>
    %dma_start3A_45 = tpu.memref_squeeze %dma_start3A_44 : memref<1x256xi32, #tpu.memory_space<hbm>> -> memref<256xi32, #tpu.memory_space<hbm>>
    %dma_start3A_46 = arith.constant 512 : i32
    %dma_start3A_47 = tpu.memref_slice %arg6[%dma_start3A_46] : memref<2048xi32, #tpu.memory_space<vmem>> -> memref<256xi32, #tpu.memory_space<vmem>>
    %dma_start3A_48 = tpu.memref_slice %arg2[%dma_start3A_41, %add3A_23] : memref<200x16384xi32, #tpu.memory_space<hbm>> -> memref<1x256xi32, #tpu.memory_space<hbm>>
    %dma_start3A_49 = tpu.memref_squeeze %dma_start3A_48 : memref<1x256xi32, #tpu.memory_space<hbm>> -> memref<256xi32, #tpu.memory_space<hbm>>
    tpu.enqueue_dma source(%dma_start3A_49 : memref<256xi32, #tpu.memory_space<hbm>>) target(%dma_start3A_47 : memref<256xi32, #tpu.memory_space<vmem>>) target_semaphore(%arg10 : memref<!tpu.dma_semaphore, #tpu.memory_space<semaphore_mem>>)
    %dma_start3A_50 = arith.constant 3 : i32
    %dma_start3A_51 = arith.constant 768 : i32
    %dma_start3A_52 = tpu.memref_slice %arg6[%dma_start3A_51] : memref<2048xi32, #tpu.memory_space<vmem>> -> memref<256xi32, #tpu.memory_space<vmem>>
    %dma_start3A_53 = tpu.memref_slice %arg2[%dma_start3A_50, %add3A_23] : memref<200x16384xi32, #tpu.memory_space<hbm>> -> memref<1x256xi32, #tpu.memory_space<hbm>>
    %dma_start3A_54 = tpu.memref_squeeze %dma_start3A_53 : memref<1x256xi32, #tpu.memory_space<hbm>> -> memref<256xi32, #tpu.memory_space<hbm>>
    %dma_start3A_55 = arith.constant 768 : i32
    %dma_start3A_56 = tpu.memref_slice %arg6[%dma_start3A_55] : memref<2048xi32, #tpu.memory_space<vmem>> -> memref<256xi32, #tpu.memory_space<vmem>>
    %dma_start3A_57 = tpu.memref_slice %arg2[%dma_start3A_50, %add3A_23] : memref<200x16384xi32, #tpu.memory_space<hbm>> -> memref<1x256xi32, #tpu.memory_space<hbm>>
    %dma_start3A_58 = tpu.memref_squeeze %dma_start3A_57 : memref<1x256xi32, #tpu.memory_space<hbm>> -> memref<256xi32, #tpu.memory_space<hbm>>
    tpu.enqueue_dma source(%dma_start3A_58 : memref<256xi32, #tpu.memory_space<hbm>>) target(%dma_start3A_56 : memref<256xi32, #tpu.memory_space<vmem>>) target_semaphore(%arg10 : memref<!tpu.dma_semaphore, #tpu.memory_space<semaphore_mem>>)
    %dma_start3A_59 = arith.constant 4 : i32
    %dma_start3A_60 = arith.constant 1024 : i32
    %dma_start3A_61 = tpu.memref_slice %arg6[%dma_start3A_60] : memref<2048xi32, #tpu.memory_space<vmem>> -> memref<256xi32, #tpu.memory_space<vmem>>
    %dma_start3A_62 = tpu.memref_slice %arg2[%dma_start3A_59, %add3A_23] : memref<200x16384xi32, #tpu.memory_space<hbm>> -> memref<1x256xi32, #tpu.memory_space<hbm>>
    %dma_start3A_63 = tpu.memref_squeeze %dma_start3A_62 : memref<1x256xi32, #tpu.memory_space<hbm>> -> memref<256xi32, #tpu.memory_space<hbm>>
    %dma_start3A_64 = arith.constant 1024 : i32
    %dma_start3A_65 = tpu.memref_slice %arg6[%dma_start3A_64] : memref<2048xi32, #tpu.memory_space<vmem>> -> memref<256xi32, #tpu.memory_space<vmem>>
    %dma_start3A_66 = tpu.memref_slice %arg2[%dma_start3A_59, %add3A_23] : memref<200x16384xi32, #tpu.memory_space<hbm>> -> memref<1x256xi32, #tpu.memory_space<hbm>>
    %dma_start3A_67 = tpu.memref_squeeze %dma_start3A_66 : memref<1x256xi32, #tpu.memory_space<hbm>> -> memref<256xi32, #tpu.memory_space<hbm>>
    tpu.enqueue_dma source(%dma_start3A_67 : memref<256xi32, #tpu.memory_space<hbm>>) target(%dma_start3A_65 : memref<256xi32, #tpu.memory_space<vmem>>) target_semaphore(%arg10 : memref<!tpu.dma_semaphore, #tpu.memory_space<semaphore_mem>>)
    %dma_start3A_68 = arith.constant 5 : i32
    %dma_start3A_69 = arith.constant 1280 : i32
    %dma_start3A_70 = tpu.memref_slice %arg6[%dma_start3A_69] : memref<2048xi32, #tpu.memory_space<vmem>> -> memref<256xi32, #tpu.memory_space<vmem>>
    %dma_start3A_71 = tpu.memref_slice %arg2[%dma_start3A_68, %add3A_23] : memref<200x16384xi32, #tpu.memory_space<hbm>> -> memref<1x256xi32, #tpu.memory_space<hbm>>
    %dma_start3A_72 = tpu.memref_squeeze %dma_start3A_71 : memref<1x256xi32, #tpu.memory_space<hbm>> -> memref<256xi32, #tpu.memory_space<hbm>>
    %dma_start3A_73 = arith.constant 1280 : i32
    %dma_start3A_74 = tpu.memref_slice %arg6[%dma_start3A_73] : memref<2048xi32, #tpu.memory_space<vmem>> -> memref<256xi32, #tpu.memory_space<vmem>>
    %dma_start3A_75 = tpu.memref_slice %arg2[%dma_start3A_68, %add3A_23] : memref<200x16384xi32, #tpu.memory_space<hbm>> -> memref<1x256xi32, #tpu.memory_space<hbm>>
    %dma_start3A_76 = tpu.memref_squeeze %dma_start3A_75 : memref<1x256xi32, #tpu.memory_space<hbm>> -> memref<256xi32, #tpu.memory_space<hbm>>
    tpu.enqueue_dma source(%dma_start3A_76 : memref<256xi32, #tpu.memory_space<hbm>>) target(%dma_start3A_74 : memref<256xi32, #tpu.memory_space<vmem>>) target_semaphore(%arg10 : memref<!tpu.dma_semaphore, #tpu.memory_space<semaphore_mem>>)
    %dma_start3A_77 = arith.constant 6 : i32
    %dma_start3A_78 = arith.constant 1536 : i32
    %dma_start3A_79 = tpu.memref_slice %arg6[%dma_start3A_78] : memref<2048xi32, #tpu.memory_space<vmem>> -> memref<256xi32, #tpu.memory_space<vmem>>
    %dma_start3A_80 = tpu.memref_slice %arg2[%dma_start3A_77, %add3A_23] : memref<200x16384xi32, #tpu.memory_space<hbm>> -> memref<1x256xi32, #tpu.memory_space<hbm>>
    %dma_start3A_81 = tpu.memref_squeeze %dma_start3A_80 : memref<1x256xi32, #tpu.memory_space<hbm>> -> memref<256xi32, #tpu.memory_space<hbm>>
    %dma_start3A_82 = arith.constant 1536 : i32
    %dma_start3A_83 = tpu.memref_slice %arg6[%dma_start3A_82] : memref<2048xi32, #tpu.memory_space<vmem>> -> memref<256xi32, #tpu.memory_space<vmem>>
    %dma_start3A_84 = tpu.memref_slice %arg2[%dma_start3A_77, %add3A_23] : memref<200x16384xi32, #tpu.memory_space<hbm>> -> memref<1x256xi32, #tpu.memory_space<hbm>>
    %dma_start3A_85 = tpu.memref_squeeze %dma_start3A_84 : memref<1x256xi32, #tpu.memory_space<hbm>> -> memref<256xi32, #tpu.memory_space<hbm>>
    tpu.enqueue_dma source(%dma_start3A_85 : memref<256xi32, #tpu.memory_space<hbm>>) target(%dma_start3A_83 : memref<256xi32, #tpu.memory_space<vmem>>) target_semaphore(%arg10 : memref<!tpu.dma_semaphore, #tpu.memory_space<semaphore_mem>>)
    %dma_start3A_86 = arith.constant 7 : i32
    %dma_start3A_87 = arith.constant 1792 : i32
    %dma_start3A_88 = tpu.memref_slice %arg6[%dma_start3A_87] : memref<2048xi32, #tpu.memory_space<vmem>> -> memref<256xi32, #tpu.memory_space<vmem>>
    %dma_start3A_89 = tpu.memref_slice %arg2[%dma_start3A_86, %add3A_23] : memref<200x16384xi32, #tpu.memory_space<hbm>> -> memref<1x256xi32, #tpu.memory_space<hbm>>
    %dma_start3A_90 = tpu.memref_squeeze %dma_start3A_89 : memref<1x256xi32, #tpu.memory_space<hbm>> -> memref<256xi32, #tpu.memory_space<hbm>>
    %dma_start3A_91 = arith.constant 1792 : i32
    %dma_start3A_92 = tpu.memref_slice %arg6[%dma_start3A_91] : memref<2048xi32, #tpu.memory_space<vmem>> -> memref<256xi32, #tpu.memory_space<vmem>>
    %dma_start3A_93 = tpu.memref_slice %arg2[%dma_start3A_86, %add3A_23] : memref<200x16384xi32, #tpu.memory_space<hbm>> -> memref<1x256xi32, #tpu.memory_space<hbm>>
    %dma_start3A_94 = tpu.memref_squeeze %dma_start3A_93 : memref<1x256xi32, #tpu.memory_space<hbm>> -> memref<256xi32, #tpu.memory_space<hbm>>
    tpu.enqueue_dma source(%dma_start3A_94 : memref<256xi32, #tpu.memory_space<hbm>>) target(%dma_start3A_92 : memref<256xi32, #tpu.memory_space<vmem>>) target_semaphore(%arg10 : memref<!tpu.dma_semaphore, #tpu.memory_space<semaphore_mem>>)
    %add3A_95 = arith.constant 256 : i32
    %add3A_96 = arith.addi %mul3A_2, %add3A_95 : i32
    %dma_start3A_97 = arith.constant 0 : i32
    %dma_start3A_98 = arith.constant 0 : i32
    %dma_start3A_99 = tpu.memref_slice %arg7[%dma_start3A_98] : memref<2048xi32, #tpu.memory_space<vmem>> -> memref<256xi32, #tpu.memory_space<vmem>>
    %dma_start3A_100 = tpu.memref_slice %arg2[%dma_start3A_97, %add3A_96] : memref<200x16384xi32, #tpu.memory_space<hbm>> -> memref<1x256xi32, #tpu.memory_space<hbm>>
    %dma_start3A_101 = tpu.memref_squeeze %dma_start3A_100 : memref<1x256xi32, #tpu.memory_space<hbm>> -> memref<256xi32, #tpu.memory_space<hbm>>
    %dma_start3A_102 = arith.constant 0 : i32
    %dma_start3A_103 = tpu.memref_slice %arg7[%dma_start3A_102] : memref<2048xi32, #tpu.memory_space<vmem>> -> memref<256xi32, #tpu.memory_space<vmem>>
    %dma_start3A_104 = tpu.memref_slice %arg2[%dma_start3A_97, %add3A_96] : memref<200x16384xi32, #tpu.memory_space<hbm>> -> memref<1x256xi32, #tpu.memory_space<hbm>>
    %dma_start3A_105 = tpu.memref_squeeze %dma_start3A_104 : memref<1x256xi32, #tpu.memory_space<hbm>> -> memref<256xi32, #tpu.memory_space<hbm>>
    tpu.enqueue_dma source(%dma_start3A_105 : memref<256xi32, #tpu.memory_space<hbm>>) target(%dma_start3A_103 : memref<256xi32, #tpu.memory_space<vmem>>) target_semaphore(%arg11 : memref<!tpu.dma_semaphore, #tpu.memory_space<semaphore_mem>>)
    %dma_start3A_106 = arith.constant 1 : i32
    %dma_start3A_107 = arith.constant 256 : i32
    %dma_start3A_108 = tpu.memref_slice %arg7[%dma_start3A_107] : memref<2048xi32, #tpu.memory_space<vmem>> -> memref<256xi32, #tpu.memory_space<vmem>>
    %dma_start3A_109 = tpu.memref_slice %arg2[%dma_start3A_106, %add3A_96] : memref<200x16384xi32, #tpu.memory_space<hbm>> -> memref<1x256xi32, #tpu.memory_space<hbm>>
    %dma_start3A_110 = tpu.memref_squeeze %dma_start3A_109 : memref<1x256xi32, #tpu.memory_space<hbm>> -> memref<256xi32, #tpu.memory_space<hbm>>
    %dma_start3A_111 = arith.constant 256 : i32
    %dma_start3A_112 = tpu.memref_slice %arg7[%dma_start3A_111] : memref<2048xi32, #tpu.memory_space<vmem>> -> memref<256xi32, #tpu.memory_space<vmem>>
    %dma_start3A_113 = tpu.memref_slice %arg2[%dma_start3A_106, %add3A_96] : memref<200x16384xi32, #tpu.memory_space<hbm>> -> memref<1x256xi32, #tpu.memory_space<hbm>>
    %dma_start3A_114 = tpu.memref_squeeze %dma_start3A_113 : memref<1x256xi32, #tpu.memory_space<hbm>> -> memref<256xi32, #tpu.memory_space<hbm>>
    tpu.enqueue_dma source(%dma_start3A_114 : memref<256xi32, #tpu.memory_space<hbm>>) target(%dma_start3A_112 : memref<256xi32, #tpu.memory_space<vmem>>) target_semaphore(%arg11 : memref<!tpu.dma_semaphore, #tpu.memory_space<semaphore_mem>>)
    %dma_start3A_115 = arith.constant 2 : i32
    %dma_start3A_116 = arith.constant 512 : i32
    %dma_start3A_117 = tpu.memref_slice %arg7[%dma_start3A_116] : memref<2048xi32, #tpu.memory_space<vmem>> -> memref<256xi32, #tpu.memory_space<vmem>>
    %dma_start3A_118 = tpu.memref_slice %arg2[%dma_start3A_115, %add3A_96] : memref<200x16384xi32, #tpu.memory_space<hbm>> -> memref<1x256xi32, #tpu.memory_space<hbm>>
    %dma_start3A_119 = tpu.memref_squeeze %dma_start3A_118 : memref<1x256xi32, #tpu.memory_space<hbm>> -> memref<256xi32, #tpu.memory_space<hbm>>
    %dma_start3A_120 = arith.constant 512 : i32
    %dma_start3A_121 = tpu.memref_slice %arg7[%dma_start3A_120] : memref<2048xi32, #tpu.memory_space<vmem>> -> memref<256xi32, #tpu.memory_space<vmem>>
    %dma_start3A_122 = tpu.memref_slice %arg2[%dma_start3A_115, %add3A_96] : memref<200x16384xi32, #tpu.memory_space<hbm>> -> memref<1x256xi32, #tpu.memory_space<hbm>>
    %dma_start3A_123 = tpu.memref_squeeze %dma_start3A_122 : memref<1x256xi32, #tpu.memory_space<hbm>> -> memref<256xi32, #tpu.memory_space<hbm>>
    tpu.enqueue_dma source(%dma_start3A_123 : memref<256xi32, #tpu.memory_space<hbm>>) target(%dma_start3A_121 : memref<256xi32, #tpu.memory_space<vmem>>) target_semaphore(%arg11 : memref<!tpu.dma_semaphore, #tpu.memory_space<semaphore_mem>>)
    %dma_start3A_124 = arith.constant 3 : i32
    %dma_start3A_125 = arith.constant 768 : i32
    %dma_start3A_126 = tpu.memref_slice %arg7[%dma_start3A_125] : memref<2048xi32, #tpu.memory_space<vmem>> -> memref<256xi32, #tpu.memory_space<vmem>>
    %dma_start3A_127 = tpu.memref_slice %arg2[%dma_start3A_124, %add3A_96] : memref<200x16384xi32, #tpu.memory_space<hbm>> -> memref<1x256xi32, #tpu.memory_space<hbm>>
    %dma_start3A_128 = tpu.memref_squeeze %dma_start3A_127 : memref<1x256xi32, #tpu.memory_space<hbm>> -> memref<256xi32, #tpu.memory_space<hbm>>
    %dma_start3A_129 = arith.constant 768 : i32
    %dma_start3A_130 = tpu.memref_slice %arg7[%dma_start3A_129] : memref<2048xi32, #tpu.memory_space<vmem>> -> memref<256xi32, #tpu.memory_space<vmem>>
    %dma_start3A_131 = tpu.memref_slice %arg2[%dma_start3A_124, %add3A_96] : memref<200x16384xi32, #tpu.memory_space<hbm>> -> memref<1x256xi32, #tpu.memory_space<hbm>>
    %dma_start3A_132 = tpu.memref_squeeze %dma_start3A_131 : memref<1x256xi32, #tpu.memory_space<hbm>> -> memref<256xi32, #tpu.memory_space<hbm>>
    tpu.enqueue_dma source(%dma_start3A_132 : memref<256xi32, #tpu.memory_space<hbm>>) target(%dma_start3A_130 : memref<256xi32, #tpu.memory_space<vmem>>) target_semaphore(%arg11 : memref<!tpu.dma_semaphore, #tpu.memory_space<semaphore_mem>>)
    %dma_start3A_133 = arith.constant 4 : i32
    %dma_start3A_134 = arith.constant 1024 : i32
    %dma_start3A_135 = tpu.memref_slice %arg7[%dma_start3A_134] : memref<2048xi32, #tpu.memory_space<vmem>> -> memref<256xi32, #tpu.memory_space<vmem>>
    %dma_start3A_136 = tpu.memref_slice %arg2[%dma_start3A_133, %add3A_96] : memref<200x16384xi32, #tpu.memory_space<hbm>> -> memref<1x256xi32, #tpu.memory_space<hbm>>
    %dma_start3A_137 = tpu.memref_squeeze %dma_start3A_136 : memref<1x256xi32, #tpu.memory_space<hbm>> -> memref<256xi32, #tpu.memory_space<hbm>>
    %dma_start3A_138 = arith.constant 1024 : i32
    %dma_start3A_139 = tpu.memref_slice %arg7[%dma_start3A_138] : memref<2048xi32, #tpu.memory_space<vmem>> -> memref<256xi32, #tpu.memory_space<vmem>>
    %dma_start3A_140 = tpu.memref_slice %arg2[%dma_start3A_133, %add3A_96] : memref<200x16384xi32, #tpu.memory_space<hbm>> -> memref<1x256xi32, #tpu.memory_space<hbm>>
    %dma_start3A_141 = tpu.memref_squeeze %dma_start3A_140 : memref<1x256xi32, #tpu.memory_space<hbm>> -> memref<256xi32, #tpu.memory_space<hbm>>
    tpu.enqueue_dma source(%dma_start3A_141 : memref<256xi32, #tpu.memory_space<hbm>>) target(%dma_start3A_139 : memref<256xi32, #tpu.memory_space<vmem>>) target_semaphore(%arg11 : memref<!tpu.dma_semaphore, #tpu.memory_space<semaphore_mem>>)
    %dma_start3A_142 = arith.constant 5 : i32
    %dma_start3A_143 = arith.constant 1280 : i32
    %dma_start3A_144 = tpu.memref_slice %arg7[%dma_start3A_143] : memref<2048xi32, #tpu.memory_space<vmem>> -> memref<256xi32, #tpu.memory_space<vmem>>
    %dma_start3A_145 = tpu.memref_slice %arg2[%dma_start3A_142, %add3A_96] : memref<200x16384xi32, #tpu.memory_space<hbm>> -> memref<1x256xi32, #tpu.memory_space<hbm>>
    %dma_start3A_146 = tpu.memref_squeeze %dma_start3A_145 : memref<1x256xi32, #tpu.memory_space<hbm>> -> memref<256xi32, #tpu.memory_space<hbm>>
    %dma_start3A_147 = arith.constant 1280 : i32
    %dma_start3A_148 = tpu.memref_slice %arg7[%dma_start3A_147] : memref<2048xi32, #tpu.memory_space<vmem>> -> memref<256xi32, #tpu.memory_space<vmem>>
    %dma_start3A_149 = tpu.memref_slice %arg2[%dma_start3A_142, %add3A_96] : memref<200x16384xi32, #tpu.memory_space<hbm>> -> memref<1x256xi32, #tpu.memory_space<hbm>>
    %dma_start3A_150 = tpu.memref_squeeze %dma_start3A_149 : memref<1x256xi32, #tpu.memory_space<hbm>> -> memref<256xi32, #tpu.memory_space<hbm>>
    tpu.enqueue_dma source(%dma_start3A_150 : memref<256xi32, #tpu.memory_space<hbm>>) target(%dma_start3A_148 : memref<256xi32, #tpu.memory_space<vmem>>) target_semaphore(%arg11 : memref<!tpu.dma_semaphore, #tpu.memory_space<semaphore_mem>>)
    %dma_start3A_151 = arith.constant 6 : i32
    %dma_start3A_152 = arith.constant 1536 : i32
    %dma_start3A_153 = tpu.memref_slice %arg7[%dma_start3A_152] : memref<2048xi32, #tpu.memory_space<vmem>> -> memref<256xi32, #tpu.memory_space<vmem>>
    %dma_start3A_154 = tpu.memref_slice %arg2[%dma_start3A_151, %add3A_96] : memref<200x16384xi32, #tpu.memory_space<hbm>> -> memref<1x256xi32, #tpu.memory_space<hbm>>
    %dma_start3A_155 = tpu.memref_squeeze %dma_start3A_154 : memref<1x256xi32, #tpu.memory_space<hbm>> -> memref<256xi32, #tpu.memory_space<hbm>>
    %dma_start3A_156 = arith.constant 1536 : i32
    %dma_start3A_157 = tpu.memref_slice %arg7[%dma_start3A_156] : memref<2048xi32, #tpu.memory_space<vmem>> -> memref<256xi32, #tpu.memory_space<vmem>>
    %dma_start3A_158 = tpu.memref_slice %arg2[%dma_start3A_151, %add3A_96] : memref<200x16384xi32, #tpu.memory_space<hbm>> -> memref<1x256xi32, #tpu.memory_space<hbm>>
    %dma_start3A_159 = tpu.memref_squeeze %dma_start3A_158 : memref<1x256xi32, #tpu.memory_space<hbm>> -> memref<256xi32, #tpu.memory_space<hbm>>
    tpu.enqueue_dma source(%dma_start3A_159 : memref<256xi32, #tpu.memory_space<hbm>>) target(%dma_start3A_157 : memref<256xi32, #tpu.memory_space<vmem>>) target_semaphore(%arg11 : memref<!tpu.dma_semaphore, #tpu.memory_space<semaphore_mem>>)
    %dma_start3A_160 = arith.constant 7 : i32
    %dma_start3A_161 = arith.constant 1792 : i32
    %dma_start3A_162 = tpu.memref_slice %arg7[%dma_start3A_161] : memref<2048xi32, #tpu.memory_space<vmem>> -> memref<256xi32, #tpu.memory_space<vmem>>
    %dma_start3A_163 = tpu.memref_slice %arg2[%dma_start3A_160, %add3A_96] : memref<200x16384xi32, #tpu.memory_space<hbm>> -> memref<1x256xi32, #tpu.memory_space<hbm>>
    %dma_start3A_164 = tpu.memref_squeeze %dma_start3A_163 : memref<1x256xi32, #tpu.memory_space<hbm>> -> memref<256xi32, #tpu.memory_space<hbm>>
    %dma_start3A_165 = arith.constant 1792 : i32
    %dma_start3A_166 = tpu.memref_slice %arg7[%dma_start3A_165] : memref<2048xi32, #tpu.memory_space<vmem>> -> memref<256xi32, #tpu.memory_space<vmem>>
    %dma_start3A_167 = tpu.memref_slice %arg2[%dma_start3A_160, %add3A_96] : memref<200x16384xi32, #tpu.memory_space<hbm>> -> memref<1x256xi32, #tpu.memory_space<hbm>>
    %dma_start3A_168 = tpu.memref_squeeze %dma_start3A_167 : memref<1x256xi32, #tpu.memory_space<hbm>> -> memref<256xi32, #tpu.memory_space<hbm>>
    tpu.enqueue_dma source(%dma_start3A_168 : memref<256xi32, #tpu.memory_space<hbm>>) target(%dma_start3A_166 : memref<256xi32, #tpu.memory_space<vmem>>) target_semaphore(%arg11 : memref<!tpu.dma_semaphore, #tpu.memory_space<semaphore_mem>>)
    %scan3A = arith.constant 0 : i32
    %scan3A_169 = arith.constant 0 : i32
    %scan3A_170 = arith.constant 25 : i32
    %scan3A_171 = arith.addi %scan3A_169, %scan3A_170 : i32
    %scan3A_172 = arith.constant 1 : i32
    scf.for %scan3A_385 = %scan3A_169 to %scan3A_171 step %scan3A_172  : i32 {
      %mul3A_386 = arith.constant 2 : i32
      %mul3A_387 = arith.muli %mul3A_386, %scan3A_385 : i32
      %add3A_388 = arith.constant 0 : i32
      %add3A_389 = arith.addi %mul3A_387, %add3A_388 : i32
      %jit3A = arith.constant 2 : i32
      %eq3A = arith.constant 0 : i32
      %eq3A_390 = arith.cmpi eq, %jit3A, %eq3A : i32
      %jit3A_391 = arith.constant 1 : i32
      %select_n3A = arith.select %eq3A_390, %jit3A_391, %jit3A : i32
      %rem3A = arith.remsi %add3A_389, %select_n3A : i32
      %ne3A = arith.constant 0 : i32
      %ne3A_392 = arith.cmpi ne, %rem3A, %ne3A : i32
      %lt3A = arith.constant 0 : i32
      %lt3A_393 = arith.cmpi slt, %rem3A, %lt3A : i32
      %lt3A_394 = arith.constant 0 : i32
      %lt3A_395 = arith.cmpi slt, %select_n3A, %lt3A_394 : i32
      %ne3A_396 = arith.xori %lt3A_393, %lt3A_395 : i1
      %and3A = arith.andi %ne3A_396, %ne3A_392 : i1
      %add3A_397 = arith.addi %rem3A, %select_n3A : i32
      %select_n3A_398 = arith.select %and3A, %add3A_397, %rem3A : i32
      %mul3A_399 = arith.constant 256 : i32
      %mul3A_400 = arith.muli %select_n3A_398, %mul3A_399 : i32
      %add3A_401 = arith.addi %mul3A_2, %mul3A_400 : i32
      %jit3A_402 = arith.constant 2 : i32
      %div3A = arith.divsi %add3A_389, %jit3A_402 : i32
      %sign3A = arith.constant 0 : i32
      %sign3A_403 = arith.cmpi sgt, %add3A_389, %sign3A : i32
      %sign3A_404 = arith.extui %sign3A_403 : i1 to i32
      %sign3A_405 = arith.constant 0 : i32
      %sign3A_406 = arith.cmpi slt, %add3A_389, %sign3A_405 : i32
      %sign3A_407 = arith.extui %sign3A_406 : i1 to i32
      %sign3A_408 = arith.subi %sign3A_404, %sign3A_407 : i32
      %sign3A_409 = arith.constant 0 : i32
      %sign3A_410 = arith.cmpi sgt, %jit3A_402, %sign3A_409 : i32
      %sign3A_411 = arith.extui %sign3A_410 : i1 to i32
      %sign3A_412 = arith.constant 0 : i32
      %sign3A_413 = arith.cmpi slt, %jit3A_402, %sign3A_412 : i32
      %sign3A_414 = arith.extui %sign3A_413 : i1 to i32
      %sign3A_415 = arith.subi %sign3A_411, %sign3A_414 : i32
      %ne3A_416 = arith.cmpi ne, %sign3A_408, %sign3A_415 : i32
      %rem3A_417 = arith.remsi %add3A_389, %jit3A_402 : i32
      %ne3A_418 = arith.constant 0 : i32
      %ne3A_419 = arith.cmpi ne, %rem3A_417, %ne3A_418 : i32
      %and3A_420 = arith.andi %ne3A_416, %ne3A_419 : i1
      %sub3A = arith.constant 1 : i32
      %sub3A_421 = arith.subi %div3A, %sub3A : i32
      %select_n3A_422 = arith.select %and3A_420, %sub3A_421, %div3A : i32
      %mul3A_423 = arith.constant 8 : i32
      %mul3A_424 = arith.muli %select_n3A_422, %mul3A_423 : i32
      %add3A_425 = arith.constant 0 : i32
      %add3A_426 = arith.addi %mul3A_424, %add3A_425 : i32
      %add3A_427 = arith.constant 1 : i32
      %add3A_428 = arith.addi %mul3A_424, %add3A_427 : i32
      %add3A_429 = arith.constant 2 : i32
      %add3A_430 = arith.addi %mul3A_424, %add3A_429 : i32
      %add3A_431 = arith.constant 3 : i32
      %add3A_432 = arith.addi %mul3A_424, %add3A_431 : i32
      %add3A_433 = arith.constant 4 : i32
      %add3A_434 = arith.addi %mul3A_424, %add3A_433 : i32
      %add3A_435 = arith.constant 5 : i32
      %add3A_436 = arith.addi %mul3A_424, %add3A_435 : i32
      %add3A_437 = arith.constant 6 : i32
      %add3A_438 = arith.addi %mul3A_424, %add3A_437 : i32
      %add3A_439 = arith.constant 7 : i32
      %add3A_440 = arith.addi %mul3A_424, %add3A_439 : i32
      %dma_wait3A_441 = arith.constant 0 : i32
      %dma_wait3A_442 = tpu.memref_slice %arg6[%dma_wait3A_441] : memref<2048xi32, #tpu.memory_space<vmem>> -> memref<256xi32, #tpu.memory_space<vmem>>
      %dma_wait3A_443 = tpu.memref_slice %arg2[%add3A_426, %add3A_401] : memref<200x16384xi32, #tpu.memory_space<hbm>> -> memref<1x256xi32, #tpu.memory_space<hbm>>
      %dma_wait3A_444 = tpu.memref_squeeze %dma_wait3A_443 : memref<1x256xi32, #tpu.memory_space<hbm>> -> memref<256xi32, #tpu.memory_space<hbm>>
      %dma_wait3A_445 = arith.constant 0 : i32
      %dma_wait3A_446 = tpu.memref_slice %arg6[%dma_wait3A_445] : memref<2048xi32, #tpu.memory_space<vmem>> -> memref<256xi32, #tpu.memory_space<vmem>>
      %dma_wait3A_447 = tpu.memref_slice %arg2[%add3A_426, %add3A_401] : memref<200x16384xi32, #tpu.memory_space<hbm>> -> memref<1x256xi32, #tpu.memory_space<hbm>>
      %dma_wait3A_448 = tpu.memref_squeeze %dma_wait3A_447 : memref<1x256xi32, #tpu.memory_space<hbm>> -> memref<256xi32, #tpu.memory_space<hbm>>
      tpu.wait_dma2 semaphore(%arg10 : memref<!tpu.dma_semaphore, #tpu.memory_space<semaphore_mem>>) src(%dma_wait3A_448 : memref<256xi32, #tpu.memory_space<hbm>>) dst(%dma_wait3A_446 : memref<256xi32, #tpu.memory_space<vmem>>)
      %dma_wait3A_449 = arith.constant 256 : i32
      %dma_wait3A_450 = tpu.memref_slice %arg6[%dma_wait3A_449] : memref<2048xi32, #tpu.memory_space<vmem>> -> memref<256xi32, #tpu.memory_space<vmem>>
      %dma_wait3A_451 = tpu.memref_slice %arg2[%add3A_428, %add3A_401] : memref<200x16384xi32, #tpu.memory_space<hbm>> -> memref<1x256xi32, #tpu.memory_space<hbm>>
      %dma_wait3A_452 = tpu.memref_squeeze %dma_wait3A_451 : memref<1x256xi32, #tpu.memory_space<hbm>> -> memref<256xi32, #tpu.memory_space<hbm>>
      %dma_wait3A_453 = arith.constant 256 : i32
      %dma_wait3A_454 = tpu.memref_slice %arg6[%dma_wait3A_453] : memref<2048xi32, #tpu.memory_space<vmem>> -> memref<256xi32, #tpu.memory_space<vmem>>
      %dma_wait3A_455 = tpu.memref_slice %arg2[%add3A_428, %add3A_401] : memref<200x16384xi32, #tpu.memory_space<hbm>> -> memref<1x256xi32, #tpu.memory_space<hbm>>
      %dma_wait3A_456 = tpu.memref_squeeze %dma_wait3A_455 : memref<1x256xi32, #tpu.memory_space<hbm>> -> memref<256xi32, #tpu.memory_space<hbm>>
      tpu.wait_dma2 semaphore(%arg10 : memref<!tpu.dma_semaphore, #tpu.memory_space<semaphore_mem>>) src(%dma_wait3A_456 : memref<256xi32, #tpu.memory_space<hbm>>) dst(%dma_wait3A_454 : memref<256xi32, #tpu.memory_space<vmem>>)
      %dma_wait3A_457 = arith.constant 512 : i32
      %dma_wait3A_458 = tpu.memref_slice %arg6[%dma_wait3A_457] : memref<2048xi32, #tpu.memory_space<vmem>> -> memref<256xi32, #tpu.memory_space<vmem>>
      %dma_wait3A_459 = tpu.memref_slice %arg2[%add3A_430, %add3A_401] : memref<200x16384xi32, #tpu.memory_space<hbm>> -> memref<1x256xi32, #tpu.memory_space<hbm>>
      %dma_wait3A_460 = tpu.memref_squeeze %dma_wait3A_459 : memref<1x256xi32, #tpu.memory_space<hbm>> -> memref<256xi32, #tpu.memory_space<hbm>>
      %dma_wait3A_461 = arith.constant 512 : i32
      %dma_wait3A_462 = tpu.memref_slice %arg6[%dma_wait3A_461] : memref<2048xi32, #tpu.memory_space<vmem>> -> memref<256xi32, #tpu.memory_space<vmem>>
      %dma_wait3A_463 = tpu.memref_slice %arg2[%add3A_430, %add3A_401] : memref<200x16384xi32, #tpu.memory_space<hbm>> -> memref<1x256xi32, #tpu.memory_space<hbm>>
      %dma_wait3A_464 = tpu.memref_squeeze %dma_wait3A_463 : memref<1x256xi32, #tpu.memory_space<hbm>> -> memref<256xi32, #tpu.memory_space<hbm>>
      tpu.wait_dma2 semaphore(%arg10 : memref<!tpu.dma_semaphore, #tpu.memory_space<semaphore_mem>>) src(%dma_wait3A_464 : memref<256xi32, #tpu.memory_space<hbm>>) dst(%dma_wait3A_462 : memref<256xi32, #tpu.memory_space<vmem>>)
      %dma_wait3A_465 = arith.constant 768 : i32
      %dma_wait3A_466 = tpu.memref_slice %arg6[%dma_wait3A_465] : memref<2048xi32, #tpu.memory_space<vmem>> -> memref<256xi32, #tpu.memory_space<vmem>>
      %dma_wait3A_467 = tpu.memref_slice %arg2[%add3A_432, %add3A_401] : memref<200x16384xi32, #tpu.memory_space<hbm>> -> memref<1x256xi32, #tpu.memory_space<hbm>>
      %dma_wait3A_468 = tpu.memref_squeeze %dma_wait3A_467 : memref<1x256xi32, #tpu.memory_space<hbm>> -> memref<256xi32, #tpu.memory_space<hbm>>
      %dma_wait3A_469 = arith.constant 768 : i32
      %dma_wait3A_470 = tpu.memref_slice %arg6[%dma_wait3A_469] : memref<2048xi32, #tpu.memory_space<vmem>> -> memref<256xi32, #tpu.memory_space<vmem>>
      %dma_wait3A_471 = tpu.memref_slice %arg2[%add3A_432, %add3A_401] : memref<200x16384xi32, #tpu.memory_space<hbm>> -> memref<1x256xi32, #tpu.memory_space<hbm>>
      %dma_wait3A_472 = tpu.memref_squeeze %dma_wait3A_471 : memref<1x256xi32, #tpu.memory_space<hbm>> -> memref<256xi32, #tpu.memory_space<hbm>>
      tpu.wait_dma2 semaphore(%arg10 : memref<!tpu.dma_semaphore, #tpu.memory_space<semaphore_mem>>) src(%dma_wait3A_472 : memref<256xi32, #tpu.memory_space<hbm>>) dst(%dma_wait3A_470 : memref<256xi32, #tpu.memory_space<vmem>>)
      %dma_wait3A_473 = arith.constant 1024 : i32
      %dma_wait3A_474 = tpu.memref_slice %arg6[%dma_wait3A_473] : memref<2048xi32, #tpu.memory_space<vmem>> -> memref<256xi32, #tpu.memory_space<vmem>>
      %dma_wait3A_475 = tpu.memref_slice %arg2[%add3A_434, %add3A_401] : memref<200x16384xi32, #tpu.memory_space<hbm>> -> memref<1x256xi32, #tpu.memory_space<hbm>>
      %dma_wait3A_476 = tpu.memref_squeeze %dma_wait3A_475 : memref<1x256xi32, #tpu.memory_space<hbm>> -> memref<256xi32, #tpu.memory_space<hbm>>
      %dma_wait3A_477 = arith.constant 1024 : i32
      %dma_wait3A_478 = tpu.memref_slice %arg6[%dma_wait3A_477] : memref<2048xi32, #tpu.memory_space<vmem>> -> memref<256xi32, #tpu.memory_space<vmem>>
      %dma_wait3A_479 = tpu.memref_slice %arg2[%add3A_434, %add3A_401] : memref<200x16384xi32, #tpu.memory_space<hbm>> -> memref<1x256xi32, #tpu.memory_space<hbm>>
      %dma_wait3A_480 = tpu.memref_squeeze %dma_wait3A_479 : memref<1x256xi32, #tpu.memory_space<hbm>> -> memref<256xi32, #tpu.memory_space<hbm>>
      tpu.wait_dma2 semaphore(%arg10 : memref<!tpu.dma_semaphore, #tpu.memory_space<semaphore_mem>>) src(%dma_wait3A_480 : memref<256xi32, #tpu.memory_space<hbm>>) dst(%dma_wait3A_478 : memref<256xi32, #tpu.memory_space<vmem>>)
      %dma_wait3A_481 = arith.constant 1280 : i32
      %dma_wait3A_482 = tpu.memref_slice %arg6[%dma_wait3A_481] : memref<2048xi32, #tpu.memory_space<vmem>> -> memref<256xi32, #tpu.memory_space<vmem>>
      %dma_wait3A_483 = tpu.memref_slice %arg2[%add3A_436, %add3A_401] : memref<200x16384xi32, #tpu.memory_space<hbm>> -> memref<1x256xi32, #tpu.memory_space<hbm>>
      %dma_wait3A_484 = tpu.memref_squeeze %dma_wait3A_483 : memref<1x256xi32, #tpu.memory_space<hbm>> -> memref<256xi32, #tpu.memory_space<hbm>>
      %dma_wait3A_485 = arith.constant 1280 : i32
      %dma_wait3A_486 = tpu.memref_slice %arg6[%dma_wait3A_485] : memref<2048xi32, #tpu.memory_space<vmem>> -> memref<256xi32, #tpu.memory_space<vmem>>
      %dma_wait3A_487 = tpu.memref_slice %arg2[%add3A_436, %add3A_401] : memref<200x16384xi32, #tpu.memory_space<hbm>> -> memref<1x256xi32, #tpu.memory_space<hbm>>
      %dma_wait3A_488 = tpu.memref_squeeze %dma_wait3A_487 : memref<1x256xi32, #tpu.memory_space<hbm>> -> memref<256xi32, #tpu.memory_space<hbm>>
      tpu.wait_dma2 semaphore(%arg10 : memref<!tpu.dma_semaphore, #tpu.memory_space<semaphore_mem>>) src(%dma_wait3A_488 : memref<256xi32, #tpu.memory_space<hbm>>) dst(%dma_wait3A_486 : memref<256xi32, #tpu.memory_space<vmem>>)
      %dma_wait3A_489 = arith.constant 1536 : i32
      %dma_wait3A_490 = tpu.memref_slice %arg6[%dma_wait3A_489] : memref<2048xi32, #tpu.memory_space<vmem>> -> memref<256xi32, #tpu.memory_space<vmem>>
      %dma_wait3A_491 = tpu.memref_slice %arg2[%add3A_438, %add3A_401] : memref<200x16384xi32, #tpu.memory_space<hbm>> -> memref<1x256xi32, #tpu.memory_space<hbm>>
      %dma_wait3A_492 = tpu.memref_squeeze %dma_wait3A_491 : memref<1x256xi32, #tpu.memory_space<hbm>> -> memref<256xi32, #tpu.memory_space<hbm>>
      %dma_wait3A_493 = arith.constant 1536 : i32
      %dma_wait3A_494 = tpu.memref_slice %arg6[%dma_wait3A_493] : memref<2048xi32, #tpu.memory_space<vmem>> -> memref<256xi32, #tpu.memory_space<vmem>>
      %dma_wait3A_495 = tpu.memref_slice %arg2[%add3A_438, %add3A_401] : memref<200x16384xi32, #tpu.memory_space<hbm>> -> memref<1x256xi32, #tpu.memory_space<hbm>>
      %dma_wait3A_496 = tpu.memref_squeeze %dma_wait3A_495 : memref<1x256xi32, #tpu.memory_space<hbm>> -> memref<256xi32, #tpu.memory_space<hbm>>
      tpu.wait_dma2 semaphore(%arg10 : memref<!tpu.dma_semaphore, #tpu.memory_space<semaphore_mem>>) src(%dma_wait3A_496 : memref<256xi32, #tpu.memory_space<hbm>>) dst(%dma_wait3A_494 : memref<256xi32, #tpu.memory_space<vmem>>)
      %dma_wait3A_497 = arith.constant 1792 : i32
      %dma_wait3A_498 = tpu.memref_slice %arg6[%dma_wait3A_497] : memref<2048xi32, #tpu.memory_space<vmem>> -> memref<256xi32, #tpu.memory_space<vmem>>
      %dma_wait3A_499 = tpu.memref_slice %arg2[%add3A_440, %add3A_401] : memref<200x16384xi32, #tpu.memory_space<hbm>> -> memref<1x256xi32, #tpu.memory_space<hbm>>
      %dma_wait3A_500 = tpu.memref_squeeze %dma_wait3A_499 : memref<1x256xi32, #tpu.memory_space<hbm>> -> memref<256xi32, #tpu.memory_space<hbm>>
      %dma_wait3A_501 = arith.constant 1792 : i32
      %dma_wait3A_502 = tpu.memref_slice %arg6[%dma_wait3A_501] : memref<2048xi32, #tpu.memory_space<vmem>> -> memref<256xi32, #tpu.memory_space<vmem>>
      %dma_wait3A_503 = tpu.memref_slice %arg2[%add3A_440, %add3A_401] : memref<200x16384xi32, #tpu.memory_space<hbm>> -> memref<1x256xi32, #tpu.memory_space<hbm>>
      %dma_wait3A_504 = tpu.memref_squeeze %dma_wait3A_503 : memref<1x256xi32, #tpu.memory_space<hbm>> -> memref<256xi32, #tpu.memory_space<hbm>>
      tpu.wait_dma2 semaphore(%arg10 : memref<!tpu.dma_semaphore, #tpu.memory_space<semaphore_mem>>) src(%dma_wait3A_504 : memref<256xi32, #tpu.memory_space<hbm>>) dst(%dma_wait3A_502 : memref<256xi32, #tpu.memory_space<vmem>>)
      %ge3A = arith.constant 1 : i32
      %ge3A_505 = arith.cmpi sge, %scan3A_385, %ge3A : i32
      %convert_element_type3A = arith.extui %ge3A_505 : i1 to i32
      %cond3A = arith.constant 0 : i32
      %cond3A_506 = arith.cmpi ne, %convert_element_type3A, %cond3A : i32
      scf.if %cond3A_506 {
        %sub3A_969 = arith.constant 2 : i32
        %sub3A_970 = arith.subi %add3A_389, %sub3A_969 : i32
        %jit3A_971 = arith.constant 2 : i32
        %eq3A_972 = arith.constant 0 : i32
        %eq3A_973 = arith.cmpi eq, %jit3A_971, %eq3A_972 : i32
        %jit3A_974 = arith.constant 1 : i32
        %select_n3A_975 = arith.select %eq3A_973, %jit3A_974, %jit3A_971 : i32
        %rem3A_976 = arith.remsi %sub3A_970, %select_n3A_975 : i32
        %ne3A_977 = arith.constant 0 : i32
        %ne3A_978 = arith.cmpi ne, %rem3A_976, %ne3A_977 : i32
        %lt3A_979 = arith.constant 0 : i32
        %lt3A_980 = arith.cmpi slt, %rem3A_976, %lt3A_979 : i32
        %lt3A_981 = arith.constant 0 : i32
        %lt3A_982 = arith.cmpi slt, %select_n3A_975, %lt3A_981 : i32
        %ne3A_983 = arith.xori %lt3A_980, %lt3A_982 : i1
        %and3A_984 = arith.andi %ne3A_983, %ne3A_978 : i1
        %add3A_985 = arith.addi %rem3A_976, %select_n3A_975 : i32
        %select_n3A_986 = arith.select %and3A_984, %add3A_985, %rem3A_976 : i32
        %mul3A_987 = arith.constant 256 : i32
        %mul3A_988 = arith.muli %select_n3A_986, %mul3A_987 : i32
        %add3A_989 = arith.addi %mul3A_2, %mul3A_988 : i32
        %jit3A_990 = arith.constant 2 : i32
        %div3A_991 = arith.divsi %sub3A_970, %jit3A_990 : i32
        %sign3A_992 = arith.constant 0 : i32
        %sign3A_993 = arith.cmpi sgt, %sub3A_970, %sign3A_992 : i32
        %sign3A_994 = arith.extui %sign3A_993 : i1 to i32
        %sign3A_995 = arith.constant 0 : i32
        %sign3A_996 = arith.cmpi slt, %sub3A_970, %sign3A_995 : i32
        %sign3A_997 = arith.extui %sign3A_996 : i1 to i32
        %sign3A_998 = arith.subi %sign3A_994, %sign3A_997 : i32
        %sign3A_999 = arith.constant 0 : i32
        %sign3A_1000 = arith.cmpi sgt, %jit3A_990, %sign3A_999 : i32
        %sign3A_1001 = arith.extui %sign3A_1000 : i1 to i32
        %sign3A_1002 = arith.constant 0 : i32
        %sign3A_1003 = arith.cmpi slt, %jit3A_990, %sign3A_1002 : i32
        %sign3A_1004 = arith.extui %sign3A_1003 : i1 to i32
        %sign3A_1005 = arith.subi %sign3A_1001, %sign3A_1004 : i32
        %ne3A_1006 = arith.cmpi ne, %sign3A_998, %sign3A_1005 : i32
        %rem3A_1007 = arith.remsi %sub3A_970, %jit3A_990 : i32
        %ne3A_1008 = arith.constant 0 : i32
        %ne3A_1009 = arith.cmpi ne, %rem3A_1007, %ne3A_1008 : i32
        %and3A_1010 = arith.andi %ne3A_1006, %ne3A_1009 : i1
        %sub3A_1011 = arith.constant 1 : i32
        %sub3A_1012 = arith.subi %div3A_991, %sub3A_1011 : i32
        %select_n3A_1013 = arith.select %and3A_1010, %sub3A_1012, %div3A_991 : i32
        %mul3A_1014 = arith.constant 8 : i32
        %mul3A_1015 = arith.muli %select_n3A_1013, %mul3A_1014 : i32
        %add3A_1016 = arith.constant 0 : i32
        %add3A_1017 = arith.addi %mul3A_1015, %add3A_1016 : i32
        %add3A_1018 = arith.constant 1 : i32
        %add3A_1019 = arith.addi %mul3A_1015, %add3A_1018 : i32
        %add3A_1020 = arith.constant 2 : i32
        %add3A_1021 = arith.addi %mul3A_1015, %add3A_1020 : i32
        %add3A_1022 = arith.constant 3 : i32
        %add3A_1023 = arith.addi %mul3A_1015, %add3A_1022 : i32
        %add3A_1024 = arith.constant 4 : i32
        %add3A_1025 = arith.addi %mul3A_1015, %add3A_1024 : i32
        %add3A_1026 = arith.constant 5 : i32
        %add3A_1027 = arith.addi %mul3A_1015, %add3A_1026 : i32
        %add3A_1028 = arith.constant 6 : i32
        %add3A_1029 = arith.addi %mul3A_1015, %add3A_1028 : i32
        %add3A_1030 = arith.constant 7 : i32
        %add3A_1031 = arith.addi %mul3A_1015, %add3A_1030 : i32
        %dma_wait3A_1032 = arith.constant 0 : i32
        %dma_wait3A_1033 = arith.constant 0 : i32
        %dma_wait3A_1034 = tpu.memref_slice %arg8[%dma_wait3A_1032, %dma_wait3A_1033] : memref<10x2048xf32, #tpu.memory_space<vmem>> -> memref<10x256xf32, #tpu.memory_space<vmem>>
        %dma_wait3A_1035 = arith.constant 0 : i32
        %dma_wait3A_1036 = tpu.memref_slice %arg4[%dma_wait3A_1035, %add3A_1017, %add3A_989] : memref<10x200x16384xf32, #tpu.memory_space<hbm>> -> memref<10x1x256xf32, #tpu.memory_space<hbm>>
        %dma_wait3A_1037 = tpu.memref_squeeze %dma_wait3A_1036 : memref<10x1x256xf32, #tpu.memory_space<hbm>> -> memref<10x256xf32, #tpu.memory_space<hbm>>
        %dma_wait3A_1038 = arith.constant 0 : i32
        %dma_wait3A_1039 = tpu.memref_slice %arg4[%dma_wait3A_1038, %add3A_1017, %add3A_989] : memref<10x200x16384xf32, #tpu.memory_space<hbm>> -> memref<10x1x256xf32, #tpu.memory_space<hbm>>
        %dma_wait3A_1040 = tpu.memref_squeeze %dma_wait3A_1039 : memref<10x1x256xf32, #tpu.memory_space<hbm>> -> memref<10x256xf32, #tpu.memory_space<hbm>>
        %dma_wait3A_1041 = arith.constant 0 : i32
        %dma_wait3A_1042 = arith.constant 0 : i32
        %dma_wait3A_1043 = tpu.memref_slice %arg8[%dma_wait3A_1041, %dma_wait3A_1042] : memref<10x2048xf32, #tpu.memory_space<vmem>> -> memref<10x256xf32, #tpu.memory_space<vmem>>
        tpu.wait_dma2 semaphore(%arg12 : memref<!tpu.dma_semaphore, #tpu.memory_space<semaphore_mem>>) src(%dma_wait3A_1043 : memref<10x256xf32, #tpu.memory_space<vmem>>) dst(%dma_wait3A_1040 : memref<10x256xf32, #tpu.memory_space<hbm>>)
        %dma_wait3A_1044 = arith.constant 0 : i32
        %dma_wait3A_1045 = arith.constant 256 : i32
        %dma_wait3A_1046 = tpu.memref_slice %arg8[%dma_wait3A_1044, %dma_wait3A_1045] : memref<10x2048xf32, #tpu.memory_space<vmem>> -> memref<10x256xf32, #tpu.memory_space<vmem>>
        %dma_wait3A_1047 = arith.constant 0 : i32
        %dma_wait3A_1048 = tpu.memref_slice %arg4[%dma_wait3A_1047, %add3A_1019, %add3A_989] : memref<10x200x16384xf32, #tpu.memory_space<hbm>> -> memref<10x1x256xf32, #tpu.memory_space<hbm>>
        %dma_wait3A_1049 = tpu.memref_squeeze %dma_wait3A_1048 : memref<10x1x256xf32, #tpu.memory_space<hbm>> -> memref<10x256xf32, #tpu.memory_space<hbm>>
        %dma_wait3A_1050 = arith.constant 0 : i32
        %dma_wait3A_1051 = tpu.memref_slice %arg4[%dma_wait3A_1050, %add3A_1019, %add3A_989] : memref<10x200x16384xf32, #tpu.memory_space<hbm>> -> memref<10x1x256xf32, #tpu.memory_space<hbm>>
        %dma_wait3A_1052 = tpu.memref_squeeze %dma_wait3A_1051 : memref<10x1x256xf32, #tpu.memory_space<hbm>> -> memref<10x256xf32, #tpu.memory_space<hbm>>
        %dma_wait3A_1053 = arith.constant 0 : i32
        %dma_wait3A_1054 = arith.constant 256 : i32
        %dma_wait3A_1055 = tpu.memref_slice %arg8[%dma_wait3A_1053, %dma_wait3A_1054] : memref<10x2048xf32, #tpu.memory_space<vmem>> -> memref<10x256xf32, #tpu.memory_space<vmem>>
        tpu.wait_dma2 semaphore(%arg12 : memref<!tpu.dma_semaphore, #tpu.memory_space<semaphore_mem>>) src(%dma_wait3A_1055 : memref<10x256xf32, #tpu.memory_space<vmem>>) dst(%dma_wait3A_1052 : memref<10x256xf32, #tpu.memory_space<hbm>>)
        %dma_wait3A_1056 = arith.constant 0 : i32
        %dma_wait3A_1057 = arith.constant 512 : i32
        %dma_wait3A_1058 = tpu.memref_slice %arg8[%dma_wait3A_1056, %dma_wait3A_1057] : memref<10x2048xf32, #tpu.memory_space<vmem>> -> memref<10x256xf32, #tpu.memory_space<vmem>>
        %dma_wait3A_1059 = arith.constant 0 : i32
        %dma_wait3A_1060 = tpu.memref_slice %arg4[%dma_wait3A_1059, %add3A_1021, %add3A_989] : memref<10x200x16384xf32, #tpu.memory_space<hbm>> -> memref<10x1x256xf32, #tpu.memory_space<hbm>>
        %dma_wait3A_1061 = tpu.memref_squeeze %dma_wait3A_1060 : memref<10x1x256xf32, #tpu.memory_space<hbm>> -> memref<10x256xf32, #tpu.memory_space<hbm>>
        %dma_wait3A_1062 = arith.constant 0 : i32
        %dma_wait3A_1063 = tpu.memref_slice %arg4[%dma_wait3A_1062, %add3A_1021, %add3A_989] : memref<10x200x16384xf32, #tpu.memory_space<hbm>> -> memref<10x1x256xf32, #tpu.memory_space<hbm>>
        %dma_wait3A_1064 = tpu.memref_squeeze %dma_wait3A_1063 : memref<10x1x256xf32, #tpu.memory_space<hbm>> -> memref<10x256xf32, #tpu.memory_space<hbm>>
        %dma_wait3A_1065 = arith.constant 0 : i32
        %dma_wait3A_1066 = arith.constant 512 : i32
        %dma_wait3A_1067 = tpu.memref_slice %arg8[%dma_wait3A_1065, %dma_wait3A_1066] : memref<10x2048xf32, #tpu.memory_space<vmem>> -> memref<10x256xf32, #tpu.memory_space<vmem>>
        tpu.wait_dma2 semaphore(%arg12 : memref<!tpu.dma_semaphore, #tpu.memory_space<semaphore_mem>>) src(%dma_wait3A_1067 : memref<10x256xf32, #tpu.memory_space<vmem>>) dst(%dma_wait3A_1064 : memref<10x256xf32, #tpu.memory_space<hbm>>)
        %dma_wait3A_1068 = arith.constant 0 : i32
        %dma_wait3A_1069 = arith.constant 768 : i32
        %dma_wait3A_1070 = tpu.memref_slice %arg8[%dma_wait3A_1068, %dma_wait3A_1069] : memref<10x2048xf32, #tpu.memory_space<vmem>> -> memref<10x256xf32, #tpu.memory_space<vmem>>
        %dma_wait3A_1071 = arith.constant 0 : i32
        %dma_wait3A_1072 = tpu.memref_slice %arg4[%dma_wait3A_1071, %add3A_1023, %add3A_989] : memref<10x200x16384xf32, #tpu.memory_space<hbm>> -> memref<10x1x256xf32, #tpu.memory_space<hbm>>
        %dma_wait3A_1073 = tpu.memref_squeeze %dma_wait3A_1072 : memref<10x1x256xf32, #tpu.memory_space<hbm>> -> memref<10x256xf32, #tpu.memory_space<hbm>>
        %dma_wait3A_1074 = arith.constant 0 : i32
        %dma_wait3A_1075 = tpu.memref_slice %arg4[%dma_wait3A_1074, %add3A_1023, %add3A_989] : memref<10x200x16384xf32, #tpu.memory_space<hbm>> -> memref<10x1x256xf32, #tpu.memory_space<hbm>>
        %dma_wait3A_1076 = tpu.memref_squeeze %dma_wait3A_1075 : memref<10x1x256xf32, #tpu.memory_space<hbm>> -> memref<10x256xf32, #tpu.memory_space<hbm>>
        %dma_wait3A_1077 = arith.constant 0 : i32
        %dma_wait3A_1078 = arith.constant 768 : i32
        %dma_wait3A_1079 = tpu.memref_slice %arg8[%dma_wait3A_1077, %dma_wait3A_1078] : memref<10x2048xf32, #tpu.memory_space<vmem>> -> memref<10x256xf32, #tpu.memory_space<vmem>>
        tpu.wait_dma2 semaphore(%arg12 : memref<!tpu.dma_semaphore, #tpu.memory_space<semaphore_mem>>) src(%dma_wait3A_1079 : memref<10x256xf32, #tpu.memory_space<vmem>>) dst(%dma_wait3A_1076 : memref<10x256xf32, #tpu.memory_space<hbm>>)
        %dma_wait3A_1080 = arith.constant 0 : i32
        %dma_wait3A_1081 = arith.constant 1024 : i32
        %dma_wait3A_1082 = tpu.memref_slice %arg8[%dma_wait3A_1080, %dma_wait3A_1081] : memref<10x2048xf32, #tpu.memory_space<vmem>> -> memref<10x256xf32, #tpu.memory_space<vmem>>
        %dma_wait3A_1083 = arith.constant 0 : i32
        %dma_wait3A_1084 = tpu.memref_slice %arg4[%dma_wait3A_1083, %add3A_1025, %add3A_989] : memref<10x200x16384xf32, #tpu.memory_space<hbm>> -> memref<10x1x256xf32, #tpu.memory_space<hbm>>
        %dma_wait3A_1085 = tpu.memref_squeeze %dma_wait3A_1084 : memref<10x1x256xf32, #tpu.memory_space<hbm>> -> memref<10x256xf32, #tpu.memory_space<hbm>>
        %dma_wait3A_1086 = arith.constant 0 : i32
        %dma_wait3A_1087 = tpu.memref_slice %arg4[%dma_wait3A_1086, %add3A_1025, %add3A_989] : memref<10x200x16384xf32, #tpu.memory_space<hbm>> -> memref<10x1x256xf32, #tpu.memory_space<hbm>>
        %dma_wait3A_1088 = tpu.memref_squeeze %dma_wait3A_1087 : memref<10x1x256xf32, #tpu.memory_space<hbm>> -> memref<10x256xf32, #tpu.memory_space<hbm>>
        %dma_wait3A_1089 = arith.constant 0 : i32
        %dma_wait3A_1090 = arith.constant 1024 : i32
        %dma_wait3A_1091 = tpu.memref_slice %arg8[%dma_wait3A_1089, %dma_wait3A_1090] : memref<10x2048xf32, #tpu.memory_space<vmem>> -> memref<10x256xf32, #tpu.memory_space<vmem>>
        tpu.wait_dma2 semaphore(%arg12 : memref<!tpu.dma_semaphore, #tpu.memory_space<semaphore_mem>>) src(%dma_wait3A_1091 : memref<10x256xf32, #tpu.memory_space<vmem>>) dst(%dma_wait3A_1088 : memref<10x256xf32, #tpu.memory_space<hbm>>)
        %dma_wait3A_1092 = arith.constant 0 : i32
        %dma_wait3A_1093 = arith.constant 1280 : i32
        %dma_wait3A_1094 = tpu.memref_slice %arg8[%dma_wait3A_1092, %dma_wait3A_1093] : memref<10x2048xf32, #tpu.memory_space<vmem>> -> memref<10x256xf32, #tpu.memory_space<vmem>>
        %dma_wait3A_1095 = arith.constant 0 : i32
        %dma_wait3A_1096 = tpu.memref_slice %arg4[%dma_wait3A_1095, %add3A_1027, %add3A_989] : memref<10x200x16384xf32, #tpu.memory_space<hbm>> -> memref<10x1x256xf32, #tpu.memory_space<hbm>>
        %dma_wait3A_1097 = tpu.memref_squeeze %dma_wait3A_1096 : memref<10x1x256xf32, #tpu.memory_space<hbm>> -> memref<10x256xf32, #tpu.memory_space<hbm>>
        %dma_wait3A_1098 = arith.constant 0 : i32
        %dma_wait3A_1099 = tpu.memref_slice %arg4[%dma_wait3A_1098, %add3A_1027, %add3A_989] : memref<10x200x16384xf32, #tpu.memory_space<hbm>> -> memref<10x1x256xf32, #tpu.memory_space<hbm>>
        %dma_wait3A_1100 = tpu.memref_squeeze %dma_wait3A_1099 : memref<10x1x256xf32, #tpu.memory_space<hbm>> -> memref<10x256xf32, #tpu.memory_space<hbm>>
        %dma_wait3A_1101 = arith.constant 0 : i32
        %dma_wait3A_1102 = arith.constant 1280 : i32
        %dma_wait3A_1103 = tpu.memref_slice %arg8[%dma_wait3A_1101, %dma_wait3A_1102] : memref<10x2048xf32, #tpu.memory_space<vmem>> -> memref<10x256xf32, #tpu.memory_space<vmem>>
        tpu.wait_dma2 semaphore(%arg12 : memref<!tpu.dma_semaphore, #tpu.memory_space<semaphore_mem>>) src(%dma_wait3A_1103 : memref<10x256xf32, #tpu.memory_space<vmem>>) dst(%dma_wait3A_1100 : memref<10x256xf32, #tpu.memory_space<hbm>>)
        %dma_wait3A_1104 = arith.constant 0 : i32
        %dma_wait3A_1105 = arith.constant 1536 : i32
        %dma_wait3A_1106 = tpu.memref_slice %arg8[%dma_wait3A_1104, %dma_wait3A_1105] : memref<10x2048xf32, #tpu.memory_space<vmem>> -> memref<10x256xf32, #tpu.memory_space<vmem>>
        %dma_wait3A_1107 = arith.constant 0 : i32
        %dma_wait3A_1108 = tpu.memref_slice %arg4[%dma_wait3A_1107, %add3A_1029, %add3A_989] : memref<10x200x16384xf32, #tpu.memory_space<hbm>> -> memref<10x1x256xf32, #tpu.memory_space<hbm>>
        %dma_wait3A_1109 = tpu.memref_squeeze %dma_wait3A_1108 : memref<10x1x256xf32, #tpu.memory_space<hbm>> -> memref<10x256xf32, #tpu.memory_space<hbm>>
        %dma_wait3A_1110 = arith.constant 0 : i32
        %dma_wait3A_1111 = tpu.memref_slice %arg4[%dma_wait3A_1110, %add3A_1029, %add3A_989] : memref<10x200x16384xf32, #tpu.memory_space<hbm>> -> memref<10x1x256xf32, #tpu.memory_space<hbm>>
        %dma_wait3A_1112 = tpu.memref_squeeze %dma_wait3A_1111 : memref<10x1x256xf32, #tpu.memory_space<hbm>> -> memref<10x256xf32, #tpu.memory_space<hbm>>
        %dma_wait3A_1113 = arith.constant 0 : i32
        %dma_wait3A_1114 = arith.constant 1536 : i32
        %dma_wait3A_1115 = tpu.memref_slice %arg8[%dma_wait3A_1113, %dma_wait3A_1114] : memref<10x2048xf32, #tpu.memory_space<vmem>> -> memref<10x256xf32, #tpu.memory_space<vmem>>
        tpu.wait_dma2 semaphore(%arg12 : memref<!tpu.dma_semaphore, #tpu.memory_space<semaphore_mem>>) src(%dma_wait3A_1115 : memref<10x256xf32, #tpu.memory_space<vmem>>) dst(%dma_wait3A_1112 : memref<10x256xf32, #tpu.memory_space<hbm>>)
        %dma_wait3A_1116 = arith.constant 0 : i32
        %dma_wait3A_1117 = arith.constant 1792 : i32
        %dma_wait3A_1118 = tpu.memref_slice %arg8[%dma_wait3A_1116, %dma_wait3A_1117] : memref<10x2048xf32, #tpu.memory_space<vmem>> -> memref<10x256xf32, #tpu.memory_space<vmem>>
        %dma_wait3A_1119 = arith.constant 0 : i32
        %dma_wait3A_1120 = tpu.memref_slice %arg4[%dma_wait3A_1119, %add3A_1031, %add3A_989] : memref<10x200x16384xf32, #tpu.memory_space<hbm>> -> memref<10x1x256xf32, #tpu.memory_space<hbm>>
        %dma_wait3A_1121 = tpu.memref_squeeze %dma_wait3A_1120 : memref<10x1x256xf32, #tpu.memory_space<hbm>> -> memref<10x256xf32, #tpu.memory_space<hbm>>
        %dma_wait3A_1122 = arith.constant 0 : i32
        %dma_wait3A_1123 = tpu.memref_slice %arg4[%dma_wait3A_1122, %add3A_1031, %add3A_989] : memref<10x200x16384xf32, #tpu.memory_space<hbm>> -> memref<10x1x256xf32, #tpu.memory_space<hbm>>
        %dma_wait3A_1124 = tpu.memref_squeeze %dma_wait3A_1123 : memref<10x1x256xf32, #tpu.memory_space<hbm>> -> memref<10x256xf32, #tpu.memory_space<hbm>>
        %dma_wait3A_1125 = arith.constant 0 : i32
        %dma_wait3A_1126 = arith.constant 1792 : i32
        %dma_wait3A_1127 = tpu.memref_slice %arg8[%dma_wait3A_1125, %dma_wait3A_1126] : memref<10x2048xf32, #tpu.memory_space<vmem>> -> memref<10x256xf32, #tpu.memory_space<vmem>>
        tpu.wait_dma2 semaphore(%arg12 : memref<!tpu.dma_semaphore, #tpu.memory_space<semaphore_mem>>) src(%dma_wait3A_1127 : memref<10x256xf32, #tpu.memory_space<vmem>>) dst(%dma_wait3A_1124 : memref<10x256xf32, #tpu.memory_space<hbm>>)
      } else {
      }
      %parallel_loop3A = arith.constant 0 : i32
      %parallel_loop3A_507 = arith.constant 128 : i32
      %parallel_loop3A_508 = arith.constant 1 : i32
      scf.for %parallel_loop3A_969 = %parallel_loop3A to %parallel_loop3A_507 step %parallel_loop3A_508  : i32 {
        %parallel_loop3A_970 = arith.constant 16 : i32
        %parallel_loop3A_971 = arith.muli %parallel_loop3A_969, %parallel_loop3A_970 : i32
        %parallel_loop3A_972 = arith.index_cast %parallel_loop3A_971 : i32 to index
        %parallel_loop3A_973 = tpu.vector_load %arg6[%parallel_loop3A_972] {strides = array<i32>} : memref<2048xi32, #tpu.memory_space<vmem>>, vector<16xi32>,
        %parallel_loop3A_974 = tpu.vector_load_idx %arg5[%broadcast_in_dim3A_3, %parallel_loop3A_973] : memref<16x1024xf32, #tpu.memory_space<vmem>>[vector<16xi32>, vector<16xi32>], vector<16xf32>,
        %parallel_loop3A_975 = tpu.vector_load_idx %arg5[%broadcast_in_dim3A_5, %parallel_loop3A_973] : memref<16x1024xf32, #tpu.memory_space<vmem>>[vector<16xi32>, vector<16xi32>], vector<16xf32>,
        %parallel_loop3A_976 = tpu.vector_load_idx %arg5[%broadcast_in_dim3A_7, %parallel_loop3A_973] : memref<16x1024xf32, #tpu.memory_space<vmem>>[vector<16xi32>, vector<16xi32>], vector<16xf32>,
        %parallel_loop3A_977 = tpu.vector_load_idx %arg5[%broadcast_in_dim3A_9, %parallel_loop3A_973] : memref<16x1024xf32, #tpu.memory_space<vmem>>[vector<16xi32>, vector<16xi32>], vector<16xf32>,
        %parallel_loop3A_978 = tpu.vector_load_idx %arg5[%broadcast_in_dim3A_11, %parallel_loop3A_973] : memref<16x1024xf32, #tpu.memory_space<vmem>>[vector<16xi32>, vector<16xi32>], vector<16xf32>,
        %parallel_loop3A_979 = tpu.vector_load_idx %arg5[%broadcast_in_dim3A_13, %parallel_loop3A_973] : memref<16x1024xf32, #tpu.memory_space<vmem>>[vector<16xi32>, vector<16xi32>], vector<16xf32>,
        %parallel_loop3A_980 = tpu.vector_load_idx %arg5[%broadcast_in_dim3A_15, %parallel_loop3A_973] : memref<16x1024xf32, #tpu.memory_space<vmem>>[vector<16xi32>, vector<16xi32>], vector<16xf32>,
        %parallel_loop3A_981 = tpu.vector_load_idx %arg5[%broadcast_in_dim3A_17, %parallel_loop3A_973] : memref<16x1024xf32, #tpu.memory_space<vmem>>[vector<16xi32>, vector<16xi32>], vector<16xf32>,
        %parallel_loop3A_982 = tpu.vector_load_idx %arg5[%broadcast_in_dim3A_19, %parallel_loop3A_973] : memref<16x1024xf32, #tpu.memory_space<vmem>>[vector<16xi32>, vector<16xi32>], vector<16xf32>,
        %parallel_loop3A_983 = tpu.vector_load_idx %arg5[%broadcast_in_dim3A_21, %parallel_loop3A_973] : memref<16x1024xf32, #tpu.memory_space<vmem>>[vector<16xi32>, vector<16xi32>], vector<16xf32>,
        %parallel_loop3A_984 = arith.constant 0 : i32
        %parallel_loop3A_985 = arith.index_cast %parallel_loop3A_984 : i32 to index
        %parallel_loop3A_986 = arith.index_cast %parallel_loop3A_971 : i32 to index
        %parallel_loop3A_987 = tpu.vector_load %arg8[%parallel_loop3A_985, %parallel_loop3A_986] {strides = array<i32>} : memref<10x2048xf32, #tpu.memory_space<vmem>>, vector<16xf32>,
        tpu.vector_store %arg8[%parallel_loop3A_985, %parallel_loop3A_986], %parallel_loop3A_974 {strides = array<i32>} : memref<10x2048xf32, #tpu.memory_space<vmem>>, vector<16xf32>,
        %parallel_loop3A_988 = arith.constant 1 : i32
        %parallel_loop3A_989 = arith.index_cast %parallel_loop3A_988 : i32 to index
        %parallel_loop3A_990 = arith.index_cast %parallel_loop3A_971 : i32 to index
        %parallel_loop3A_991 = tpu.vector_load %arg8[%parallel_loop3A_989, %parallel_loop3A_990] {strides = array<i32>} : memref<10x2048xf32, #tpu.memory_space<vmem>>, vector<16xf32>,
        tpu.vector_store %arg8[%parallel_loop3A_989, %parallel_loop3A_990], %parallel_loop3A_975 {strides = array<i32>} : memref<10x2048xf32, #tpu.memory_space<vmem>>, vector<16xf32>,
        %parallel_loop3A_992 = arith.constant 2 : i32
        %parallel_loop3A_993 = arith.index_cast %parallel_loop3A_992 : i32 to index
        %parallel_loop3A_994 = arith.index_cast %parallel_loop3A_971 : i32 to index
        %parallel_loop3A_995 = tpu.vector_load %arg8[%parallel_loop3A_993, %parallel_loop3A_994] {strides = array<i32>} : memref<10x2048xf32, #tpu.memory_space<vmem>>, vector<16xf32>,
        tpu.vector_store %arg8[%parallel_loop3A_993, %parallel_loop3A_994], %parallel_loop3A_976 {strides = array<i32>} : memref<10x2048xf32, #tpu.memory_space<vmem>>, vector<16xf32>,
        %parallel_loop3A_996 = arith.constant 3 : i32
        %parallel_loop3A_997 = arith.index_cast %parallel_loop3A_996 : i32 to index
        %parallel_loop3A_998 = arith.index_cast %parallel_loop3A_971 : i32 to index
        %parallel_loop3A_999 = tpu.vector_load %arg8[%parallel_loop3A_997, %parallel_loop3A_998] {strides = array<i32>} : memref<10x2048xf32, #tpu.memory_space<vmem>>, vector<16xf32>,
        tpu.vector_store %arg8[%parallel_loop3A_997, %parallel_loop3A_998], %parallel_loop3A_977 {strides = array<i32>} : memref<10x2048xf32, #tpu.memory_space<vmem>>, vector<16xf32>,
        %parallel_loop3A_1000 = arith.constant 4 : i32
        %parallel_loop3A_1001 = arith.index_cast %parallel_loop3A_1000 : i32 to index
        %parallel_loop3A_1002 = arith.index_cast %parallel_loop3A_971 : i32 to index
        %parallel_loop3A_1003 = tpu.vector_load %arg8[%parallel_loop3A_1001, %parallel_loop3A_1002] {strides = array<i32>} : memref<10x2048xf32, #tpu.memory_space<vmem>>, vector<16xf32>,
        tpu.vector_store %arg8[%parallel_loop3A_1001, %parallel_loop3A_1002], %parallel_loop3A_978 {strides = array<i32>} : memref<10x2048xf32, #tpu.memory_space<vmem>>, vector<16xf32>,
        %parallel_loop3A_1004 = arith.constant 5 : i32
        %parallel_loop3A_1005 = arith.index_cast %parallel_loop3A_1004 : i32 to index
        %parallel_loop3A_1006 = arith.index_cast %parallel_loop3A_971 : i32 to index
        %parallel_loop3A_1007 = tpu.vector_load %arg8[%parallel_loop3A_1005, %parallel_loop3A_1006] {strides = array<i32>} : memref<10x2048xf32, #tpu.memory_space<vmem>>, vector<16xf32>,
        tpu.vector_store %arg8[%parallel_loop3A_1005, %parallel_loop3A_1006], %parallel_loop3A_979 {strides = array<i32>} : memref<10x2048xf32, #tpu.memory_space<vmem>>, vector<16xf32>,
        %parallel_loop3A_1008 = arith.constant 6 : i32
        %parallel_loop3A_1009 = arith.index_cast %parallel_loop3A_1008 : i32 to index
        %parallel_loop3A_1010 = arith.index_cast %parallel_loop3A_971 : i32 to index
        %parallel_loop3A_1011 = tpu.vector_load %arg8[%parallel_loop3A_1009, %parallel_loop3A_1010] {strides = array<i32>} : memref<10x2048xf32, #tpu.memory_space<vmem>>, vector<16xf32>,
        tpu.vector_store %arg8[%parallel_loop3A_1009, %parallel_loop3A_1010], %parallel_loop3A_980 {strides = array<i32>} : memref<10x2048xf32, #tpu.memory_space<vmem>>, vector<16xf32>,
        %parallel_loop3A_1012 = arith.constant 7 : i32
        %parallel_loop3A_1013 = arith.index_cast %parallel_loop3A_1012 : i32 to index
        %parallel_loop3A_1014 = arith.index_cast %parallel_loop3A_971 : i32 to index
        %parallel_loop3A_1015 = tpu.vector_load %arg8[%parallel_loop3A_1013, %parallel_loop3A_1014] {strides = array<i32>} : memref<10x2048xf32, #tpu.memory_space<vmem>>, vector<16xf32>,
        tpu.vector_store %arg8[%parallel_loop3A_1013, %parallel_loop3A_1014], %parallel_loop3A_981 {strides = array<i32>} : memref<10x2048xf32, #tpu.memory_space<vmem>>, vector<16xf32>,
        %parallel_loop3A_1016 = arith.constant 8 : i32
        %parallel_loop3A_1017 = arith.index_cast %parallel_loop3A_1016 : i32 to index
        %parallel_loop3A_1018 = arith.index_cast %parallel_loop3A_971 : i32 to index
        %parallel_loop3A_1019 = tpu.vector_load %arg8[%parallel_loop3A_1017, %parallel_loop3A_1018] {strides = array<i32>} : memref<10x2048xf32, #tpu.memory_space<vmem>>, vector<16xf32>,
        tpu.vector_store %arg8[%parallel_loop3A_1017, %parallel_loop3A_1018], %parallel_loop3A_982 {strides = array<i32>} : memref<10x2048xf32, #tpu.memory_space<vmem>>, vector<16xf32>,
        %parallel_loop3A_1020 = arith.constant 9 : i32
        %parallel_loop3A_1021 = arith.index_cast %parallel_loop3A_1020 : i32 to index
        %parallel_loop3A_1022 = arith.index_cast %parallel_loop3A_971 : i32 to index
        %parallel_loop3A_1023 = tpu.vector_load %arg8[%parallel_loop3A_1021, %parallel_loop3A_1022] {strides = array<i32>} : memref<10x2048xf32, #tpu.memory_space<vmem>>, vector<16xf32>,
        tpu.vector_store %arg8[%parallel_loop3A_1021, %parallel_loop3A_1022], %parallel_loop3A_983 {strides = array<i32>} : memref<10x2048xf32, #tpu.memory_space<vmem>>, vector<16xf32>,
      } {sc.loop_unroll_factor = 2 : i64, sc.parallel_access}
      %jit3A_509 = arith.constant 2 : i32
      %eq3A_510 = arith.constant 0 : i32
      %eq3A_511 = arith.cmpi eq, %jit3A_509, %eq3A_510 : i32
      %jit3A_512 = arith.constant 1 : i32
      %select_n3A_513 = arith.select %eq3A_511, %jit3A_512, %jit3A_509 : i32
      %rem3A_514 = arith.remsi %add3A_389, %select_n3A_513 : i32
      %ne3A_515 = arith.constant 0 : i32
      %ne3A_516 = arith.cmpi ne, %rem3A_514, %ne3A_515 : i32
      %lt3A_517 = arith.constant 0 : i32
      %lt3A_518 = arith.cmpi slt, %rem3A_514, %lt3A_517 : i32
      %lt3A_519 = arith.constant 0 : i32
      %lt3A_520 = arith.cmpi slt, %select_n3A_513, %lt3A_519 : i32
      %ne3A_521 = arith.xori %lt3A_518, %lt3A_520 : i1
      %and3A_522 = arith.andi %ne3A_521, %ne3A_516 : i1
      %add3A_523 = arith.addi %rem3A_514, %select_n3A_513 : i32
      %select_n3A_524 = arith.select %and3A_522, %add3A_523, %rem3A_514 : i32
      %mul3A_525 = arith.constant 256 : i32
      %mul3A_526 = arith.muli %select_n3A_524, %mul3A_525 : i32
      %add3A_527 = arith.addi %mul3A_2, %mul3A_526 : i32
      %jit3A_528 = arith.constant 2 : i32
      %div3A_529 = arith.divsi %add3A_389, %jit3A_528 : i32
      %sign3A_530 = arith.constant 0 : i32
      %sign3A_531 = arith.cmpi sgt, %add3A_389, %sign3A_530 : i32
      %sign3A_532 = arith.extui %sign3A_531 : i1 to i32
      %sign3A_533 = arith.constant 0 : i32
      %sign3A_534 = arith.cmpi slt, %add3A_389, %sign3A_533 : i32
      %sign3A_535 = arith.extui %sign3A_534 : i1 to i32
      %sign3A_536 = arith.subi %sign3A_532, %sign3A_535 : i32
      %sign3A_537 = arith.constant 0 : i32
      %sign3A_538 = arith.cmpi sgt, %jit3A_528, %sign3A_537 : i32
      %sign3A_539 = arith.extui %sign3A_538 : i1 to i32
      %sign3A_540 = arith.constant 0 : i32
      %sign3A_541 = arith.cmpi slt, %jit3A_528, %sign3A_540 : i32
      %sign3A_542 = arith.extui %sign3A_541 : i1 to i32
      %sign3A_543 = arith.subi %sign3A_539, %sign3A_542 : i32
      %ne3A_544 = arith.cmpi ne, %sign3A_536, %sign3A_543 : i32
      %rem3A_545 = arith.remsi %add3A_389, %jit3A_528 : i32
      %ne3A_546 = arith.constant 0 : i32
      %ne3A_547 = arith.cmpi ne, %rem3A_545, %ne3A_546 : i32
      %and3A_548 = arith.andi %ne3A_544, %ne3A_547 : i1
      %sub3A_549 = arith.constant 1 : i32
      %sub3A_550 = arith.subi %div3A_529, %sub3A_549 : i32
      %select_n3A_551 = arith.select %and3A_548, %sub3A_550, %div3A_529 : i32
      %mul3A_552 = arith.constant 8 : i32
      %mul3A_553 = arith.muli %select_n3A_551, %mul3A_552 : i32
      %add3A_554 = arith.constant 0 : i32
      %add3A_555 = arith.addi %mul3A_553, %add3A_554 : i32
      %add3A_556 = arith.constant 1 : i32
      %add3A_557 = arith.addi %mul3A_553, %add3A_556 : i32
      %add3A_558 = arith.constant 2 : i32
      %add3A_559 = arith.addi %mul3A_553, %add3A_558 : i32
      %add3A_560 = arith.constant 3 : i32
      %add3A_561 = arith.addi %mul3A_553, %add3A_560 : i32
      %add3A_562 = arith.constant 4 : i32
      %add3A_563 = arith.addi %mul3A_553, %add3A_562 : i32
      %add3A_564 = arith.constant 5 : i32
      %add3A_565 = arith.addi %mul3A_553, %add3A_564 : i32
      %add3A_566 = arith.constant 6 : i32
      %add3A_567 = arith.addi %mul3A_553, %add3A_566 : i32
      %add3A_568 = arith.constant 7 : i32
      %add3A_569 = arith.addi %mul3A_553, %add3A_568 : i32
      %dma_start3A_570 = arith.constant 0 : i32
      %dma_start3A_571 = arith.constant 0 : i32
      %dma_start3A_572 = tpu.memref_slice %arg8[%dma_start3A_570, %dma_start3A_571] : memref<10x2048xf32, #tpu.memory_space<vmem>> -> memref<10x256xf32, #tpu.memory_space<vmem>>
      %dma_start3A_573 = arith.constant 0 : i32
      %dma_start3A_574 = tpu.memref_slice %arg4[%dma_start3A_573, %add3A_555, %add3A_527] : memref<10x200x16384xf32, #tpu.memory_space<hbm>> -> memref<10x1x256xf32, #tpu.memory_space<hbm>>
      %dma_start3A_575 = tpu.memref_squeeze %dma_start3A_574 : memref<10x1x256xf32, #tpu.memory_space<hbm>> -> memref<10x256xf32, #tpu.memory_space<hbm>>
      %dma_start3A_576 = arith.constant 0 : i32
      %dma_start3A_577 = tpu.memref_slice %arg4[%dma_start3A_576, %add3A_555, %add3A_527] : memref<10x200x16384xf32, #tpu.memory_space<hbm>> -> memref<10x1x256xf32, #tpu.memory_space<hbm>>
      %dma_start3A_578 = tpu.memref_squeeze %dma_start3A_577 : memref<10x1x256xf32, #tpu.memory_space<hbm>> -> memref<10x256xf32, #tpu.memory_space<hbm>>
      %dma_start3A_579 = arith.constant 0 : i32
      %dma_start3A_580 = arith.constant 0 : i32
      %dma_start3A_581 = tpu.memref_slice %arg8[%dma_start3A_579, %dma_start3A_580] : memref<10x2048xf32, #tpu.memory_space<vmem>> -> memref<10x256xf32, #tpu.memory_space<vmem>>
      tpu.enqueue_dma source(%dma_start3A_581 : memref<10x256xf32, #tpu.memory_space<vmem>>) target(%dma_start3A_578 : memref<10x256xf32, #tpu.memory_space<hbm>>) target_semaphore(%arg12 : memref<!tpu.dma_semaphore, #tpu.memory_space<semaphore_mem>>)
      %dma_start3A_582 = arith.constant 0 : i32
      %dma_start3A_583 = arith.constant 256 : i32
      %dma_start3A_584 = tpu.memref_slice %arg8[%dma_start3A_582, %dma_start3A_583] : memref<10x2048xf32, #tpu.memory_space<vmem>> -> memref<10x256xf32, #tpu.memory_space<vmem>>
      %dma_start3A_585 = arith.constant 0 : i32
      %dma_start3A_586 = tpu.memref_slice %arg4[%dma_start3A_585, %add3A_557, %add3A_527] : memref<10x200x16384xf32, #tpu.memory_space<hbm>> -> memref<10x1x256xf32, #tpu.memory_space<hbm>>
      %dma_start3A_587 = tpu.memref_squeeze %dma_start3A_586 : memref<10x1x256xf32, #tpu.memory_space<hbm>> -> memref<10x256xf32, #tpu.memory_space<hbm>>
      %dma_start3A_588 = arith.constant 0 : i32
      %dma_start3A_589 = tpu.memref_slice %arg4[%dma_start3A_588, %add3A_557, %add3A_527] : memref<10x200x16384xf32, #tpu.memory_space<hbm>> -> memref<10x1x256xf32, #tpu.memory_space<hbm>>
      %dma_start3A_590 = tpu.memref_squeeze %dma_start3A_589 : memref<10x1x256xf32, #tpu.memory_space<hbm>> -> memref<10x256xf32, #tpu.memory_space<hbm>>
      %dma_start3A_591 = arith.constant 0 : i32
      %dma_start3A_592 = arith.constant 256 : i32
      %dma_start3A_593 = tpu.memref_slice %arg8[%dma_start3A_591, %dma_start3A_592] : memref<10x2048xf32, #tpu.memory_space<vmem>> -> memref<10x256xf32, #tpu.memory_space<vmem>>
      tpu.enqueue_dma source(%dma_start3A_593 : memref<10x256xf32, #tpu.memory_space<vmem>>) target(%dma_start3A_590 : memref<10x256xf32, #tpu.memory_space<hbm>>) target_semaphore(%arg12 : memref<!tpu.dma_semaphore, #tpu.memory_space<semaphore_mem>>)
      %dma_start3A_594 = arith.constant 0 : i32
      %dma_start3A_595 = arith.constant 512 : i32
      %dma_start3A_596 = tpu.memref_slice %arg8[%dma_start3A_594, %dma_start3A_595] : memref<10x2048xf32, #tpu.memory_space<vmem>> -> memref<10x256xf32, #tpu.memory_space<vmem>>
      %dma_start3A_597 = arith.constant 0 : i32
      %dma_start3A_598 = tpu.memref_slice %arg4[%dma_start3A_597, %add3A_559, %add3A_527] : memref<10x200x16384xf32, #tpu.memory_space<hbm>> -> memref<10x1x256xf32, #tpu.memory_space<hbm>>
      %dma_start3A_599 = tpu.memref_squeeze %dma_start3A_598 : memref<10x1x256xf32, #tpu.memory_space<hbm>> -> memref<10x256xf32, #tpu.memory_space<hbm>>
      %dma_start3A_600 = arith.constant 0 : i32
      %dma_start3A_601 = tpu.memref_slice %arg4[%dma_start3A_600, %add3A_559, %add3A_527] : memref<10x200x16384xf32, #tpu.memory_space<hbm>> -> memref<10x1x256xf32, #tpu.memory_space<hbm>>
      %dma_start3A_602 = tpu.memref_squeeze %dma_start3A_601 : memref<10x1x256xf32, #tpu.memory_space<hbm>> -> memref<10x256xf32, #tpu.memory_space<hbm>>
      %dma_start3A_603 = arith.constant 0 : i32
      %dma_start3A_604 = arith.constant 512 : i32
      %dma_start3A_605 = tpu.memref_slice %arg8[%dma_start3A_603, %dma_start3A_604] : memref<10x2048xf32, #tpu.memory_space<vmem>> -> memref<10x256xf32, #tpu.memory_space<vmem>>
      tpu.enqueue_dma source(%dma_start3A_605 : memref<10x256xf32, #tpu.memory_space<vmem>>) target(%dma_start3A_602 : memref<10x256xf32, #tpu.memory_space<hbm>>) target_semaphore(%arg12 : memref<!tpu.dma_semaphore, #tpu.memory_space<semaphore_mem>>)
      %dma_start3A_606 = arith.constant 0 : i32
      %dma_start3A_607 = arith.constant 768 : i32
      %dma_start3A_608 = tpu.memref_slice %arg8[%dma_start3A_606, %dma_start3A_607] : memref<10x2048xf32, #tpu.memory_space<vmem>> -> memref<10x256xf32, #tpu.memory_space<vmem>>
      %dma_start3A_609 = arith.constant 0 : i32
      %dma_start3A_610 = tpu.memref_slice %arg4[%dma_start3A_609, %add3A_561, %add3A_527] : memref<10x200x16384xf32, #tpu.memory_space<hbm>> -> memref<10x1x256xf32, #tpu.memory_space<hbm>>
      %dma_start3A_611 = tpu.memref_squeeze %dma_start3A_610 : memref<10x1x256xf32, #tpu.memory_space<hbm>> -> memref<10x256xf32, #tpu.memory_space<hbm>>
      %dma_start3A_612 = arith.constant 0 : i32
      %dma_start3A_613 = tpu.memref_slice %arg4[%dma_start3A_612, %add3A_561, %add3A_527] : memref<10x200x16384xf32, #tpu.memory_space<hbm>> -> memref<10x1x256xf32, #tpu.memory_space<hbm>>
      %dma_start3A_614 = tpu.memref_squeeze %dma_start3A_613 : memref<10x1x256xf32, #tpu.memory_space<hbm>> -> memref<10x256xf32, #tpu.memory_space<hbm>>
      %dma_start3A_615 = arith.constant 0 : i32
      %dma_start3A_616 = arith.constant 768 : i32
      %dma_start3A_617 = tpu.memref_slice %arg8[%dma_start3A_615, %dma_start3A_616] : memref<10x2048xf32, #tpu.memory_space<vmem>> -> memref<10x256xf32, #tpu.memory_space<vmem>>
      tpu.enqueue_dma source(%dma_start3A_617 : memref<10x256xf32, #tpu.memory_space<vmem>>) target(%dma_start3A_614 : memref<10x256xf32, #tpu.memory_space<hbm>>) target_semaphore(%arg12 : memref<!tpu.dma_semaphore, #tpu.memory_space<semaphore_mem>>)
      %dma_start3A_618 = arith.constant 0 : i32
      %dma_start3A_619 = arith.constant 1024 : i32
      %dma_start3A_620 = tpu.memref_slice %arg8[%dma_start3A_618, %dma_start3A_619] : memref<10x2048xf32, #tpu.memory_space<vmem>> -> memref<10x256xf32, #tpu.memory_space<vmem>>
      %dma_start3A_621 = arith.constant 0 : i32
      %dma_start3A_622 = tpu.memref_slice %arg4[%dma_start3A_621, %add3A_563, %add3A_527] : memref<10x200x16384xf32, #tpu.memory_space<hbm>> -> memref<10x1x256xf32, #tpu.memory_space<hbm>>
      %dma_start3A_623 = tpu.memref_squeeze %dma_start3A_622 : memref<10x1x256xf32, #tpu.memory_space<hbm>> -> memref<10x256xf32, #tpu.memory_space<hbm>>
      %dma_start3A_624 = arith.constant 0 : i32
      %dma_start3A_625 = tpu.memref_slice %arg4[%dma_start3A_624, %add3A_563, %add3A_527] : memref<10x200x16384xf32, #tpu.memory_space<hbm>> -> memref<10x1x256xf32, #tpu.memory_space<hbm>>
      %dma_start3A_626 = tpu.memref_squeeze %dma_start3A_625 : memref<10x1x256xf32, #tpu.memory_space<hbm>> -> memref<10x256xf32, #tpu.memory_space<hbm>>
      %dma_start3A_627 = arith.constant 0 : i32
      %dma_start3A_628 = arith.constant 1024 : i32
      %dma_start3A_629 = tpu.memref_slice %arg8[%dma_start3A_627, %dma_start3A_628] : memref<10x2048xf32, #tpu.memory_space<vmem>> -> memref<10x256xf32, #tpu.memory_space<vmem>>
      tpu.enqueue_dma source(%dma_start3A_629 : memref<10x256xf32, #tpu.memory_space<vmem>>) target(%dma_start3A_626 : memref<10x256xf32, #tpu.memory_space<hbm>>) target_semaphore(%arg12 : memref<!tpu.dma_semaphore, #tpu.memory_space<semaphore_mem>>)
      %dma_start3A_630 = arith.constant 0 : i32
      %dma_start3A_631 = arith.constant 1280 : i32
      %dma_start3A_632 = tpu.memref_slice %arg8[%dma_start3A_630, %dma_start3A_631] : memref<10x2048xf32, #tpu.memory_space<vmem>> -> memref<10x256xf32, #tpu.memory_space<vmem>>
      %dma_start3A_633 = arith.constant 0 : i32
      %dma_start3A_634 = tpu.memref_slice %arg4[%dma_start3A_633, %add3A_565, %add3A_527] : memref<10x200x16384xf32, #tpu.memory_space<hbm>> -> memref<10x1x256xf32, #tpu.memory_space<hbm>>
      %dma_start3A_635 = tpu.memref_squeeze %dma_start3A_634 : memref<10x1x256xf32, #tpu.memory_space<hbm>> -> memref<10x256xf32, #tpu.memory_space<hbm>>
      %dma_start3A_636 = arith.constant 0 : i32
      %dma_start3A_637 = tpu.memref_slice %arg4[%dma_start3A_636, %add3A_565, %add3A_527] : memref<10x200x16384xf32, #tpu.memory_space<hbm>> -> memref<10x1x256xf32, #tpu.memory_space<hbm>>
      %dma_start3A_638 = tpu.memref_squeeze %dma_start3A_637 : memref<10x1x256xf32, #tpu.memory_space<hbm>> -> memref<10x256xf32, #tpu.memory_space<hbm>>
      %dma_start3A_639 = arith.constant 0 : i32
      %dma_start3A_640 = arith.constant 1280 : i32
      %dma_start3A_641 = tpu.memref_slice %arg8[%dma_start3A_639, %dma_start3A_640] : memref<10x2048xf32, #tpu.memory_space<vmem>> -> memref<10x256xf32, #tpu.memory_space<vmem>>
      tpu.enqueue_dma source(%dma_start3A_641 : memref<10x256xf32, #tpu.memory_space<vmem>>) target(%dma_start3A_638 : memref<10x256xf32, #tpu.memory_space<hbm>>) target_semaphore(%arg12 : memref<!tpu.dma_semaphore, #tpu.memory_space<semaphore_mem>>)
      %dma_start3A_642 = arith.constant 0 : i32
      %dma_start3A_643 = arith.constant 1536 : i32
      %dma_start3A_644 = tpu.memref_slice %arg8[%dma_start3A_642, %dma_start3A_643] : memref<10x2048xf32, #tpu.memory_space<vmem>> -> memref<10x256xf32, #tpu.memory_space<vmem>>
      %dma_start3A_645 = arith.constant 0 : i32
      %dma_start3A_646 = tpu.memref_slice %arg4[%dma_start3A_645, %add3A_567, %add3A_527] : memref<10x200x16384xf32, #tpu.memory_space<hbm>> -> memref<10x1x256xf32, #tpu.memory_space<hbm>>
      %dma_start3A_647 = tpu.memref_squeeze %dma_start3A_646 : memref<10x1x256xf32, #tpu.memory_space<hbm>> -> memref<10x256xf32, #tpu.memory_space<hbm>>
      %dma_start3A_648 = arith.constant 0 : i32
      %dma_start3A_649 = tpu.memref_slice %arg4[%dma_start3A_648, %add3A_567, %add3A_527] : memref<10x200x16384xf32, #tpu.memory_space<hbm>> -> memref<10x1x256xf32, #tpu.memory_space<hbm>>
      %dma_start3A_650 = tpu.memref_squeeze %dma_start3A_649 : memref<10x1x256xf32, #tpu.memory_space<hbm>> -> memref<10x256xf32, #tpu.memory_space<hbm>>
      %dma_start3A_651 = arith.constant 0 : i32
      %dma_start3A_652 = arith.constant 1536 : i32
      %dma_start3A_653 = tpu.memref_slice %arg8[%dma_start3A_651, %dma_start3A_652] : memref<10x2048xf32, #tpu.memory_space<vmem>> -> memref<10x256xf32, #tpu.memory_space<vmem>>
      tpu.enqueue_dma source(%dma_start3A_653 : memref<10x256xf32, #tpu.memory_space<vmem>>) target(%dma_start3A_650 : memref<10x256xf32, #tpu.memory_space<hbm>>) target_semaphore(%arg12 : memref<!tpu.dma_semaphore, #tpu.memory_space<semaphore_mem>>)
      %dma_start3A_654 = arith.constant 0 : i32
      %dma_start3A_655 = arith.constant 1792 : i32
      %dma_start3A_656 = tpu.memref_slice %arg8[%dma_start3A_654, %dma_start3A_655] : memref<10x2048xf32, #tpu.memory_space<vmem>> -> memref<10x256xf32, #tpu.memory_space<vmem>>
      %dma_start3A_657 = arith.constant 0 : i32
      %dma_start3A_658 = tpu.memref_slice %arg4[%dma_start3A_657, %add3A_569, %add3A_527] : memref<10x200x16384xf32, #tpu.memory_space<hbm>> -> memref<10x1x256xf32, #tpu.memory_space<hbm>>
      %dma_start3A_659 = tpu.memref_squeeze %dma_start3A_658 : memref<10x1x256xf32, #tpu.memory_space<hbm>> -> memref<10x256xf32, #tpu.memory_space<hbm>>
      %dma_start3A_660 = arith.constant 0 : i32
      %dma_start3A_661 = tpu.memref_slice %arg4[%dma_start3A_660, %add3A_569, %add3A_527] : memref<10x200x16384xf32, #tpu.memory_space<hbm>> -> memref<10x1x256xf32, #tpu.memory_space<hbm>>
      %dma_start3A_662 = tpu.memref_squeeze %dma_start3A_661 : memref<10x1x256xf32, #tpu.memory_space<hbm>> -> memref<10x256xf32, #tpu.memory_space<hbm>>
      %dma_start3A_663 = arith.constant 0 : i32
      %dma_start3A_664 = arith.constant 1792 : i32
      %dma_start3A_665 = tpu.memref_slice %arg8[%dma_start3A_663, %dma_start3A_664] : memref<10x2048xf32, #tpu.memory_space<vmem>> -> memref<10x256xf32, #tpu.memory_space<vmem>>
      tpu.enqueue_dma source(%dma_start3A_665 : memref<10x256xf32, #tpu.memory_space<vmem>>) target(%dma_start3A_662 : memref<10x256xf32, #tpu.memory_space<hbm>>) target_semaphore(%arg12 : memref<!tpu.dma_semaphore, #tpu.memory_space<semaphore_mem>>)
      %le3A = arith.constant 23 : i32
      %le3A_666 = arith.cmpi sle, %scan3A_385, %le3A : i32
      %convert_element_type3A_667 = arith.extui %le3A_666 : i1 to i32
      %cond3A_668 = arith.constant 0 : i32
      %cond3A_669 = arith.cmpi ne, %convert_element_type3A_667, %cond3A_668 : i32
      scf.if %cond3A_669 {
        %add3A_969 = arith.constant 2 : i32
        %add3A_970 = arith.addi %add3A_389, %add3A_969 : i32
        %jit3A_971 = arith.constant 2 : i32
        %eq3A_972 = arith.constant 0 : i32
        %eq3A_973 = arith.cmpi eq, %jit3A_971, %eq3A_972 : i32
        %jit3A_974 = arith.constant 1 : i32
        %select_n3A_975 = arith.select %eq3A_973, %jit3A_974, %jit3A_971 : i32
        %rem3A_976 = arith.remsi %add3A_970, %select_n3A_975 : i32
        %ne3A_977 = arith.constant 0 : i32
        %ne3A_978 = arith.cmpi ne, %rem3A_976, %ne3A_977 : i32
        %lt3A_979 = arith.constant 0 : i32
        %lt3A_980 = arith.cmpi slt, %rem3A_976, %lt3A_979 : i32
        %lt3A_981 = arith.constant 0 : i32
        %lt3A_982 = arith.cmpi slt, %select_n3A_975, %lt3A_981 : i32
        %ne3A_983 = arith.xori %lt3A_980, %lt3A_982 : i1
        %and3A_984 = arith.andi %ne3A_983, %ne3A_978 : i1
        %add3A_985 = arith.addi %rem3A_976, %select_n3A_975 : i32
        %select_n3A_986 = arith.select %and3A_984, %add3A_985, %rem3A_976 : i32
        %mul3A_987 = arith.constant 256 : i32
        %mul3A_988 = arith.muli %select_n3A_986, %mul3A_987 : i32
        %add3A_989 = arith.addi %mul3A_2, %mul3A_988 : i32
        %jit3A_990 = arith.constant 2 : i32
        %div3A_991 = arith.divsi %add3A_970, %jit3A_990 : i32
        %sign3A_992 = arith.constant 0 : i32
        %sign3A_993 = arith.cmpi sgt, %add3A_970, %sign3A_992 : i32
        %sign3A_994 = arith.extui %sign3A_993 : i1 to i32
        %sign3A_995 = arith.constant 0 : i32
        %sign3A_996 = arith.cmpi slt, %add3A_970, %sign3A_995 : i32
        %sign3A_997 = arith.extui %sign3A_996 : i1 to i32
        %sign3A_998 = arith.subi %sign3A_994, %sign3A_997 : i32
        %sign3A_999 = arith.constant 0 : i32
        %sign3A_1000 = arith.cmpi sgt, %jit3A_990, %sign3A_999 : i32
        %sign3A_1001 = arith.extui %sign3A_1000 : i1 to i32
        %sign3A_1002 = arith.constant 0 : i32
        %sign3A_1003 = arith.cmpi slt, %jit3A_990, %sign3A_1002 : i32
        %sign3A_1004 = arith.extui %sign3A_1003 : i1 to i32
        %sign3A_1005 = arith.subi %sign3A_1001, %sign3A_1004 : i32
        %ne3A_1006 = arith.cmpi ne, %sign3A_998, %sign3A_1005 : i32
        %rem3A_1007 = arith.remsi %add3A_970, %jit3A_990 : i32
        %ne3A_1008 = arith.constant 0 : i32
        %ne3A_1009 = arith.cmpi ne, %rem3A_1007, %ne3A_1008 : i32
        %and3A_1010 = arith.andi %ne3A_1006, %ne3A_1009 : i1
        %sub3A_1011 = arith.constant 1 : i32
        %sub3A_1012 = arith.subi %div3A_991, %sub3A_1011 : i32
        %select_n3A_1013 = arith.select %and3A_1010, %sub3A_1012, %div3A_991 : i32
        %mul3A_1014 = arith.constant 8 : i32
        %mul3A_1015 = arith.muli %select_n3A_1013, %mul3A_1014 : i32
        %add3A_1016 = arith.constant 0 : i32
        %add3A_1017 = arith.addi %mul3A_1015, %add3A_1016 : i32
        %add3A_1018 = arith.constant 1 : i32
        %add3A_1019 = arith.addi %mul3A_1015, %add3A_1018 : i32
        %add3A_1020 = arith.constant 2 : i32
        %add3A_1021 = arith.addi %mul3A_1015, %add3A_1020 : i32
        %add3A_1022 = arith.constant 3 : i32
        %add3A_1023 = arith.addi %mul3A_1015, %add3A_1022 : i32
        %add3A_1024 = arith.constant 4 : i32
        %add3A_1025 = arith.addi %mul3A_1015, %add3A_1024 : i32
        %add3A_1026 = arith.constant 5 : i32
        %add3A_1027 = arith.addi %mul3A_1015, %add3A_1026 : i32
        %add3A_1028 = arith.constant 6 : i32
        %add3A_1029 = arith.addi %mul3A_1015, %add3A_1028 : i32
        %add3A_1030 = arith.constant 7 : i32
        %add3A_1031 = arith.addi %mul3A_1015, %add3A_1030 : i32
        %dma_start3A_1032 = arith.constant 0 : i32
        %dma_start3A_1033 = tpu.memref_slice %arg6[%dma_start3A_1032] : memref<2048xi32, #tpu.memory_space<vmem>> -> memref<256xi32, #tpu.memory_space<vmem>>
        %dma_start3A_1034 = tpu.memref_slice %arg2[%add3A_1017, %add3A_989] : memref<200x16384xi32, #tpu.memory_space<hbm>> -> memref<1x256xi32, #tpu.memory_space<hbm>>
        %dma_start3A_1035 = tpu.memref_squeeze %dma_start3A_1034 : memref<1x256xi32, #tpu.memory_space<hbm>> -> memref<256xi32, #tpu.memory_space<hbm>>
        %dma_start3A_1036 = arith.constant 0 : i32
        %dma_start3A_1037 = tpu.memref_slice %arg6[%dma_start3A_1036] : memref<2048xi32, #tpu.memory_space<vmem>> -> memref<256xi32, #tpu.memory_space<vmem>>
        %dma_start3A_1038 = tpu.memref_slice %arg2[%add3A_1017, %add3A_989] : memref<200x16384xi32, #tpu.memory_space<hbm>> -> memref<1x256xi32, #tpu.memory_space<hbm>>
        %dma_start3A_1039 = tpu.memref_squeeze %dma_start3A_1038 : memref<1x256xi32, #tpu.memory_space<hbm>> -> memref<256xi32, #tpu.memory_space<hbm>>
        tpu.enqueue_dma source(%dma_start3A_1039 : memref<256xi32, #tpu.memory_space<hbm>>) target(%dma_start3A_1037 : memref<256xi32, #tpu.memory_space<vmem>>) target_semaphore(%arg10 : memref<!tpu.dma_semaphore, #tpu.memory_space<semaphore_mem>>)
        %dma_start3A_1040 = arith.constant 256 : i32
        %dma_start3A_1041 = tpu.memref_slice %arg6[%dma_start3A_1040] : memref<2048xi32, #tpu.memory_space<vmem>> -> memref<256xi32, #tpu.memory_space<vmem>>
        %dma_start3A_1042 = tpu.memref_slice %arg2[%add3A_1019, %add3A_989] : memref<200x16384xi32, #tpu.memory_space<hbm>> -> memref<1x256xi32, #tpu.memory_space<hbm>>
        %dma_start3A_1043 = tpu.memref_squeeze %dma_start3A_1042 : memref<1x256xi32, #tpu.memory_space<hbm>> -> memref<256xi32, #tpu.memory_space<hbm>>
        %dma_start3A_1044 = arith.constant 256 : i32
        %dma_start3A_1045 = tpu.memref_slice %arg6[%dma_start3A_1044] : memref<2048xi32, #tpu.memory_space<vmem>> -> memref<256xi32, #tpu.memory_space<vmem>>
        %dma_start3A_1046 = tpu.memref_slice %arg2[%add3A_1019, %add3A_989] : memref<200x16384xi32, #tpu.memory_space<hbm>> -> memref<1x256xi32, #tpu.memory_space<hbm>>
        %dma_start3A_1047 = tpu.memref_squeeze %dma_start3A_1046 : memref<1x256xi32, #tpu.memory_space<hbm>> -> memref<256xi32, #tpu.memory_space<hbm>>
        tpu.enqueue_dma source(%dma_start3A_1047 : memref<256xi32, #tpu.memory_space<hbm>>) target(%dma_start3A_1045 : memref<256xi32, #tpu.memory_space<vmem>>) target_semaphore(%arg10 : memref<!tpu.dma_semaphore, #tpu.memory_space<semaphore_mem>>)
        %dma_start3A_1048 = arith.constant 512 : i32
        %dma_start3A_1049 = tpu.memref_slice %arg6[%dma_start3A_1048] : memref<2048xi32, #tpu.memory_space<vmem>> -> memref<256xi32, #tpu.memory_space<vmem>>
        %dma_start3A_1050 = tpu.memref_slice %arg2[%add3A_1021, %add3A_989] : memref<200x16384xi32, #tpu.memory_space<hbm>> -> memref<1x256xi32, #tpu.memory_space<hbm>>
        %dma_start3A_1051 = tpu.memref_squeeze %dma_start3A_1050 : memref<1x256xi32, #tpu.memory_space<hbm>> -> memref<256xi32, #tpu.memory_space<hbm>>
        %dma_start3A_1052 = arith.constant 512 : i32
        %dma_start3A_1053 = tpu.memref_slice %arg6[%dma_start3A_1052] : memref<2048xi32, #tpu.memory_space<vmem>> -> memref<256xi32, #tpu.memory_space<vmem>>
        %dma_start3A_1054 = tpu.memref_slice %arg2[%add3A_1021, %add3A_989] : memref<200x16384xi32, #tpu.memory_space<hbm>> -> memref<1x256xi32, #tpu.memory_space<hbm>>
        %dma_start3A_1055 = tpu.memref_squeeze %dma_start3A_1054 : memref<1x256xi32, #tpu.memory_space<hbm>> -> memref<256xi32, #tpu.memory_space<hbm>>
        tpu.enqueue_dma source(%dma_start3A_1055 : memref<256xi32, #tpu.memory_space<hbm>>) target(%dma_start3A_1053 : memref<256xi32, #tpu.memory_space<vmem>>) target_semaphore(%arg10 : memref<!tpu.dma_semaphore, #tpu.memory_space<semaphore_mem>>)
        %dma_start3A_1056 = arith.constant 768 : i32
        %dma_start3A_1057 = tpu.memref_slice %arg6[%dma_start3A_1056] : memref<2048xi32, #tpu.memory_space<vmem>> -> memref<256xi32, #tpu.memory_space<vmem>>
        %dma_start3A_1058 = tpu.memref_slice %arg2[%add3A_1023, %add3A_989] : memref<200x16384xi32, #tpu.memory_space<hbm>> -> memref<1x256xi32, #tpu.memory_space<hbm>>
        %dma_start3A_1059 = tpu.memref_squeeze %dma_start3A_1058 : memref<1x256xi32, #tpu.memory_space<hbm>> -> memref<256xi32, #tpu.memory_space<hbm>>
        %dma_start3A_1060 = arith.constant 768 : i32
        %dma_start3A_1061 = tpu.memref_slice %arg6[%dma_start3A_1060] : memref<2048xi32, #tpu.memory_space<vmem>> -> memref<256xi32, #tpu.memory_space<vmem>>
        %dma_start3A_1062 = tpu.memref_slice %arg2[%add3A_1023, %add3A_989] : memref<200x16384xi32, #tpu.memory_space<hbm>> -> memref<1x256xi32, #tpu.memory_space<hbm>>
        %dma_start3A_1063 = tpu.memref_squeeze %dma_start3A_1062 : memref<1x256xi32, #tpu.memory_space<hbm>> -> memref<256xi32, #tpu.memory_space<hbm>>
        tpu.enqueue_dma source(%dma_start3A_1063 : memref<256xi32, #tpu.memory_space<hbm>>) target(%dma_start3A_1061 : memref<256xi32, #tpu.memory_space<vmem>>) target_semaphore(%arg10 : memref<!tpu.dma_semaphore, #tpu.memory_space<semaphore_mem>>)
        %dma_start3A_1064 = arith.constant 1024 : i32
        %dma_start3A_1065 = tpu.memref_slice %arg6[%dma_start3A_1064] : memref<2048xi32, #tpu.memory_space<vmem>> -> memref<256xi32, #tpu.memory_space<vmem>>
        %dma_start3A_1066 = tpu.memref_slice %arg2[%add3A_1025, %add3A_989] : memref<200x16384xi32, #tpu.memory_space<hbm>> -> memref<1x256xi32, #tpu.memory_space<hbm>>
        %dma_start3A_1067 = tpu.memref_squeeze %dma_start3A_1066 : memref<1x256xi32, #tpu.memory_space<hbm>> -> memref<256xi32, #tpu.memory_space<hbm>>
        %dma_start3A_1068 = arith.constant 1024 : i32
        %dma_start3A_1069 = tpu.memref_slice %arg6[%dma_start3A_1068] : memref<2048xi32, #tpu.memory_space<vmem>> -> memref<256xi32, #tpu.memory_space<vmem>>
        %dma_start3A_1070 = tpu.memref_slice %arg2[%add3A_1025, %add3A_989] : memref<200x16384xi32, #tpu.memory_space<hbm>> -> memref<1x256xi32, #tpu.memory_space<hbm>>
        %dma_start3A_1071 = tpu.memref_squeeze %dma_start3A_1070 : memref<1x256xi32, #tpu.memory_space<hbm>> -> memref<256xi32, #tpu.memory_space<hbm>>
        tpu.enqueue_dma source(%dma_start3A_1071 : memref<256xi32, #tpu.memory_space<hbm>>) target(%dma_start3A_1069 : memref<256xi32, #tpu.memory_space<vmem>>) target_semaphore(%arg10 : memref<!tpu.dma_semaphore, #tpu.memory_space<semaphore_mem>>)
        %dma_start3A_1072 = arith.constant 1280 : i32
        %dma_start3A_1073 = tpu.memref_slice %arg6[%dma_start3A_1072] : memref<2048xi32, #tpu.memory_space<vmem>> -> memref<256xi32, #tpu.memory_space<vmem>>
        %dma_start3A_1074 = tpu.memref_slice %arg2[%add3A_1027, %add3A_989] : memref<200x16384xi32, #tpu.memory_space<hbm>> -> memref<1x256xi32, #tpu.memory_space<hbm>>
        %dma_start3A_1075 = tpu.memref_squeeze %dma_start3A_1074 : memref<1x256xi32, #tpu.memory_space<hbm>> -> memref<256xi32, #tpu.memory_space<hbm>>
        %dma_start3A_1076 = arith.constant 1280 : i32
        %dma_start3A_1077 = tpu.memref_slice %arg6[%dma_start3A_1076] : memref<2048xi32, #tpu.memory_space<vmem>> -> memref<256xi32, #tpu.memory_space<vmem>>
        %dma_start3A_1078 = tpu.memref_slice %arg2[%add3A_1027, %add3A_989] : memref<200x16384xi32, #tpu.memory_space<hbm>> -> memref<1x256xi32, #tpu.memory_space<hbm>>
        %dma_start3A_1079 = tpu.memref_squeeze %dma_start3A_1078 : memref<1x256xi32, #tpu.memory_space<hbm>> -> memref<256xi32, #tpu.memory_space<hbm>>
        tpu.enqueue_dma source(%dma_start3A_1079 : memref<256xi32, #tpu.memory_space<hbm>>) target(%dma_start3A_1077 : memref<256xi32, #tpu.memory_space<vmem>>) target_semaphore(%arg10 : memref<!tpu.dma_semaphore, #tpu.memory_space<semaphore_mem>>)
        %dma_start3A_1080 = arith.constant 1536 : i32
        %dma_start3A_1081 = tpu.memref_slice %arg6[%dma_start3A_1080] : memref<2048xi32, #tpu.memory_space<vmem>> -> memref<256xi32, #tpu.memory_space<vmem>>
        %dma_start3A_1082 = tpu.memref_slice %arg2[%add3A_1029, %add3A_989] : memref<200x16384xi32, #tpu.memory_space<hbm>> -> memref<1x256xi32, #tpu.memory_space<hbm>>
        %dma_start3A_1083 = tpu.memref_squeeze %dma_start3A_1082 : memref<1x256xi32, #tpu.memory_space<hbm>> -> memref<256xi32, #tpu.memory_space<hbm>>
        %dma_start3A_1084 = arith.constant 1536 : i32
        %dma_start3A_1085 = tpu.memref_slice %arg6[%dma_start3A_1084] : memref<2048xi32, #tpu.memory_space<vmem>> -> memref<256xi32, #tpu.memory_space<vmem>>
        %dma_start3A_1086 = tpu.memref_slice %arg2[%add3A_1029, %add3A_989] : memref<200x16384xi32, #tpu.memory_space<hbm>> -> memref<1x256xi32, #tpu.memory_space<hbm>>
        %dma_start3A_1087 = tpu.memref_squeeze %dma_start3A_1086 : memref<1x256xi32, #tpu.memory_space<hbm>> -> memref<256xi32, #tpu.memory_space<hbm>>
        tpu.enqueue_dma source(%dma_start3A_1087 : memref<256xi32, #tpu.memory_space<hbm>>) target(%dma_start3A_1085 : memref<256xi32, #tpu.memory_space<vmem>>) target_semaphore(%arg10 : memref<!tpu.dma_semaphore, #tpu.memory_space<semaphore_mem>>)
        %dma_start3A_1088 = arith.constant 1792 : i32
        %dma_start3A_1089 = tpu.memref_slice %arg6[%dma_start3A_1088] : memref<2048xi32, #tpu.memory_space<vmem>> -> memref<256xi32, #tpu.memory_space<vmem>>
        %dma_start3A_1090 = tpu.memref_slice %arg2[%add3A_1031, %add3A_989] : memref<200x16384xi32, #tpu.memory_space<hbm>> -> memref<1x256xi32, #tpu.memory_space<hbm>>
        %dma_start3A_1091 = tpu.memref_squeeze %dma_start3A_1090 : memref<1x256xi32, #tpu.memory_space<hbm>> -> memref<256xi32, #tpu.memory_space<hbm>>
        %dma_start3A_1092 = arith.constant 1792 : i32
        %dma_start3A_1093 = tpu.memref_slice %arg6[%dma_start3A_1092] : memref<2048xi32, #tpu.memory_space<vmem>> -> memref<256xi32, #tpu.memory_space<vmem>>
        %dma_start3A_1094 = tpu.memref_slice %arg2[%add3A_1031, %add3A_989] : memref<200x16384xi32, #tpu.memory_space<hbm>> -> memref<1x256xi32, #tpu.memory_space<hbm>>
        %dma_start3A_1095 = tpu.memref_squeeze %dma_start3A_1094 : memref<1x256xi32, #tpu.memory_space<hbm>> -> memref<256xi32, #tpu.memory_space<hbm>>
        tpu.enqueue_dma source(%dma_start3A_1095 : memref<256xi32, #tpu.memory_space<hbm>>) target(%dma_start3A_1093 : memref<256xi32, #tpu.memory_space<vmem>>) target_semaphore(%arg10 : memref<!tpu.dma_semaphore, #tpu.memory_space<semaphore_mem>>)
      } else {
      }
      %mul3A_670 = arith.constant 2 : i32
      %mul3A_671 = arith.muli %mul3A_670, %scan3A_385 : i32
      %add3A_672 = arith.constant 1 : i32
      %add3A_673 = arith.addi %mul3A_671, %add3A_672 : i32
      %jit3A_674 = arith.constant 2 : i32
      %eq3A_675 = arith.constant 0 : i32
      %eq3A_676 = arith.cmpi eq, %jit3A_674, %eq3A_675 : i32
      %jit3A_677 = arith.constant 1 : i32
      %select_n3A_678 = arith.select %eq3A_676, %jit3A_677, %jit3A_674 : i32
      %rem3A_679 = arith.remsi %add3A_673, %select_n3A_678 : i32
      %ne3A_680 = arith.constant 0 : i32
      %ne3A_681 = arith.cmpi ne, %rem3A_679, %ne3A_680 : i32
      %lt3A_682 = arith.constant 0 : i32
      %lt3A_683 = arith.cmpi slt, %rem3A_679, %lt3A_682 : i32
      %lt3A_684 = arith.constant 0 : i32
      %lt3A_685 = arith.cmpi slt, %select_n3A_678, %lt3A_684 : i32
      %ne3A_686 = arith.xori %lt3A_683, %lt3A_685 : i1
      %and3A_687 = arith.andi %ne3A_686, %ne3A_681 : i1
      %add3A_688 = arith.addi %rem3A_679, %select_n3A_678 : i32
      %select_n3A_689 = arith.select %and3A_687, %add3A_688, %rem3A_679 : i32
      %mul3A_690 = arith.constant 256 : i32
      %mul3A_691 = arith.muli %select_n3A_689, %mul3A_690 : i32
      %add3A_692 = arith.addi %mul3A_2, %mul3A_691 : i32
      %jit3A_693 = arith.constant 2 : i32
      %div3A_694 = arith.divsi %add3A_673, %jit3A_693 : i32
      %sign3A_695 = arith.constant 0 : i32
      %sign3A_696 = arith.cmpi sgt, %add3A_673, %sign3A_695 : i32
      %sign3A_697 = arith.extui %sign3A_696 : i1 to i32
      %sign3A_698 = arith.constant 0 : i32
      %sign3A_699 = arith.cmpi slt, %add3A_673, %sign3A_698 : i32
      %sign3A_700 = arith.extui %sign3A_699 : i1 to i32
      %sign3A_701 = arith.subi %sign3A_697, %sign3A_700 : i32
      %sign3A_702 = arith.constant 0 : i32
      %sign3A_703 = arith.cmpi sgt, %jit3A_693, %sign3A_702 : i32
      %sign3A_704 = arith.extui %sign3A_703 : i1 to i32
      %sign3A_705 = arith.constant 0 : i32
      %sign3A_706 = arith.cmpi slt, %jit3A_693, %sign3A_705 : i32
      %sign3A_707 = arith.extui %sign3A_706 : i1 to i32
      %sign3A_708 = arith.subi %sign3A_704, %sign3A_707 : i32
      %ne3A_709 = arith.cmpi ne, %sign3A_701, %sign3A_708 : i32
      %rem3A_710 = arith.remsi %add3A_673, %jit3A_693 : i32
      %ne3A_711 = arith.constant 0 : i32
      %ne3A_712 = arith.cmpi ne, %rem3A_710, %ne3A_711 : i32
      %and3A_713 = arith.andi %ne3A_709, %ne3A_712 : i1
      %sub3A_714 = arith.constant 1 : i32
      %sub3A_715 = arith.subi %div3A_694, %sub3A_714 : i32
      %select_n3A_716 = arith.select %and3A_713, %sub3A_715, %div3A_694 : i32
      %mul3A_717 = arith.constant 8 : i32
      %mul3A_718 = arith.muli %select_n3A_716, %mul3A_717 : i32
      %add3A_719 = arith.constant 0 : i32
      %add3A_720 = arith.addi %mul3A_718, %add3A_719 : i32
      %add3A_721 = arith.constant 1 : i32
      %add3A_722 = arith.addi %mul3A_718, %add3A_721 : i32
      %add3A_723 = arith.constant 2 : i32
      %add3A_724 = arith.addi %mul3A_718, %add3A_723 : i32
      %add3A_725 = arith.constant 3 : i32
      %add3A_726 = arith.addi %mul3A_718, %add3A_725 : i32
      %add3A_727 = arith.constant 4 : i32
      %add3A_728 = arith.addi %mul3A_718, %add3A_727 : i32
      %add3A_729 = arith.constant 5 : i32
      %add3A_730 = arith.addi %mul3A_718, %add3A_729 : i32
      %add3A_731 = arith.constant 6 : i32
      %add3A_732 = arith.addi %mul3A_718, %add3A_731 : i32
      %add3A_733 = arith.constant 7 : i32
      %add3A_734 = arith.addi %mul3A_718, %add3A_733 : i32
      %dma_wait3A_735 = arith.constant 0 : i32
      %dma_wait3A_736 = tpu.memref_slice %arg7[%dma_wait3A_735] : memref<2048xi32, #tpu.memory_space<vmem>> -> memref<256xi32, #tpu.memory_space<vmem>>
      %dma_wait3A_737 = tpu.memref_slice %arg2[%add3A_720, %add3A_692] : memref<200x16384xi32, #tpu.memory_space<hbm>> -> memref<1x256xi32, #tpu.memory_space<hbm>>
      %dma_wait3A_738 = tpu.memref_squeeze %dma_wait3A_737 : memref<1x256xi32, #tpu.memory_space<hbm>> -> memref<256xi32, #tpu.memory_space<hbm>>
      %dma_wait3A_739 = arith.constant 0 : i32
      %dma_wait3A_740 = tpu.memref_slice %arg7[%dma_wait3A_739] : memref<2048xi32, #tpu.memory_space<vmem>> -> memref<256xi32, #tpu.memory_space<vmem>>
      %dma_wait3A_741 = tpu.memref_slice %arg2[%add3A_720, %add3A_692] : memref<200x16384xi32, #tpu.memory_space<hbm>> -> memref<1x256xi32, #tpu.memory_space<hbm>>
      %dma_wait3A_742 = tpu.memref_squeeze %dma_wait3A_741 : memref<1x256xi32, #tpu.memory_space<hbm>> -> memref<256xi32, #tpu.memory_space<hbm>>
      tpu.wait_dma2 semaphore(%arg11 : memref<!tpu.dma_semaphore, #tpu.memory_space<semaphore_mem>>) src(%dma_wait3A_742 : memref<256xi32, #tpu.memory_space<hbm>>) dst(%dma_wait3A_740 : memref<256xi32, #tpu.memory_space<vmem>>)
      %dma_wait3A_743 = arith.constant 256 : i32
      %dma_wait3A_744 = tpu.memref_slice %arg7[%dma_wait3A_743] : memref<2048xi32, #tpu.memory_space<vmem>> -> memref<256xi32, #tpu.memory_space<vmem>>
      %dma_wait3A_745 = tpu.memref_slice %arg2[%add3A_722, %add3A_692] : memref<200x16384xi32, #tpu.memory_space<hbm>> -> memref<1x256xi32, #tpu.memory_space<hbm>>
      %dma_wait3A_746 = tpu.memref_squeeze %dma_wait3A_745 : memref<1x256xi32, #tpu.memory_space<hbm>> -> memref<256xi32, #tpu.memory_space<hbm>>
      %dma_wait3A_747 = arith.constant 256 : i32
      %dma_wait3A_748 = tpu.memref_slice %arg7[%dma_wait3A_747] : memref<2048xi32, #tpu.memory_space<vmem>> -> memref<256xi32, #tpu.memory_space<vmem>>
      %dma_wait3A_749 = tpu.memref_slice %arg2[%add3A_722, %add3A_692] : memref<200x16384xi32, #tpu.memory_space<hbm>> -> memref<1x256xi32, #tpu.memory_space<hbm>>
      %dma_wait3A_750 = tpu.memref_squeeze %dma_wait3A_749 : memref<1x256xi32, #tpu.memory_space<hbm>> -> memref<256xi32, #tpu.memory_space<hbm>>
      tpu.wait_dma2 semaphore(%arg11 : memref<!tpu.dma_semaphore, #tpu.memory_space<semaphore_mem>>) src(%dma_wait3A_750 : memref<256xi32, #tpu.memory_space<hbm>>) dst(%dma_wait3A_748 : memref<256xi32, #tpu.memory_space<vmem>>)
      %dma_wait3A_751 = arith.constant 512 : i32
      %dma_wait3A_752 = tpu.memref_slice %arg7[%dma_wait3A_751] : memref<2048xi32, #tpu.memory_space<vmem>> -> memref<256xi32, #tpu.memory_space<vmem>>
      %dma_wait3A_753 = tpu.memref_slice %arg2[%add3A_724, %add3A_692] : memref<200x16384xi32, #tpu.memory_space<hbm>> -> memref<1x256xi32, #tpu.memory_space<hbm>>
      %dma_wait3A_754 = tpu.memref_squeeze %dma_wait3A_753 : memref<1x256xi32, #tpu.memory_space<hbm>> -> memref<256xi32, #tpu.memory_space<hbm>>
      %dma_wait3A_755 = arith.constant 512 : i32
      %dma_wait3A_756 = tpu.memref_slice %arg7[%dma_wait3A_755] : memref<2048xi32, #tpu.memory_space<vmem>> -> memref<256xi32, #tpu.memory_space<vmem>>
      %dma_wait3A_757 = tpu.memref_slice %arg2[%add3A_724, %add3A_692] : memref<200x16384xi32, #tpu.memory_space<hbm>> -> memref<1x256xi32, #tpu.memory_space<hbm>>
      %dma_wait3A_758 = tpu.memref_squeeze %dma_wait3A_757 : memref<1x256xi32, #tpu.memory_space<hbm>> -> memref<256xi32, #tpu.memory_space<hbm>>
      tpu.wait_dma2 semaphore(%arg11 : memref<!tpu.dma_semaphore, #tpu.memory_space<semaphore_mem>>) src(%dma_wait3A_758 : memref<256xi32, #tpu.memory_space<hbm>>) dst(%dma_wait3A_756 : memref<256xi32, #tpu.memory_space<vmem>>)
      %dma_wait3A_759 = arith.constant 768 : i32
      %dma_wait3A_760 = tpu.memref_slice %arg7[%dma_wait3A_759] : memref<2048xi32, #tpu.memory_space<vmem>> -> memref<256xi32, #tpu.memory_space<vmem>>
      %dma_wait3A_761 = tpu.memref_slice %arg2[%add3A_726, %add3A_692] : memref<200x16384xi32, #tpu.memory_space<hbm>> -> memref<1x256xi32, #tpu.memory_space<hbm>>
      %dma_wait3A_762 = tpu.memref_squeeze %dma_wait3A_761 : memref<1x256xi32, #tpu.memory_space<hbm>> -> memref<256xi32, #tpu.memory_space<hbm>>
      %dma_wait3A_763 = arith.constant 768 : i32
      %dma_wait3A_764 = tpu.memref_slice %arg7[%dma_wait3A_763] : memref<2048xi32, #tpu.memory_space<vmem>> -> memref<256xi32, #tpu.memory_space<vmem>>
      %dma_wait3A_765 = tpu.memref_slice %arg2[%add3A_726, %add3A_692] : memref<200x16384xi32, #tpu.memory_space<hbm>> -> memref<1x256xi32, #tpu.memory_space<hbm>>
      %dma_wait3A_766 = tpu.memref_squeeze %dma_wait3A_765 : memref<1x256xi32, #tpu.memory_space<hbm>> -> memref<256xi32, #tpu.memory_space<hbm>>
      tpu.wait_dma2 semaphore(%arg11 : memref<!tpu.dma_semaphore, #tpu.memory_space<semaphore_mem>>) src(%dma_wait3A_766 : memref<256xi32, #tpu.memory_space<hbm>>) dst(%dma_wait3A_764 : memref<256xi32, #tpu.memory_space<vmem>>)
      %dma_wait3A_767 = arith.constant 1024 : i32
      %dma_wait3A_768 = tpu.memref_slice %arg7[%dma_wait3A_767] : memref<2048xi32, #tpu.memory_space<vmem>> -> memref<256xi32, #tpu.memory_space<vmem>>
      %dma_wait3A_769 = tpu.memref_slice %arg2[%add3A_728, %add3A_692] : memref<200x16384xi32, #tpu.memory_space<hbm>> -> memref<1x256xi32, #tpu.memory_space<hbm>>
      %dma_wait3A_770 = tpu.memref_squeeze %dma_wait3A_769 : memref<1x256xi32, #tpu.memory_space<hbm>> -> memref<256xi32, #tpu.memory_space<hbm>>
      %dma_wait3A_771 = arith.constant 1024 : i32
      %dma_wait3A_772 = tpu.memref_slice %arg7[%dma_wait3A_771] : memref<2048xi32, #tpu.memory_space<vmem>> -> memref<256xi32, #tpu.memory_space<vmem>>
      %dma_wait3A_773 = tpu.memref_slice %arg2[%add3A_728, %add3A_692] : memref<200x16384xi32, #tpu.memory_space<hbm>> -> memref<1x256xi32, #tpu.memory_space<hbm>>
      %dma_wait3A_774 = tpu.memref_squeeze %dma_wait3A_773 : memref<1x256xi32, #tpu.memory_space<hbm>> -> memref<256xi32, #tpu.memory_space<hbm>>
      tpu.wait_dma2 semaphore(%arg11 : memref<!tpu.dma_semaphore, #tpu.memory_space<semaphore_mem>>) src(%dma_wait3A_774 : memref<256xi32, #tpu.memory_space<hbm>>) dst(%dma_wait3A_772 : memref<256xi32, #tpu.memory_space<vmem>>)
      %dma_wait3A_775 = arith.constant 1280 : i32
      %dma_wait3A_776 = tpu.memref_slice %arg7[%dma_wait3A_775] : memref<2048xi32, #tpu.memory_space<vmem>> -> memref<256xi32, #tpu.memory_space<vmem>>
      %dma_wait3A_777 = tpu.memref_slice %arg2[%add3A_730, %add3A_692] : memref<200x16384xi32, #tpu.memory_space<hbm>> -> memref<1x256xi32, #tpu.memory_space<hbm>>
      %dma_wait3A_778 = tpu.memref_squeeze %dma_wait3A_777 : memref<1x256xi32, #tpu.memory_space<hbm>> -> memref<256xi32, #tpu.memory_space<hbm>>
      %dma_wait3A_779 = arith.constant 1280 : i32
      %dma_wait3A_780 = tpu.memref_slice %arg7[%dma_wait3A_779] : memref<2048xi32, #tpu.memory_space<vmem>> -> memref<256xi32, #tpu.memory_space<vmem>>
      %dma_wait3A_781 = tpu.memref_slice %arg2[%add3A_730, %add3A_692] : memref<200x16384xi32, #tpu.memory_space<hbm>> -> memref<1x256xi32, #tpu.memory_space<hbm>>
      %dma_wait3A_782 = tpu.memref_squeeze %dma_wait3A_781 : memref<1x256xi32, #tpu.memory_space<hbm>> -> memref<256xi32, #tpu.memory_space<hbm>>
      tpu.wait_dma2 semaphore(%arg11 : memref<!tpu.dma_semaphore, #tpu.memory_space<semaphore_mem>>) src(%dma_wait3A_782 : memref<256xi32, #tpu.memory_space<hbm>>) dst(%dma_wait3A_780 : memref<256xi32, #tpu.memory_space<vmem>>)
      %dma_wait3A_783 = arith.constant 1536 : i32
      %dma_wait3A_784 = tpu.memref_slice %arg7[%dma_wait3A_783] : memref<2048xi32, #tpu.memory_space<vmem>> -> memref<256xi32, #tpu.memory_space<vmem>>
      %dma_wait3A_785 = tpu.memref_slice %arg2[%add3A_732, %add3A_692] : memref<200x16384xi32, #tpu.memory_space<hbm>> -> memref<1x256xi32, #tpu.memory_space<hbm>>
      %dma_wait3A_786 = tpu.memref_squeeze %dma_wait3A_785 : memref<1x256xi32, #tpu.memory_space<hbm>> -> memref<256xi32, #tpu.memory_space<hbm>>
      %dma_wait3A_787 = arith.constant 1536 : i32
      %dma_wait3A_788 = tpu.memref_slice %arg7[%dma_wait3A_787] : memref<2048xi32, #tpu.memory_space<vmem>> -> memref<256xi32, #tpu.memory_space<vmem>>
      %dma_wait3A_789 = tpu.memref_slice %arg2[%add3A_732, %add3A_692] : memref<200x16384xi32, #tpu.memory_space<hbm>> -> memref<1x256xi32, #tpu.memory_space<hbm>>
      %dma_wait3A_790 = tpu.memref_squeeze %dma_wait3A_789 : memref<1x256xi32, #tpu.memory_space<hbm>> -> memref<256xi32, #tpu.memory_space<hbm>>
      tpu.wait_dma2 semaphore(%arg11 : memref<!tpu.dma_semaphore, #tpu.memory_space<semaphore_mem>>) src(%dma_wait3A_790 : memref<256xi32, #tpu.memory_space<hbm>>) dst(%dma_wait3A_788 : memref<256xi32, #tpu.memory_space<vmem>>)
      %dma_wait3A_791 = arith.constant 1792 : i32
      %dma_wait3A_792 = tpu.memref_slice %arg7[%dma_wait3A_791] : memref<2048xi32, #tpu.memory_space<vmem>> -> memref<256xi32, #tpu.memory_space<vmem>>
      %dma_wait3A_793 = tpu.memref_slice %arg2[%add3A_734, %add3A_692] : memref<200x16384xi32, #tpu.memory_space<hbm>> -> memref<1x256xi32, #tpu.memory_space<hbm>>
      %dma_wait3A_794 = tpu.memref_squeeze %dma_wait3A_793 : memref<1x256xi32, #tpu.memory_space<hbm>> -> memref<256xi32, #tpu.memory_space<hbm>>
      %dma_wait3A_795 = arith.constant 1792 : i32
      %dma_wait3A_796 = tpu.memref_slice %arg7[%dma_wait3A_795] : memref<2048xi32, #tpu.memory_space<vmem>> -> memref<256xi32, #tpu.memory_space<vmem>>
      %dma_wait3A_797 = tpu.memref_slice %arg2[%add3A_734, %add3A_692] : memref<200x16384xi32, #tpu.memory_space<hbm>> -> memref<1x256xi32, #tpu.memory_space<hbm>>
      %dma_wait3A_798 = tpu.memref_squeeze %dma_wait3A_797 : memref<1x256xi32, #tpu.memory_space<hbm>> -> memref<256xi32, #tpu.memory_space<hbm>>
      tpu.wait_dma2 semaphore(%arg11 : memref<!tpu.dma_semaphore, #tpu.memory_space<semaphore_mem>>) src(%dma_wait3A_798 : memref<256xi32, #tpu.memory_space<hbm>>) dst(%dma_wait3A_796 : memref<256xi32, #tpu.memory_space<vmem>>)
      %ge3A_799 = arith.constant 1 : i32
      %ge3A_800 = arith.cmpi sge, %scan3A_385, %ge3A_799 : i32
      %convert_element_type3A_801 = arith.extui %ge3A_800 : i1 to i32
      %cond3A_802 = arith.constant 0 : i32
      %cond3A_803 = arith.cmpi ne, %convert_element_type3A_801, %cond3A_802 : i32
      scf.if %cond3A_803 {
        %sub3A_969 = arith.constant 2 : i32
        %sub3A_970 = arith.subi %add3A_673, %sub3A_969 : i32
        %jit3A_971 = arith.constant 2 : i32
        %eq3A_972 = arith.constant 0 : i32
        %eq3A_973 = arith.cmpi eq, %jit3A_971, %eq3A_972 : i32
        %jit3A_974 = arith.constant 1 : i32
        %select_n3A_975 = arith.select %eq3A_973, %jit3A_974, %jit3A_971 : i32
        %rem3A_976 = arith.remsi %sub3A_970, %select_n3A_975 : i32
        %ne3A_977 = arith.constant 0 : i32
        %ne3A_978 = arith.cmpi ne, %rem3A_976, %ne3A_977 : i32
        %lt3A_979 = arith.constant 0 : i32
        %lt3A_980 = arith.cmpi slt, %rem3A_976, %lt3A_979 : i32
        %lt3A_981 = arith.constant 0 : i32
        %lt3A_982 = arith.cmpi slt, %select_n3A_975, %lt3A_981 : i32
        %ne3A_983 = arith.xori %lt3A_980, %lt3A_982 : i1
        %and3A_984 = arith.andi %ne3A_983, %ne3A_978 : i1
        %add3A_985 = arith.addi %rem3A_976, %select_n3A_975 : i32
        %select_n3A_986 = arith.select %and3A_984, %add3A_985, %rem3A_976 : i32
        %mul3A_987 = arith.constant 256 : i32
        %mul3A_988 = arith.muli %select_n3A_986, %mul3A_987 : i32
        %add3A_989 = arith.addi %mul3A_2, %mul3A_988 : i32
        %jit3A_990 = arith.constant 2 : i32
        %div3A_991 = arith.divsi %sub3A_970, %jit3A_990 : i32
        %sign3A_992 = arith.constant 0 : i32
        %sign3A_993 = arith.cmpi sgt, %sub3A_970, %sign3A_992 : i32
        %sign3A_994 = arith.extui %sign3A_993 : i1 to i32
        %sign3A_995 = arith.constant 0 : i32
        %sign3A_996 = arith.cmpi slt, %sub3A_970, %sign3A_995 : i32
        %sign3A_997 = arith.extui %sign3A_996 : i1 to i32
        %sign3A_998 = arith.subi %sign3A_994, %sign3A_997 : i32
        %sign3A_999 = arith.constant 0 : i32
        %sign3A_1000 = arith.cmpi sgt, %jit3A_990, %sign3A_999 : i32
        %sign3A_1001 = arith.extui %sign3A_1000 : i1 to i32
        %sign3A_1002 = arith.constant 0 : i32
        %sign3A_1003 = arith.cmpi slt, %jit3A_990, %sign3A_1002 : i32
        %sign3A_1004 = arith.extui %sign3A_1003 : i1 to i32
        %sign3A_1005 = arith.subi %sign3A_1001, %sign3A_1004 : i32
        %ne3A_1006 = arith.cmpi ne, %sign3A_998, %sign3A_1005 : i32
        %rem3A_1007 = arith.remsi %sub3A_970, %jit3A_990 : i32
        %ne3A_1008 = arith.constant 0 : i32
        %ne3A_1009 = arith.cmpi ne, %rem3A_1007, %ne3A_1008 : i32
        %and3A_1010 = arith.andi %ne3A_1006, %ne3A_1009 : i1
        %sub3A_1011 = arith.constant 1 : i32
        %sub3A_1012 = arith.subi %div3A_991, %sub3A_1011 : i32
        %select_n3A_1013 = arith.select %and3A_1010, %sub3A_1012, %div3A_991 : i32
        %mul3A_1014 = arith.constant 8 : i32
        %mul3A_1015 = arith.muli %select_n3A_1013, %mul3A_1014 : i32
        %add3A_1016 = arith.constant 0 : i32
        %add3A_1017 = arith.addi %mul3A_1015, %add3A_1016 : i32
        %add3A_1018 = arith.constant 1 : i32
        %add3A_1019 = arith.addi %mul3A_1015, %add3A_1018 : i32
        %add3A_1020 = arith.constant 2 : i32
        %add3A_1021 = arith.addi %mul3A_1015, %add3A_1020 : i32
        %add3A_1022 = arith.constant 3 : i32
        %add3A_1023 = arith.addi %mul3A_1015, %add3A_1022 : i32
        %add3A_1024 = arith.constant 4 : i32
        %add3A_1025 = arith.addi %mul3A_1015, %add3A_1024 : i32
        %add3A_1026 = arith.constant 5 : i32
        %add3A_1027 = arith.addi %mul3A_1015, %add3A_1026 : i32
        %add3A_1028 = arith.constant 6 : i32
        %add3A_1029 = arith.addi %mul3A_1015, %add3A_1028 : i32
        %add3A_1030 = arith.constant 7 : i32
        %add3A_1031 = arith.addi %mul3A_1015, %add3A_1030 : i32
        %dma_wait3A_1032 = arith.constant 0 : i32
        %dma_wait3A_1033 = arith.constant 0 : i32
        %dma_wait3A_1034 = tpu.memref_slice %arg9[%dma_wait3A_1032, %dma_wait3A_1033] : memref<10x2048xf32, #tpu.memory_space<vmem>> -> memref<10x256xf32, #tpu.memory_space<vmem>>
        %dma_wait3A_1035 = arith.constant 0 : i32
        %dma_wait3A_1036 = tpu.memref_slice %arg4[%dma_wait3A_1035, %add3A_1017, %add3A_989] : memref<10x200x16384xf32, #tpu.memory_space<hbm>> -> memref<10x1x256xf32, #tpu.memory_space<hbm>>
        %dma_wait3A_1037 = tpu.memref_squeeze %dma_wait3A_1036 : memref<10x1x256xf32, #tpu.memory_space<hbm>> -> memref<10x256xf32, #tpu.memory_space<hbm>>
        %dma_wait3A_1038 = arith.constant 0 : i32
        %dma_wait3A_1039 = tpu.memref_slice %arg4[%dma_wait3A_1038, %add3A_1017, %add3A_989] : memref<10x200x16384xf32, #tpu.memory_space<hbm>> -> memref<10x1x256xf32, #tpu.memory_space<hbm>>
        %dma_wait3A_1040 = tpu.memref_squeeze %dma_wait3A_1039 : memref<10x1x256xf32, #tpu.memory_space<hbm>> -> memref<10x256xf32, #tpu.memory_space<hbm>>
        %dma_wait3A_1041 = arith.constant 0 : i32
        %dma_wait3A_1042 = arith.constant 0 : i32
        %dma_wait3A_1043 = tpu.memref_slice %arg9[%dma_wait3A_1041, %dma_wait3A_1042] : memref<10x2048xf32, #tpu.memory_space<vmem>> -> memref<10x256xf32, #tpu.memory_space<vmem>>
        tpu.wait_dma2 semaphore(%arg13 : memref<!tpu.dma_semaphore, #tpu.memory_space<semaphore_mem>>) src(%dma_wait3A_1043 : memref<10x256xf32, #tpu.memory_space<vmem>>) dst(%dma_wait3A_1040 : memref<10x256xf32, #tpu.memory_space<hbm>>)
        %dma_wait3A_1044 = arith.constant 0 : i32
        %dma_wait3A_1045 = arith.constant 256 : i32
        %dma_wait3A_1046 = tpu.memref_slice %arg9[%dma_wait3A_1044, %dma_wait3A_1045] : memref<10x2048xf32, #tpu.memory_space<vmem>> -> memref<10x256xf32, #tpu.memory_space<vmem>>
        %dma_wait3A_1047 = arith.constant 0 : i32
        %dma_wait3A_1048 = tpu.memref_slice %arg4[%dma_wait3A_1047, %add3A_1019, %add3A_989] : memref<10x200x16384xf32, #tpu.memory_space<hbm>> -> memref<10x1x256xf32, #tpu.memory_space<hbm>>
        %dma_wait3A_1049 = tpu.memref_squeeze %dma_wait3A_1048 : memref<10x1x256xf32, #tpu.memory_space<hbm>> -> memref<10x256xf32, #tpu.memory_space<hbm>>
        %dma_wait3A_1050 = arith.constant 0 : i32
        %dma_wait3A_1051 = tpu.memref_slice %arg4[%dma_wait3A_1050, %add3A_1019, %add3A_989] : memref<10x200x16384xf32, #tpu.memory_space<hbm>> -> memref<10x1x256xf32, #tpu.memory_space<hbm>>
        %dma_wait3A_1052 = tpu.memref_squeeze %dma_wait3A_1051 : memref<10x1x256xf32, #tpu.memory_space<hbm>> -> memref<10x256xf32, #tpu.memory_space<hbm>>
        %dma_wait3A_1053 = arith.constant 0 : i32
        %dma_wait3A_1054 = arith.constant 256 : i32
        %dma_wait3A_1055 = tpu.memref_slice %arg9[%dma_wait3A_1053, %dma_wait3A_1054] : memref<10x2048xf32, #tpu.memory_space<vmem>> -> memref<10x256xf32, #tpu.memory_space<vmem>>
        tpu.wait_dma2 semaphore(%arg13 : memref<!tpu.dma_semaphore, #tpu.memory_space<semaphore_mem>>) src(%dma_wait3A_1055 : memref<10x256xf32, #tpu.memory_space<vmem>>) dst(%dma_wait3A_1052 : memref<10x256xf32, #tpu.memory_space<hbm>>)
        %dma_wait3A_1056 = arith.constant 0 : i32
        %dma_wait3A_1057 = arith.constant 512 : i32
        %dma_wait3A_1058 = tpu.memref_slice %arg9[%dma_wait3A_1056, %dma_wait3A_1057] : memref<10x2048xf32, #tpu.memory_space<vmem>> -> memref<10x256xf32, #tpu.memory_space<vmem>>
        %dma_wait3A_1059 = arith.constant 0 : i32
        %dma_wait3A_1060 = tpu.memref_slice %arg4[%dma_wait3A_1059, %add3A_1021, %add3A_989] : memref<10x200x16384xf32, #tpu.memory_space<hbm>> -> memref<10x1x256xf32, #tpu.memory_space<hbm>>
        %dma_wait3A_1061 = tpu.memref_squeeze %dma_wait3A_1060 : memref<10x1x256xf32, #tpu.memory_space<hbm>> -> memref<10x256xf32, #tpu.memory_space<hbm>>
        %dma_wait3A_1062 = arith.constant 0 : i32
        %dma_wait3A_1063 = tpu.memref_slice %arg4[%dma_wait3A_1062, %add3A_1021, %add3A_989] : memref<10x200x16384xf32, #tpu.memory_space<hbm>> -> memref<10x1x256xf32, #tpu.memory_space<hbm>>
        %dma_wait3A_1064 = tpu.memref_squeeze %dma_wait3A_1063 : memref<10x1x256xf32, #tpu.memory_space<hbm>> -> memref<10x256xf32, #tpu.memory_space<hbm>>
        %dma_wait3A_1065 = arith.constant 0 : i32
        %dma_wait3A_1066 = arith.constant 512 : i32
        %dma_wait3A_1067 = tpu.memref_slice %arg9[%dma_wait3A_1065, %dma_wait3A_1066] : memref<10x2048xf32, #tpu.memory_space<vmem>> -> memref<10x256xf32, #tpu.memory_space<vmem>>
        tpu.wait_dma2 semaphore(%arg13 : memref<!tpu.dma_semaphore, #tpu.memory_space<semaphore_mem>>) src(%dma_wait3A_1067 : memref<10x256xf32, #tpu.memory_space<vmem>>) dst(%dma_wait3A_1064 : memref<10x256xf32, #tpu.memory_space<hbm>>)
        %dma_wait3A_1068 = arith.constant 0 : i32
        %dma_wait3A_1069 = arith.constant 768 : i32
        %dma_wait3A_1070 = tpu.memref_slice %arg9[%dma_wait3A_1068, %dma_wait3A_1069] : memref<10x2048xf32, #tpu.memory_space<vmem>> -> memref<10x256xf32, #tpu.memory_space<vmem>>
        %dma_wait3A_1071 = arith.constant 0 : i32
        %dma_wait3A_1072 = tpu.memref_slice %arg4[%dma_wait3A_1071, %add3A_1023, %add3A_989] : memref<10x200x16384xf32, #tpu.memory_space<hbm>> -> memref<10x1x256xf32, #tpu.memory_space<hbm>>
        %dma_wait3A_1073 = tpu.memref_squeeze %dma_wait3A_1072 : memref<10x1x256xf32, #tpu.memory_space<hbm>> -> memref<10x256xf32, #tpu.memory_space<hbm>>
        %dma_wait3A_1074 = arith.constant 0 : i32
        %dma_wait3A_1075 = tpu.memref_slice %arg4[%dma_wait3A_1074, %add3A_1023, %add3A_989] : memref<10x200x16384xf32, #tpu.memory_space<hbm>> -> memref<10x1x256xf32, #tpu.memory_space<hbm>>
        %dma_wait3A_1076 = tpu.memref_squeeze %dma_wait3A_1075 : memref<10x1x256xf32, #tpu.memory_space<hbm>> -> memref<10x256xf32, #tpu.memory_space<hbm>>
        %dma_wait3A_1077 = arith.constant 0 : i32
        %dma_wait3A_1078 = arith.constant 768 : i32
        %dma_wait3A_1079 = tpu.memref_slice %arg9[%dma_wait3A_1077, %dma_wait3A_1078] : memref<10x2048xf32, #tpu.memory_space<vmem>> -> memref<10x256xf32, #tpu.memory_space<vmem>>
        tpu.wait_dma2 semaphore(%arg13 : memref<!tpu.dma_semaphore, #tpu.memory_space<semaphore_mem>>) src(%dma_wait3A_1079 : memref<10x256xf32, #tpu.memory_space<vmem>>) dst(%dma_wait3A_1076 : memref<10x256xf32, #tpu.memory_space<hbm>>)
        %dma_wait3A_1080 = arith.constant 0 : i32
        %dma_wait3A_1081 = arith.constant 1024 : i32
        %dma_wait3A_1082 = tpu.memref_slice %arg9[%dma_wait3A_1080, %dma_wait3A_1081] : memref<10x2048xf32, #tpu.memory_space<vmem>> -> memref<10x256xf32, #tpu.memory_space<vmem>>
        %dma_wait3A_1083 = arith.constant 0 : i32
        %dma_wait3A_1084 = tpu.memref_slice %arg4[%dma_wait3A_1083, %add3A_1025, %add3A_989] : memref<10x200x16384xf32, #tpu.memory_space<hbm>> -> memref<10x1x256xf32, #tpu.memory_space<hbm>>
        %dma_wait3A_1085 = tpu.memref_squeeze %dma_wait3A_1084 : memref<10x1x256xf32, #tpu.memory_space<hbm>> -> memref<10x256xf32, #tpu.memory_space<hbm>>
        %dma_wait3A_1086 = arith.constant 0 : i32
        %dma_wait3A_1087 = tpu.memref_slice %arg4[%dma_wait3A_1086, %add3A_1025, %add3A_989] : memref<10x200x16384xf32, #tpu.memory_space<hbm>> -> memref<10x1x256xf32, #tpu.memory_space<hbm>>
        %dma_wait3A_1088 = tpu.memref_squeeze %dma_wait3A_1087 : memref<10x1x256xf32, #tpu.memory_space<hbm>> -> memref<10x256xf32, #tpu.memory_space<hbm>>
        %dma_wait3A_1089 = arith.constant 0 : i32
        %dma_wait3A_1090 = arith.constant 1024 : i32
        %dma_wait3A_1091 = tpu.memref_slice %arg9[%dma_wait3A_1089, %dma_wait3A_1090] : memref<10x2048xf32, #tpu.memory_space<vmem>> -> memref<10x256xf32, #tpu.memory_space<vmem>>
        tpu.wait_dma2 semaphore(%arg13 : memref<!tpu.dma_semaphore, #tpu.memory_space<semaphore_mem>>) src(%dma_wait3A_1091 : memref<10x256xf32, #tpu.memory_space<vmem>>) dst(%dma_wait3A_1088 : memref<10x256xf32, #tpu.memory_space<hbm>>)
        %dma_wait3A_1092 = arith.constant 0 : i32
        %dma_wait3A_1093 = arith.constant 1280 : i32
        %dma_wait3A_1094 = tpu.memref_slice %arg9[%dma_wait3A_1092, %dma_wait3A_1093] : memref<10x2048xf32, #tpu.memory_space<vmem>> -> memref<10x256xf32, #tpu.memory_space<vmem>>
        %dma_wait3A_1095 = arith.constant 0 : i32
        %dma_wait3A_1096 = tpu.memref_slice %arg4[%dma_wait3A_1095, %add3A_1027, %add3A_989] : memref<10x200x16384xf32, #tpu.memory_space<hbm>> -> memref<10x1x256xf32, #tpu.memory_space<hbm>>
        %dma_wait3A_1097 = tpu.memref_squeeze %dma_wait3A_1096 : memref<10x1x256xf32, #tpu.memory_space<hbm>> -> memref<10x256xf32, #tpu.memory_space<hbm>>
        %dma_wait3A_1098 = arith.constant 0 : i32
        %dma_wait3A_1099 = tpu.memref_slice %arg4[%dma_wait3A_1098, %add3A_1027, %add3A_989] : memref<10x200x16384xf32, #tpu.memory_space<hbm>> -> memref<10x1x256xf32, #tpu.memory_space<hbm>>
        %dma_wait3A_1100 = tpu.memref_squeeze %dma_wait3A_1099 : memref<10x1x256xf32, #tpu.memory_space<hbm>> -> memref<10x256xf32, #tpu.memory_space<hbm>>
        %dma_wait3A_1101 = arith.constant 0 : i32
        %dma_wait3A_1102 = arith.constant 1280 : i32
        %dma_wait3A_1103 = tpu.memref_slice %arg9[%dma_wait3A_1101, %dma_wait3A_1102] : memref<10x2048xf32, #tpu.memory_space<vmem>> -> memref<10x256xf32, #tpu.memory_space<vmem>>
        tpu.wait_dma2 semaphore(%arg13 : memref<!tpu.dma_semaphore, #tpu.memory_space<semaphore_mem>>) src(%dma_wait3A_1103 : memref<10x256xf32, #tpu.memory_space<vmem>>) dst(%dma_wait3A_1100 : memref<10x256xf32, #tpu.memory_space<hbm>>)
        %dma_wait3A_1104 = arith.constant 0 : i32
        %dma_wait3A_1105 = arith.constant 1536 : i32
        %dma_wait3A_1106 = tpu.memref_slice %arg9[%dma_wait3A_1104, %dma_wait3A_1105] : memref<10x2048xf32, #tpu.memory_space<vmem>> -> memref<10x256xf32, #tpu.memory_space<vmem>>
        %dma_wait3A_1107 = arith.constant 0 : i32
        %dma_wait3A_1108 = tpu.memref_slice %arg4[%dma_wait3A_1107, %add3A_1029, %add3A_989] : memref<10x200x16384xf32, #tpu.memory_space<hbm>> -> memref<10x1x256xf32, #tpu.memory_space<hbm>>
        %dma_wait3A_1109 = tpu.memref_squeeze %dma_wait3A_1108 : memref<10x1x256xf32, #tpu.memory_space<hbm>> -> memref<10x256xf32, #tpu.memory_space<hbm>>
        %dma_wait3A_1110 = arith.constant 0 : i32
        %dma_wait3A_1111 = tpu.memref_slice %arg4[%dma_wait3A_1110, %add3A_1029, %add3A_989] : memref<10x200x16384xf32, #tpu.memory_space<hbm>> -> memref<10x1x256xf32, #tpu.memory_space<hbm>>
        %dma_wait3A_1112 = tpu.memref_squeeze %dma_wait3A_1111 : memref<10x1x256xf32, #tpu.memory_space<hbm>> -> memref<10x256xf32, #tpu.memory_space<hbm>>
        %dma_wait3A_1113 = arith.constant 0 : i32
        %dma_wait3A_1114 = arith.constant 1536 : i32
        %dma_wait3A_1115 = tpu.memref_slice %arg9[%dma_wait3A_1113, %dma_wait3A_1114] : memref<10x2048xf32, #tpu.memory_space<vmem>> -> memref<10x256xf32, #tpu.memory_space<vmem>>
        tpu.wait_dma2 semaphore(%arg13 : memref<!tpu.dma_semaphore, #tpu.memory_space<semaphore_mem>>) src(%dma_wait3A_1115 : memref<10x256xf32, #tpu.memory_space<vmem>>) dst(%dma_wait3A_1112 : memref<10x256xf32, #tpu.memory_space<hbm>>)
        %dma_wait3A_1116 = arith.constant 0 : i32
        %dma_wait3A_1117 = arith.constant 1792 : i32
        %dma_wait3A_1118 = tpu.memref_slice %arg9[%dma_wait3A_1116, %dma_wait3A_1117] : memref<10x2048xf32, #tpu.memory_space<vmem>> -> memref<10x256xf32, #tpu.memory_space<vmem>>
        %dma_wait3A_1119 = arith.constant 0 : i32
        %dma_wait3A_1120 = tpu.memref_slice %arg4[%dma_wait3A_1119, %add3A_1031, %add3A_989] : memref<10x200x16384xf32, #tpu.memory_space<hbm>> -> memref<10x1x256xf32, #tpu.memory_space<hbm>>
        %dma_wait3A_1121 = tpu.memref_squeeze %dma_wait3A_1120 : memref<10x1x256xf32, #tpu.memory_space<hbm>> -> memref<10x256xf32, #tpu.memory_space<hbm>>
        %dma_wait3A_1122 = arith.constant 0 : i32
        %dma_wait3A_1123 = tpu.memref_slice %arg4[%dma_wait3A_1122, %add3A_1031, %add3A_989] : memref<10x200x16384xf32, #tpu.memory_space<hbm>> -> memref<10x1x256xf32, #tpu.memory_space<hbm>>
        %dma_wait3A_1124 = tpu.memref_squeeze %dma_wait3A_1123 : memref<10x1x256xf32, #tpu.memory_space<hbm>> -> memref<10x256xf32, #tpu.memory_space<hbm>>
        %dma_wait3A_1125 = arith.constant 0 : i32
        %dma_wait3A_1126 = arith.constant 1792 : i32
        %dma_wait3A_1127 = tpu.memref_slice %arg9[%dma_wait3A_1125, %dma_wait3A_1126] : memref<10x2048xf32, #tpu.memory_space<vmem>> -> memref<10x256xf32, #tpu.memory_space<vmem>>
        tpu.wait_dma2 semaphore(%arg13 : memref<!tpu.dma_semaphore, #tpu.memory_space<semaphore_mem>>) src(%dma_wait3A_1127 : memref<10x256xf32, #tpu.memory_space<vmem>>) dst(%dma_wait3A_1124 : memref<10x256xf32, #tpu.memory_space<hbm>>)
      } else {
      }
      %parallel_loop3A_804 = arith.constant 0 : i32
      %parallel_loop3A_805 = arith.constant 128 : i32
      %parallel_loop3A_806 = arith.constant 1 : i32
      scf.for %parallel_loop3A_969 = %parallel_loop3A_804 to %parallel_loop3A_805 step %parallel_loop3A_806  : i32 {
        %parallel_loop3A_970 = arith.constant 16 : i32
        %parallel_loop3A_971 = arith.muli %parallel_loop3A_969, %parallel_loop3A_970 : i32
        %parallel_loop3A_972 = arith.index_cast %parallel_loop3A_971 : i32 to index
        %parallel_loop3A_973 = tpu.vector_load %arg7[%parallel_loop3A_972] {strides = array<i32>} : memref<2048xi32, #tpu.memory_space<vmem>>, vector<16xi32>,
        %parallel_loop3A_974 = tpu.vector_load_idx %arg5[%broadcast_in_dim3A_3, %parallel_loop3A_973] : memref<16x1024xf32, #tpu.memory_space<vmem>>[vector<16xi32>, vector<16xi32>], vector<16xf32>,
        %parallel_loop3A_975 = tpu.vector_load_idx %arg5[%broadcast_in_dim3A_5, %parallel_loop3A_973] : memref<16x1024xf32, #tpu.memory_space<vmem>>[vector<16xi32>, vector<16xi32>], vector<16xf32>,
        %parallel_loop3A_976 = tpu.vector_load_idx %arg5[%broadcast_in_dim3A_7, %parallel_loop3A_973] : memref<16x1024xf32, #tpu.memory_space<vmem>>[vector<16xi32>, vector<16xi32>], vector<16xf32>,
        %parallel_loop3A_977 = tpu.vector_load_idx %arg5[%broadcast_in_dim3A_9, %parallel_loop3A_973] : memref<16x1024xf32, #tpu.memory_space<vmem>>[vector<16xi32>, vector<16xi32>], vector<16xf32>,
        %parallel_loop3A_978 = tpu.vector_load_idx %arg5[%broadcast_in_dim3A_11, %parallel_loop3A_973] : memref<16x1024xf32, #tpu.memory_space<vmem>>[vector<16xi32>, vector<16xi32>], vector<16xf32>,
        %parallel_loop3A_979 = tpu.vector_load_idx %arg5[%broadcast_in_dim3A_13, %parallel_loop3A_973] : memref<16x1024xf32, #tpu.memory_space<vmem>>[vector<16xi32>, vector<16xi32>], vector<16xf32>,
        %parallel_loop3A_980 = tpu.vector_load_idx %arg5[%broadcast_in_dim3A_15, %parallel_loop3A_973] : memref<16x1024xf32, #tpu.memory_space<vmem>>[vector<16xi32>, vector<16xi32>], vector<16xf32>,
        %parallel_loop3A_981 = tpu.vector_load_idx %arg5[%broadcast_in_dim3A_17, %parallel_loop3A_973] : memref<16x1024xf32, #tpu.memory_space<vmem>>[vector<16xi32>, vector<16xi32>], vector<16xf32>,
        %parallel_loop3A_982 = tpu.vector_load_idx %arg5[%broadcast_in_dim3A_19, %parallel_loop3A_973] : memref<16x1024xf32, #tpu.memory_space<vmem>>[vector<16xi32>, vector<16xi32>], vector<16xf32>,
        %parallel_loop3A_983 = tpu.vector_load_idx %arg5[%broadcast_in_dim3A_21, %parallel_loop3A_973] : memref<16x1024xf32, #tpu.memory_space<vmem>>[vector<16xi32>, vector<16xi32>], vector<16xf32>,
        %parallel_loop3A_984 = arith.constant 0 : i32
        %parallel_loop3A_985 = arith.index_cast %parallel_loop3A_984 : i32 to index
        %parallel_loop3A_986 = arith.index_cast %parallel_loop3A_971 : i32 to index
        %parallel_loop3A_987 = tpu.vector_load %arg9[%parallel_loop3A_985, %parallel_loop3A_986] {strides = array<i32>} : memref<10x2048xf32, #tpu.memory_space<vmem>>, vector<16xf32>,
        tpu.vector_store %arg9[%parallel_loop3A_985, %parallel_loop3A_986], %parallel_loop3A_974 {strides = array<i32>} : memref<10x2048xf32, #tpu.memory_space<vmem>>, vector<16xf32>,
        %parallel_loop3A_988 = arith.constant 1 : i32
        %parallel_loop3A_989 = arith.index_cast %parallel_loop3A_988 : i32 to index
        %parallel_loop3A_990 = arith.index_cast %parallel_loop3A_971 : i32 to index
        %parallel_loop3A_991 = tpu.vector_load %arg9[%parallel_loop3A_989, %parallel_loop3A_990] {strides = array<i32>} : memref<10x2048xf32, #tpu.memory_space<vmem>>, vector<16xf32>,
        tpu.vector_store %arg9[%parallel_loop3A_989, %parallel_loop3A_990], %parallel_loop3A_975 {strides = array<i32>} : memref<10x2048xf32, #tpu.memory_space<vmem>>, vector<16xf32>,
        %parallel_loop3A_992 = arith.constant 2 : i32
        %parallel_loop3A_993 = arith.index_cast %parallel_loop3A_992 : i32 to index
        %parallel_loop3A_994 = arith.index_cast %parallel_loop3A_971 : i32 to index
        %parallel_loop3A_995 = tpu.vector_load %arg9[%parallel_loop3A_993, %parallel_loop3A_994] {strides = array<i32>} : memref<10x2048xf32, #tpu.memory_space<vmem>>, vector<16xf32>,
        tpu.vector_store %arg9[%parallel_loop3A_993, %parallel_loop3A_994], %parallel_loop3A_976 {strides = array<i32>} : memref<10x2048xf32, #tpu.memory_space<vmem>>, vector<16xf32>,
        %parallel_loop3A_996 = arith.constant 3 : i32
        %parallel_loop3A_997 = arith.index_cast %parallel_loop3A_996 : i32 to index
        %parallel_loop3A_998 = arith.index_cast %parallel_loop3A_971 : i32 to index
        %parallel_loop3A_999 = tpu.vector_load %arg9[%parallel_loop3A_997, %parallel_loop3A_998] {strides = array<i32>} : memref<10x2048xf32, #tpu.memory_space<vmem>>, vector<16xf32>,
        tpu.vector_store %arg9[%parallel_loop3A_997, %parallel_loop3A_998], %parallel_loop3A_977 {strides = array<i32>} : memref<10x2048xf32, #tpu.memory_space<vmem>>, vector<16xf32>,
        %parallel_loop3A_1000 = arith.constant 4 : i32
        %parallel_loop3A_1001 = arith.index_cast %parallel_loop3A_1000 : i32 to index
        %parallel_loop3A_1002 = arith.index_cast %parallel_loop3A_971 : i32 to index
        %parallel_loop3A_1003 = tpu.vector_load %arg9[%parallel_loop3A_1001, %parallel_loop3A_1002] {strides = array<i32>} : memref<10x2048xf32, #tpu.memory_space<vmem>>, vector<16xf32>,
        tpu.vector_store %arg9[%parallel_loop3A_1001, %parallel_loop3A_1002], %parallel_loop3A_978 {strides = array<i32>} : memref<10x2048xf32, #tpu.memory_space<vmem>>, vector<16xf32>,
        %parallel_loop3A_1004 = arith.constant 5 : i32
        %parallel_loop3A_1005 = arith.index_cast %parallel_loop3A_1004 : i32 to index
        %parallel_loop3A_1006 = arith.index_cast %parallel_loop3A_971 : i32 to index
        %parallel_loop3A_1007 = tpu.vector_load %arg9[%parallel_loop3A_1005, %parallel_loop3A_1006] {strides = array<i32>} : memref<10x2048xf32, #tpu.memory_space<vmem>>, vector<16xf32>,
        tpu.vector_store %arg9[%parallel_loop3A_1005, %parallel_loop3A_1006], %parallel_loop3A_979 {strides = array<i32>} : memref<10x2048xf32, #tpu.memory_space<vmem>>, vector<16xf32>,
        %parallel_loop3A_1008 = arith.constant 6 : i32
        %parallel_loop3A_1009 = arith.index_cast %parallel_loop3A_1008 : i32 to index
        %parallel_loop3A_1010 = arith.index_cast %parallel_loop3A_971 : i32 to index
        %parallel_loop3A_1011 = tpu.vector_load %arg9[%parallel_loop3A_1009, %parallel_loop3A_1010] {strides = array<i32>} : memref<10x2048xf32, #tpu.memory_space<vmem>>, vector<16xf32>,
        tpu.vector_store %arg9[%parallel_loop3A_1009, %parallel_loop3A_1010], %parallel_loop3A_980 {strides = array<i32>} : memref<10x2048xf32, #tpu.memory_space<vmem>>, vector<16xf32>,
        %parallel_loop3A_1012 = arith.constant 7 : i32
        %parallel_loop3A_1013 = arith.index_cast %parallel_loop3A_1012 : i32 to index
        %parallel_loop3A_1014 = arith.index_cast %parallel_loop3A_971 : i32 to index
        %parallel_loop3A_1015 = tpu.vector_load %arg9[%parallel_loop3A_1013, %parallel_loop3A_1014] {strides = array<i32>} : memref<10x2048xf32, #tpu.memory_space<vmem>>, vector<16xf32>,
        tpu.vector_store %arg9[%parallel_loop3A_1013, %parallel_loop3A_1014], %parallel_loop3A_981 {strides = array<i32>} : memref<10x2048xf32, #tpu.memory_space<vmem>>, vector<16xf32>,
        %parallel_loop3A_1016 = arith.constant 8 : i32
        %parallel_loop3A_1017 = arith.index_cast %parallel_loop3A_1016 : i32 to index
        %parallel_loop3A_1018 = arith.index_cast %parallel_loop3A_971 : i32 to index
        %parallel_loop3A_1019 = tpu.vector_load %arg9[%parallel_loop3A_1017, %parallel_loop3A_1018] {strides = array<i32>} : memref<10x2048xf32, #tpu.memory_space<vmem>>, vector<16xf32>,
        tpu.vector_store %arg9[%parallel_loop3A_1017, %parallel_loop3A_1018], %parallel_loop3A_982 {strides = array<i32>} : memref<10x2048xf32, #tpu.memory_space<vmem>>, vector<16xf32>,
        %parallel_loop3A_1020 = arith.constant 9 : i32
        %parallel_loop3A_1021 = arith.index_cast %parallel_loop3A_1020 : i32 to index
        %parallel_loop3A_1022 = arith.index_cast %parallel_loop3A_971 : i32 to index
        %parallel_loop3A_1023 = tpu.vector_load %arg9[%parallel_loop3A_1021, %parallel_loop3A_1022] {strides = array<i32>} : memref<10x2048xf32, #tpu.memory_space<vmem>>, vector<16xf32>,
        tpu.vector_store %arg9[%parallel_loop3A_1021, %parallel_loop3A_1022], %parallel_loop3A_983 {strides = array<i32>} : memref<10x2048xf32, #tpu.memory_space<vmem>>, vector<16xf32>,
      } {sc.loop_unroll_factor = 2 : i64, sc.parallel_access}
      %jit3A_807 = arith.constant 2 : i32
      %eq3A_808 = arith.constant 0 : i32
      %eq3A_809 = arith.cmpi eq, %jit3A_807, %eq3A_808 : i32
      %jit3A_810 = arith.constant 1 : i32
      %select_n3A_811 = arith.select %eq3A_809, %jit3A_810, %jit3A_807 : i32
      %rem3A_812 = arith.remsi %add3A_673, %select_n3A_811 : i32
      %ne3A_813 = arith.constant 0 : i32
      %ne3A_814 = arith.cmpi ne, %rem3A_812, %ne3A_813 : i32
      %lt3A_815 = arith.constant 0 : i32
      %lt3A_816 = arith.cmpi slt, %rem3A_812, %lt3A_815 : i32
      %lt3A_817 = arith.constant 0 : i32
      %lt3A_818 = arith.cmpi slt, %select_n3A_811, %lt3A_817 : i32
      %ne3A_819 = arith.xori %lt3A_816, %lt3A_818 : i1
      %and3A_820 = arith.andi %ne3A_819, %ne3A_814 : i1
      %add3A_821 = arith.addi %rem3A_812, %select_n3A_811 : i32
      %select_n3A_822 = arith.select %and3A_820, %add3A_821, %rem3A_812 : i32
      %mul3A_823 = arith.constant 256 : i32
      %mul3A_824 = arith.muli %select_n3A_822, %mul3A_823 : i32
      %add3A_825 = arith.addi %mul3A_2, %mul3A_824 : i32
      %jit3A_826 = arith.constant 2 : i32
      %div3A_827 = arith.divsi %add3A_673, %jit3A_826 : i32
      %sign3A_828 = arith.constant 0 : i32
      %sign3A_829 = arith.cmpi sgt, %add3A_673, %sign3A_828 : i32
      %sign3A_830 = arith.extui %sign3A_829 : i1 to i32
      %sign3A_831 = arith.constant 0 : i32
      %sign3A_832 = arith.cmpi slt, %add3A_673, %sign3A_831 : i32
      %sign3A_833 = arith.extui %sign3A_832 : i1 to i32
      %sign3A_834 = arith.subi %sign3A_830, %sign3A_833 : i32
      %sign3A_835 = arith.constant 0 : i32
      %sign3A_836 = arith.cmpi sgt, %jit3A_826, %sign3A_835 : i32
      %sign3A_837 = arith.extui %sign3A_836 : i1 to i32
      %sign3A_838 = arith.constant 0 : i32
      %sign3A_839 = arith.cmpi slt, %jit3A_826, %sign3A_838 : i32
      %sign3A_840 = arith.extui %sign3A_839 : i1 to i32
      %sign3A_841 = arith.subi %sign3A_837, %sign3A_840 : i32
      %ne3A_842 = arith.cmpi ne, %sign3A_834, %sign3A_841 : i32
      %rem3A_843 = arith.remsi %add3A_673, %jit3A_826 : i32
      %ne3A_844 = arith.constant 0 : i32
      %ne3A_845 = arith.cmpi ne, %rem3A_843, %ne3A_844 : i32
      %and3A_846 = arith.andi %ne3A_842, %ne3A_845 : i1
      %sub3A_847 = arith.constant 1 : i32
      %sub3A_848 = arith.subi %div3A_827, %sub3A_847 : i32
      %select_n3A_849 = arith.select %and3A_846, %sub3A_848, %div3A_827 : i32
      %mul3A_850 = arith.constant 8 : i32
      %mul3A_851 = arith.muli %select_n3A_849, %mul3A_850 : i32
      %add3A_852 = arith.constant 0 : i32
      %add3A_853 = arith.addi %mul3A_851, %add3A_852 : i32
      %add3A_854 = arith.constant 1 : i32
      %add3A_855 = arith.addi %mul3A_851, %add3A_854 : i32
      %add3A_856 = arith.constant 2 : i32
      %add3A_857 = arith.addi %mul3A_851, %add3A_856 : i32
      %add3A_858 = arith.constant 3 : i32
      %add3A_859 = arith.addi %mul3A_851, %add3A_858 : i32
      %add3A_860 = arith.constant 4 : i32
      %add3A_861 = arith.addi %mul3A_851, %add3A_860 : i32
      %add3A_862 = arith.constant 5 : i32
      %add3A_863 = arith.addi %mul3A_851, %add3A_862 : i32
      %add3A_864 = arith.constant 6 : i32
      %add3A_865 = arith.addi %mul3A_851, %add3A_864 : i32
      %add3A_866 = arith.constant 7 : i32
      %add3A_867 = arith.addi %mul3A_851, %add3A_866 : i32
      %dma_start3A_868 = arith.constant 0 : i32
      %dma_start3A_869 = arith.constant 0 : i32
      %dma_start3A_870 = tpu.memref_slice %arg9[%dma_start3A_868, %dma_start3A_869] : memref<10x2048xf32, #tpu.memory_space<vmem>> -> memref<10x256xf32, #tpu.memory_space<vmem>>
      %dma_start3A_871 = arith.constant 0 : i32
      %dma_start3A_872 = tpu.memref_slice %arg4[%dma_start3A_871, %add3A_853, %add3A_825] : memref<10x200x16384xf32, #tpu.memory_space<hbm>> -> memref<10x1x256xf32, #tpu.memory_space<hbm>>
      %dma_start3A_873 = tpu.memref_squeeze %dma_start3A_872 : memref<10x1x256xf32, #tpu.memory_space<hbm>> -> memref<10x256xf32, #tpu.memory_space<hbm>>
      %dma_start3A_874 = arith.constant 0 : i32
      %dma_start3A_875 = tpu.memref_slice %arg4[%dma_start3A_874, %add3A_853, %add3A_825] : memref<10x200x16384xf32, #tpu.memory_space<hbm>> -> memref<10x1x256xf32, #tpu.memory_space<hbm>>
      %dma_start3A_876 = tpu.memref_squeeze %dma_start3A_875 : memref<10x1x256xf32, #tpu.memory_space<hbm>> -> memref<10x256xf32, #tpu.memory_space<hbm>>
      %dma_start3A_877 = arith.constant 0 : i32
      %dma_start3A_878 = arith.constant 0 : i32
      %dma_start3A_879 = tpu.memref_slice %arg9[%dma_start3A_877, %dma_start3A_878] : memref<10x2048xf32, #tpu.memory_space<vmem>> -> memref<10x256xf32, #tpu.memory_space<vmem>>
      tpu.enqueue_dma source(%dma_start3A_879 : memref<10x256xf32, #tpu.memory_space<vmem>>) target(%dma_start3A_876 : memref<10x256xf32, #tpu.memory_space<hbm>>) target_semaphore(%arg13 : memref<!tpu.dma_semaphore, #tpu.memory_space<semaphore_mem>>)
      %dma_start3A_880 = arith.constant 0 : i32
      %dma_start3A_881 = arith.constant 256 : i32
      %dma_start3A_882 = tpu.memref_slice %arg9[%dma_start3A_880, %dma_start3A_881] : memref<10x2048xf32, #tpu.memory_space<vmem>> -> memref<10x256xf32, #tpu.memory_space<vmem>>
      %dma_start3A_883 = arith.constant 0 : i32
      %dma_start3A_884 = tpu.memref_slice %arg4[%dma_start3A_883, %add3A_855, %add3A_825] : memref<10x200x16384xf32, #tpu.memory_space<hbm>> -> memref<10x1x256xf32, #tpu.memory_space<hbm>>
      %dma_start3A_885 = tpu.memref_squeeze %dma_start3A_884 : memref<10x1x256xf32, #tpu.memory_space<hbm>> -> memref<10x256xf32, #tpu.memory_space<hbm>>
      %dma_start3A_886 = arith.constant 0 : i32
      %dma_start3A_887 = tpu.memref_slice %arg4[%dma_start3A_886, %add3A_855, %add3A_825] : memref<10x200x16384xf32, #tpu.memory_space<hbm>> -> memref<10x1x256xf32, #tpu.memory_space<hbm>>
      %dma_start3A_888 = tpu.memref_squeeze %dma_start3A_887 : memref<10x1x256xf32, #tpu.memory_space<hbm>> -> memref<10x256xf32, #tpu.memory_space<hbm>>
      %dma_start3A_889 = arith.constant 0 : i32
      %dma_start3A_890 = arith.constant 256 : i32
      %dma_start3A_891 = tpu.memref_slice %arg9[%dma_start3A_889, %dma_start3A_890] : memref<10x2048xf32, #tpu.memory_space<vmem>> -> memref<10x256xf32, #tpu.memory_space<vmem>>
      tpu.enqueue_dma source(%dma_start3A_891 : memref<10x256xf32, #tpu.memory_space<vmem>>) target(%dma_start3A_888 : memref<10x256xf32, #tpu.memory_space<hbm>>) target_semaphore(%arg13 : memref<!tpu.dma_semaphore, #tpu.memory_space<semaphore_mem>>)
      %dma_start3A_892 = arith.constant 0 : i32
      %dma_start3A_893 = arith.constant 512 : i32
      %dma_start3A_894 = tpu.memref_slice %arg9[%dma_start3A_892, %dma_start3A_893] : memref<10x2048xf32, #tpu.memory_space<vmem>> -> memref<10x256xf32, #tpu.memory_space<vmem>>
      %dma_start3A_895 = arith.constant 0 : i32
      %dma_start3A_896 = tpu.memref_slice %arg4[%dma_start3A_895, %add3A_857, %add3A_825] : memref<10x200x16384xf32, #tpu.memory_space<hbm>> -> memref<10x1x256xf32, #tpu.memory_space<hbm>>
      %dma_start3A_897 = tpu.memref_squeeze %dma_start3A_896 : memref<10x1x256xf32, #tpu.memory_space<hbm>> -> memref<10x256xf32, #tpu.memory_space<hbm>>
      %dma_start3A_898 = arith.constant 0 : i32
      %dma_start3A_899 = tpu.memref_slice %arg4[%dma_start3A_898, %add3A_857, %add3A_825] : memref<10x200x16384xf32, #tpu.memory_space<hbm>> -> memref<10x1x256xf32, #tpu.memory_space<hbm>>
      %dma_start3A_900 = tpu.memref_squeeze %dma_start3A_899 : memref<10x1x256xf32, #tpu.memory_space<hbm>> -> memref<10x256xf32, #tpu.memory_space<hbm>>
      %dma_start3A_901 = arith.constant 0 : i32
      %dma_start3A_902 = arith.constant 512 : i32
      %dma_start3A_903 = tpu.memref_slice %arg9[%dma_start3A_901, %dma_start3A_902] : memref<10x2048xf32, #tpu.memory_space<vmem>> -> memref<10x256xf32, #tpu.memory_space<vmem>>
      tpu.enqueue_dma source(%dma_start3A_903 : memref<10x256xf32, #tpu.memory_space<vmem>>) target(%dma_start3A_900 : memref<10x256xf32, #tpu.memory_space<hbm>>) target_semaphore(%arg13 : memref<!tpu.dma_semaphore, #tpu.memory_space<semaphore_mem>>)
      %dma_start3A_904 = arith.constant 0 : i32
      %dma_start3A_905 = arith.constant 768 : i32
      %dma_start3A_906 = tpu.memref_slice %arg9[%dma_start3A_904, %dma_start3A_905] : memref<10x2048xf32, #tpu.memory_space<vmem>> -> memref<10x256xf32, #tpu.memory_space<vmem>>
      %dma_start3A_907 = arith.constant 0 : i32
      %dma_start3A_908 = tpu.memref_slice %arg4[%dma_start3A_907, %add3A_859, %add3A_825] : memref<10x200x16384xf32, #tpu.memory_space<hbm>> -> memref<10x1x256xf32, #tpu.memory_space<hbm>>
      %dma_start3A_909 = tpu.memref_squeeze %dma_start3A_908 : memref<10x1x256xf32, #tpu.memory_space<hbm>> -> memref<10x256xf32, #tpu.memory_space<hbm>>
      %dma_start3A_910 = arith.constant 0 : i32
      %dma_start3A_911 = tpu.memref_slice %arg4[%dma_start3A_910, %add3A_859, %add3A_825] : memref<10x200x16384xf32, #tpu.memory_space<hbm>> -> memref<10x1x256xf32, #tpu.memory_space<hbm>>
      %dma_start3A_912 = tpu.memref_squeeze %dma_start3A_911 : memref<10x1x256xf32, #tpu.memory_space<hbm>> -> memref<10x256xf32, #tpu.memory_space<hbm>>
      %dma_start3A_913 = arith.constant 0 : i32
      %dma_start3A_914 = arith.constant 768 : i32
      %dma_start3A_915 = tpu.memref_slice %arg9[%dma_start3A_913, %dma_start3A_914] : memref<10x2048xf32, #tpu.memory_space<vmem>> -> memref<10x256xf32, #tpu.memory_space<vmem>>
      tpu.enqueue_dma source(%dma_start3A_915 : memref<10x256xf32, #tpu.memory_space<vmem>>) target(%dma_start3A_912 : memref<10x256xf32, #tpu.memory_space<hbm>>) target_semaphore(%arg13 : memref<!tpu.dma_semaphore, #tpu.memory_space<semaphore_mem>>)
      %dma_start3A_916 = arith.constant 0 : i32
      %dma_start3A_917 = arith.constant 1024 : i32
      %dma_start3A_918 = tpu.memref_slice %arg9[%dma_start3A_916, %dma_start3A_917] : memref<10x2048xf32, #tpu.memory_space<vmem>> -> memref<10x256xf32, #tpu.memory_space<vmem>>
      %dma_start3A_919 = arith.constant 0 : i32
      %dma_start3A_920 = tpu.memref_slice %arg4[%dma_start3A_919, %add3A_861, %add3A_825] : memref<10x200x16384xf32, #tpu.memory_space<hbm>> -> memref<10x1x256xf32, #tpu.memory_space<hbm>>
      %dma_start3A_921 = tpu.memref_squeeze %dma_start3A_920 : memref<10x1x256xf32, #tpu.memory_space<hbm>> -> memref<10x256xf32, #tpu.memory_space<hbm>>
      %dma_start3A_922 = arith.constant 0 : i32
      %dma_start3A_923 = tpu.memref_slice %arg4[%dma_start3A_922, %add3A_861, %add3A_825] : memref<10x200x16384xf32, #tpu.memory_space<hbm>> -> memref<10x1x256xf32, #tpu.memory_space<hbm>>
      %dma_start3A_924 = tpu.memref_squeeze %dma_start3A_923 : memref<10x1x256xf32, #tpu.memory_space<hbm>> -> memref<10x256xf32, #tpu.memory_space<hbm>>
      %dma_start3A_925 = arith.constant 0 : i32
      %dma_start3A_926 = arith.constant 1024 : i32
      %dma_start3A_927 = tpu.memref_slice %arg9[%dma_start3A_925, %dma_start3A_926] : memref<10x2048xf32, #tpu.memory_space<vmem>> -> memref<10x256xf32, #tpu.memory_space<vmem>>
      tpu.enqueue_dma source(%dma_start3A_927 : memref<10x256xf32, #tpu.memory_space<vmem>>) target(%dma_start3A_924 : memref<10x256xf32, #tpu.memory_space<hbm>>) target_semaphore(%arg13 : memref<!tpu.dma_semaphore, #tpu.memory_space<semaphore_mem>>)
      %dma_start3A_928 = arith.constant 0 : i32
      %dma_start3A_929 = arith.constant 1280 : i32
      %dma_start3A_930 = tpu.memref_slice %arg9[%dma_start3A_928, %dma_start3A_929] : memref<10x2048xf32, #tpu.memory_space<vmem>> -> memref<10x256xf32, #tpu.memory_space<vmem>>
      %dma_start3A_931 = arith.constant 0 : i32
      %dma_start3A_932 = tpu.memref_slice %arg4[%dma_start3A_931, %add3A_863, %add3A_825] : memref<10x200x16384xf32, #tpu.memory_space<hbm>> -> memref<10x1x256xf32, #tpu.memory_space<hbm>>
      %dma_start3A_933 = tpu.memref_squeeze %dma_start3A_932 : memref<10x1x256xf32, #tpu.memory_space<hbm>> -> memref<10x256xf32, #tpu.memory_space<hbm>>
      %dma_start3A_934 = arith.constant 0 : i32
      %dma_start3A_935 = tpu.memref_slice %arg4[%dma_start3A_934, %add3A_863, %add3A_825] : memref<10x200x16384xf32, #tpu.memory_space<hbm>> -> memref<10x1x256xf32, #tpu.memory_space<hbm>>
      %dma_start3A_936 = tpu.memref_squeeze %dma_start3A_935 : memref<10x1x256xf32, #tpu.memory_space<hbm>> -> memref<10x256xf32, #tpu.memory_space<hbm>>
      %dma_start3A_937 = arith.constant 0 : i32
      %dma_start3A_938 = arith.constant 1280 : i32
      %dma_start3A_939 = tpu.memref_slice %arg9[%dma_start3A_937, %dma_start3A_938] : memref<10x2048xf32, #tpu.memory_space<vmem>> -> memref<10x256xf32, #tpu.memory_space<vmem>>
      tpu.enqueue_dma source(%dma_start3A_939 : memref<10x256xf32, #tpu.memory_space<vmem>>) target(%dma_start3A_936 : memref<10x256xf32, #tpu.memory_space<hbm>>) target_semaphore(%arg13 : memref<!tpu.dma_semaphore, #tpu.memory_space<semaphore_mem>>)
      %dma_start3A_940 = arith.constant 0 : i32
      %dma_start3A_941 = arith.constant 1536 : i32
      %dma_start3A_942 = tpu.memref_slice %arg9[%dma_start3A_940, %dma_start3A_941] : memref<10x2048xf32, #tpu.memory_space<vmem>> -> memref<10x256xf32, #tpu.memory_space<vmem>>
      %dma_start3A_943 = arith.constant 0 : i32
      %dma_start3A_944 = tpu.memref_slice %arg4[%dma_start3A_943, %add3A_865, %add3A_825] : memref<10x200x16384xf32, #tpu.memory_space<hbm>> -> memref<10x1x256xf32, #tpu.memory_space<hbm>>
      %dma_start3A_945 = tpu.memref_squeeze %dma_start3A_944 : memref<10x1x256xf32, #tpu.memory_space<hbm>> -> memref<10x256xf32, #tpu.memory_space<hbm>>
      %dma_start3A_946 = arith.constant 0 : i32
      %dma_start3A_947 = tpu.memref_slice %arg4[%dma_start3A_946, %add3A_865, %add3A_825] : memref<10x200x16384xf32, #tpu.memory_space<hbm>> -> memref<10x1x256xf32, #tpu.memory_space<hbm>>
      %dma_start3A_948 = tpu.memref_squeeze %dma_start3A_947 : memref<10x1x256xf32, #tpu.memory_space<hbm>> -> memref<10x256xf32, #tpu.memory_space<hbm>>
      %dma_start3A_949 = arith.constant 0 : i32
      %dma_start3A_950 = arith.constant 1536 : i32
      %dma_start3A_951 = tpu.memref_slice %arg9[%dma_start3A_949, %dma_start3A_950] : memref<10x2048xf32, #tpu.memory_space<vmem>> -> memref<10x256xf32, #tpu.memory_space<vmem>>
      tpu.enqueue_dma source(%dma_start3A_951 : memref<10x256xf32, #tpu.memory_space<vmem>>) target(%dma_start3A_948 : memref<10x256xf32, #tpu.memory_space<hbm>>) target_semaphore(%arg13 : memref<!tpu.dma_semaphore, #tpu.memory_space<semaphore_mem>>)
      %dma_start3A_952 = arith.constant 0 : i32
      %dma_start3A_953 = arith.constant 1792 : i32
      %dma_start3A_954 = tpu.memref_slice %arg9[%dma_start3A_952, %dma_start3A_953] : memref<10x2048xf32, #tpu.memory_space<vmem>> -> memref<10x256xf32, #tpu.memory_space<vmem>>
      %dma_start3A_955 = arith.constant 0 : i32
      %dma_start3A_956 = tpu.memref_slice %arg4[%dma_start3A_955, %add3A_867, %add3A_825] : memref<10x200x16384xf32, #tpu.memory_space<hbm>> -> memref<10x1x256xf32, #tpu.memory_space<hbm>>
      %dma_start3A_957 = tpu.memref_squeeze %dma_start3A_956 : memref<10x1x256xf32, #tpu.memory_space<hbm>> -> memref<10x256xf32, #tpu.memory_space<hbm>>
      %dma_start3A_958 = arith.constant 0 : i32
      %dma_start3A_959 = tpu.memref_slice %arg4[%dma_start3A_958, %add3A_867, %add3A_825] : memref<10x200x16384xf32, #tpu.memory_space<hbm>> -> memref<10x1x256xf32, #tpu.memory_space<hbm>>
      %dma_start3A_960 = tpu.memref_squeeze %dma_start3A_959 : memref<10x1x256xf32, #tpu.memory_space<hbm>> -> memref<10x256xf32, #tpu.memory_space<hbm>>
      %dma_start3A_961 = arith.constant 0 : i32
      %dma_start3A_962 = arith.constant 1792 : i32
      %dma_start3A_963 = tpu.memref_slice %arg9[%dma_start3A_961, %dma_start3A_962] : memref<10x2048xf32, #tpu.memory_space<vmem>> -> memref<10x256xf32, #tpu.memory_space<vmem>>
      tpu.enqueue_dma source(%dma_start3A_963 : memref<10x256xf32, #tpu.memory_space<vmem>>) target(%dma_start3A_960 : memref<10x256xf32, #tpu.memory_space<hbm>>) target_semaphore(%arg13 : memref<!tpu.dma_semaphore, #tpu.memory_space<semaphore_mem>>)
      %le3A_964 = arith.constant 23 : i32
      %le3A_965 = arith.cmpi sle, %scan3A_385, %le3A_964 : i32
      %convert_element_type3A_966 = arith.extui %le3A_965 : i1 to i32
      %cond3A_967 = arith.constant 0 : i32
      %cond3A_968 = arith.cmpi ne, %convert_element_type3A_966, %cond3A_967 : i32
      scf.if %cond3A_968 {
        %add3A_969 = arith.constant 2 : i32
        %add3A_970 = arith.addi %add3A_673, %add3A_969 : i32
        %jit3A_971 = arith.constant 2 : i32
        %eq3A_972 = arith.constant 0 : i32
        %eq3A_973 = arith.cmpi eq, %jit3A_971, %eq3A_972 : i32
        %jit3A_974 = arith.constant 1 : i32
        %select_n3A_975 = arith.select %eq3A_973, %jit3A_974, %jit3A_971 : i32
        %rem3A_976 = arith.remsi %add3A_970, %select_n3A_975 : i32
        %ne3A_977 = arith.constant 0 : i32
        %ne3A_978 = arith.cmpi ne, %rem3A_976, %ne3A_977 : i32
        %lt3A_979 = arith.constant 0 : i32
        %lt3A_980 = arith.cmpi slt, %rem3A_976, %lt3A_979 : i32
        %lt3A_981 = arith.constant 0 : i32
        %lt3A_982 = arith.cmpi slt, %select_n3A_975, %lt3A_981 : i32
        %ne3A_983 = arith.xori %lt3A_980, %lt3A_982 : i1
        %and3A_984 = arith.andi %ne3A_983, %ne3A_978 : i1
        %add3A_985 = arith.addi %rem3A_976, %select_n3A_975 : i32
        %select_n3A_986 = arith.select %and3A_984, %add3A_985, %rem3A_976 : i32
        %mul3A_987 = arith.constant 256 : i32
        %mul3A_988 = arith.muli %select_n3A_986, %mul3A_987 : i32
        %add3A_989 = arith.addi %mul3A_2, %mul3A_988 : i32
        %jit3A_990 = arith.constant 2 : i32
        %div3A_991 = arith.divsi %add3A_970, %jit3A_990 : i32
        %sign3A_992 = arith.constant 0 : i32
        %sign3A_993 = arith.cmpi sgt, %add3A_970, %sign3A_992 : i32
        %sign3A_994 = arith.extui %sign3A_993 : i1 to i32
        %sign3A_995 = arith.constant 0 : i32
        %sign3A_996 = arith.cmpi slt, %add3A_970, %sign3A_995 : i32
        %sign3A_997 = arith.extui %sign3A_996 : i1 to i32
        %sign3A_998 = arith.subi %sign3A_994, %sign3A_997 : i32
        %sign3A_999 = arith.constant 0 : i32
        %sign3A_1000 = arith.cmpi sgt, %jit3A_990, %sign3A_999 : i32
        %sign3A_1001 = arith.extui %sign3A_1000 : i1 to i32
        %sign3A_1002 = arith.constant 0 : i32
        %sign3A_1003 = arith.cmpi slt, %jit3A_990, %sign3A_1002 : i32
        %sign3A_1004 = arith.extui %sign3A_1003 : i1 to i32
        %sign3A_1005 = arith.subi %sign3A_1001, %sign3A_1004 : i32
        %ne3A_1006 = arith.cmpi ne, %sign3A_998, %sign3A_1005 : i32
        %rem3A_1007 = arith.remsi %add3A_970, %jit3A_990 : i32
        %ne3A_1008 = arith.constant 0 : i32
        %ne3A_1009 = arith.cmpi ne, %rem3A_1007, %ne3A_1008 : i32
        %and3A_1010 = arith.andi %ne3A_1006, %ne3A_1009 : i1
        %sub3A_1011 = arith.constant 1 : i32
        %sub3A_1012 = arith.subi %div3A_991, %sub3A_1011 : i32
        %select_n3A_1013 = arith.select %and3A_1010, %sub3A_1012, %div3A_991 : i32
        %mul3A_1014 = arith.constant 8 : i32
        %mul3A_1015 = arith.muli %select_n3A_1013, %mul3A_1014 : i32
        %add3A_1016 = arith.constant 0 : i32
        %add3A_1017 = arith.addi %mul3A_1015, %add3A_1016 : i32
        %add3A_1018 = arith.constant 1 : i32
        %add3A_1019 = arith.addi %mul3A_1015, %add3A_1018 : i32
        %add3A_1020 = arith.constant 2 : i32
        %add3A_1021 = arith.addi %mul3A_1015, %add3A_1020 : i32
        %add3A_1022 = arith.constant 3 : i32
        %add3A_1023 = arith.addi %mul3A_1015, %add3A_1022 : i32
        %add3A_1024 = arith.constant 4 : i32
        %add3A_1025 = arith.addi %mul3A_1015, %add3A_1024 : i32
        %add3A_1026 = arith.constant 5 : i32
        %add3A_1027 = arith.addi %mul3A_1015, %add3A_1026 : i32
        %add3A_1028 = arith.constant 6 : i32
        %add3A_1029 = arith.addi %mul3A_1015, %add3A_1028 : i32
        %add3A_1030 = arith.constant 7 : i32
        %add3A_1031 = arith.addi %mul3A_1015, %add3A_1030 : i32
        %dma_start3A_1032 = arith.constant 0 : i32
        %dma_start3A_1033 = tpu.memref_slice %arg7[%dma_start3A_1032] : memref<2048xi32, #tpu.memory_space<vmem>> -> memref<256xi32, #tpu.memory_space<vmem>>
        %dma_start3A_1034 = tpu.memref_slice %arg2[%add3A_1017, %add3A_989] : memref<200x16384xi32, #tpu.memory_space<hbm>> -> memref<1x256xi32, #tpu.memory_space<hbm>>
        %dma_start3A_1035 = tpu.memref_squeeze %dma_start3A_1034 : memref<1x256xi32, #tpu.memory_space<hbm>> -> memref<256xi32, #tpu.memory_space<hbm>>
        %dma_start3A_1036 = arith.constant 0 : i32
        %dma_start3A_1037 = tpu.memref_slice %arg7[%dma_start3A_1036] : memref<2048xi32, #tpu.memory_space<vmem>> -> memref<256xi32, #tpu.memory_space<vmem>>
        %dma_start3A_1038 = tpu.memref_slice %arg2[%add3A_1017, %add3A_989] : memref<200x16384xi32, #tpu.memory_space<hbm>> -> memref<1x256xi32, #tpu.memory_space<hbm>>
        %dma_start3A_1039 = tpu.memref_squeeze %dma_start3A_1038 : memref<1x256xi32, #tpu.memory_space<hbm>> -> memref<256xi32, #tpu.memory_space<hbm>>
        tpu.enqueue_dma source(%dma_start3A_1039 : memref<256xi32, #tpu.memory_space<hbm>>) target(%dma_start3A_1037 : memref<256xi32, #tpu.memory_space<vmem>>) target_semaphore(%arg11 : memref<!tpu.dma_semaphore, #tpu.memory_space<semaphore_mem>>)
        %dma_start3A_1040 = arith.constant 256 : i32
        %dma_start3A_1041 = tpu.memref_slice %arg7[%dma_start3A_1040] : memref<2048xi32, #tpu.memory_space<vmem>> -> memref<256xi32, #tpu.memory_space<vmem>>
        %dma_start3A_1042 = tpu.memref_slice %arg2[%add3A_1019, %add3A_989] : memref<200x16384xi32, #tpu.memory_space<hbm>> -> memref<1x256xi32, #tpu.memory_space<hbm>>
        %dma_start3A_1043 = tpu.memref_squeeze %dma_start3A_1042 : memref<1x256xi32, #tpu.memory_space<hbm>> -> memref<256xi32, #tpu.memory_space<hbm>>
        %dma_start3A_1044 = arith.constant 256 : i32
        %dma_start3A_1045 = tpu.memref_slice %arg7[%dma_start3A_1044] : memref<2048xi32, #tpu.memory_space<vmem>> -> memref<256xi32, #tpu.memory_space<vmem>>
        %dma_start3A_1046 = tpu.memref_slice %arg2[%add3A_1019, %add3A_989] : memref<200x16384xi32, #tpu.memory_space<hbm>> -> memref<1x256xi32, #tpu.memory_space<hbm>>
        %dma_start3A_1047 = tpu.memref_squeeze %dma_start3A_1046 : memref<1x256xi32, #tpu.memory_space<hbm>> -> memref<256xi32, #tpu.memory_space<hbm>>
        tpu.enqueue_dma source(%dma_start3A_1047 : memref<256xi32, #tpu.memory_space<hbm>>) target(%dma_start3A_1045 : memref<256xi32, #tpu.memory_space<vmem>>) target_semaphore(%arg11 : memref<!tpu.dma_semaphore, #tpu.memory_space<semaphore_mem>>)
        %dma_start3A_1048 = arith.constant 512 : i32
        %dma_start3A_1049 = tpu.memref_slice %arg7[%dma_start3A_1048] : memref<2048xi32, #tpu.memory_space<vmem>> -> memref<256xi32, #tpu.memory_space<vmem>>
        %dma_start3A_1050 = tpu.memref_slice %arg2[%add3A_1021, %add3A_989] : memref<200x16384xi32, #tpu.memory_space<hbm>> -> memref<1x256xi32, #tpu.memory_space<hbm>>
        %dma_start3A_1051 = tpu.memref_squeeze %dma_start3A_1050 : memref<1x256xi32, #tpu.memory_space<hbm>> -> memref<256xi32, #tpu.memory_space<hbm>>
        %dma_start3A_1052 = arith.constant 512 : i32
        %dma_start3A_1053 = tpu.memref_slice %arg7[%dma_start3A_1052] : memref<2048xi32, #tpu.memory_space<vmem>> -> memref<256xi32, #tpu.memory_space<vmem>>
        %dma_start3A_1054 = tpu.memref_slice %arg2[%add3A_1021, %add3A_989] : memref<200x16384xi32, #tpu.memory_space<hbm>> -> memref<1x256xi32, #tpu.memory_space<hbm>>
        %dma_start3A_1055 = tpu.memref_squeeze %dma_start3A_1054 : memref<1x256xi32, #tpu.memory_space<hbm>> -> memref<256xi32, #tpu.memory_space<hbm>>
        tpu.enqueue_dma source(%dma_start3A_1055 : memref<256xi32, #tpu.memory_space<hbm>>) target(%dma_start3A_1053 : memref<256xi32, #tpu.memory_space<vmem>>) target_semaphore(%arg11 : memref<!tpu.dma_semaphore, #tpu.memory_space<semaphore_mem>>)
        %dma_start3A_1056 = arith.constant 768 : i32
        %dma_start3A_1057 = tpu.memref_slice %arg7[%dma_start3A_1056] : memref<2048xi32, #tpu.memory_space<vmem>> -> memref<256xi32, #tpu.memory_space<vmem>>
        %dma_start3A_1058 = tpu.memref_slice %arg2[%add3A_1023, %add3A_989] : memref<200x16384xi32, #tpu.memory_space<hbm>> -> memref<1x256xi32, #tpu.memory_space<hbm>>
        %dma_start3A_1059 = tpu.memref_squeeze %dma_start3A_1058 : memref<1x256xi32, #tpu.memory_space<hbm>> -> memref<256xi32, #tpu.memory_space<hbm>>
        %dma_start3A_1060 = arith.constant 768 : i32
        %dma_start3A_1061 = tpu.memref_slice %arg7[%dma_start3A_1060] : memref<2048xi32, #tpu.memory_space<vmem>> -> memref<256xi32, #tpu.memory_space<vmem>>
        %dma_start3A_1062 = tpu.memref_slice %arg2[%add3A_1023, %add3A_989] : memref<200x16384xi32, #tpu.memory_space<hbm>> -> memref<1x256xi32, #tpu.memory_space<hbm>>
        %dma_start3A_1063 = tpu.memref_squeeze %dma_start3A_1062 : memref<1x256xi32, #tpu.memory_space<hbm>> -> memref<256xi32, #tpu.memory_space<hbm>>
        tpu.enqueue_dma source(%dma_start3A_1063 : memref<256xi32, #tpu.memory_space<hbm>>) target(%dma_start3A_1061 : memref<256xi32, #tpu.memory_space<vmem>>) target_semaphore(%arg11 : memref<!tpu.dma_semaphore, #tpu.memory_space<semaphore_mem>>)
        %dma_start3A_1064 = arith.constant 1024 : i32
        %dma_start3A_1065 = tpu.memref_slice %arg7[%dma_start3A_1064] : memref<2048xi32, #tpu.memory_space<vmem>> -> memref<256xi32, #tpu.memory_space<vmem>>
        %dma_start3A_1066 = tpu.memref_slice %arg2[%add3A_1025, %add3A_989] : memref<200x16384xi32, #tpu.memory_space<hbm>> -> memref<1x256xi32, #tpu.memory_space<hbm>>
        %dma_start3A_1067 = tpu.memref_squeeze %dma_start3A_1066 : memref<1x256xi32, #tpu.memory_space<hbm>> -> memref<256xi32, #tpu.memory_space<hbm>>
        %dma_start3A_1068 = arith.constant 1024 : i32
        %dma_start3A_1069 = tpu.memref_slice %arg7[%dma_start3A_1068] : memref<2048xi32, #tpu.memory_space<vmem>> -> memref<256xi32, #tpu.memory_space<vmem>>
        %dma_start3A_1070 = tpu.memref_slice %arg2[%add3A_1025, %add3A_989] : memref<200x16384xi32, #tpu.memory_space<hbm>> -> memref<1x256xi32, #tpu.memory_space<hbm>>
        %dma_start3A_1071 = tpu.memref_squeeze %dma_start3A_1070 : memref<1x256xi32, #tpu.memory_space<hbm>> -> memref<256xi32, #tpu.memory_space<hbm>>
        tpu.enqueue_dma source(%dma_start3A_1071 : memref<256xi32, #tpu.memory_space<hbm>>) target(%dma_start3A_1069 : memref<256xi32, #tpu.memory_space<vmem>>) target_semaphore(%arg11 : memref<!tpu.dma_semaphore, #tpu.memory_space<semaphore_mem>>)
        %dma_start3A_1072 = arith.constant 1280 : i32
        %dma_start3A_1073 = tpu.memref_slice %arg7[%dma_start3A_1072] : memref<2048xi32, #tpu.memory_space<vmem>> -> memref<256xi32, #tpu.memory_space<vmem>>
        %dma_start3A_1074 = tpu.memref_slice %arg2[%add3A_1027, %add3A_989] : memref<200x16384xi32, #tpu.memory_space<hbm>> -> memref<1x256xi32, #tpu.memory_space<hbm>>
        %dma_start3A_1075 = tpu.memref_squeeze %dma_start3A_1074 : memref<1x256xi32, #tpu.memory_space<hbm>> -> memref<256xi32, #tpu.memory_space<hbm>>
        %dma_start3A_1076 = arith.constant 1280 : i32
        %dma_start3A_1077 = tpu.memref_slice %arg7[%dma_start3A_1076] : memref<2048xi32, #tpu.memory_space<vmem>> -> memref<256xi32, #tpu.memory_space<vmem>>
        %dma_start3A_1078 = tpu.memref_slice %arg2[%add3A_1027, %add3A_989] : memref<200x16384xi32, #tpu.memory_space<hbm>> -> memref<1x256xi32, #tpu.memory_space<hbm>>
        %dma_start3A_1079 = tpu.memref_squeeze %dma_start3A_1078 : memref<1x256xi32, #tpu.memory_space<hbm>> -> memref<256xi32, #tpu.memory_space<hbm>>
        tpu.enqueue_dma source(%dma_start3A_1079 : memref<256xi32, #tpu.memory_space<hbm>>) target(%dma_start3A_1077 : memref<256xi32, #tpu.memory_space<vmem>>) target_semaphore(%arg11 : memref<!tpu.dma_semaphore, #tpu.memory_space<semaphore_mem>>)
        %dma_start3A_1080 = arith.constant 1536 : i32
        %dma_start3A_1081 = tpu.memref_slice %arg7[%dma_start3A_1080] : memref<2048xi32, #tpu.memory_space<vmem>> -> memref<256xi32, #tpu.memory_space<vmem>>
        %dma_start3A_1082 = tpu.memref_slice %arg2[%add3A_1029, %add3A_989] : memref<200x16384xi32, #tpu.memory_space<hbm>> -> memref<1x256xi32, #tpu.memory_space<hbm>>
        %dma_start3A_1083 = tpu.memref_squeeze %dma_start3A_1082 : memref<1x256xi32, #tpu.memory_space<hbm>> -> memref<256xi32, #tpu.memory_space<hbm>>
        %dma_start3A_1084 = arith.constant 1536 : i32
        %dma_start3A_1085 = tpu.memref_slice %arg7[%dma_start3A_1084] : memref<2048xi32, #tpu.memory_space<vmem>> -> memref<256xi32, #tpu.memory_space<vmem>>
        %dma_start3A_1086 = tpu.memref_slice %arg2[%add3A_1029, %add3A_989] : memref<200x16384xi32, #tpu.memory_space<hbm>> -> memref<1x256xi32, #tpu.memory_space<hbm>>
        %dma_start3A_1087 = tpu.memref_squeeze %dma_start3A_1086 : memref<1x256xi32, #tpu.memory_space<hbm>> -> memref<256xi32, #tpu.memory_space<hbm>>
        tpu.enqueue_dma source(%dma_start3A_1087 : memref<256xi32, #tpu.memory_space<hbm>>) target(%dma_start3A_1085 : memref<256xi32, #tpu.memory_space<vmem>>) target_semaphore(%arg11 : memref<!tpu.dma_semaphore, #tpu.memory_space<semaphore_mem>>)
        %dma_start3A_1088 = arith.constant 1792 : i32
        %dma_start3A_1089 = tpu.memref_slice %arg7[%dma_start3A_1088] : memref<2048xi32, #tpu.memory_space<vmem>> -> memref<256xi32, #tpu.memory_space<vmem>>
        %dma_start3A_1090 = tpu.memref_slice %arg2[%add3A_1031, %add3A_989] : memref<200x16384xi32, #tpu.memory_space<hbm>> -> memref<1x256xi32, #tpu.memory_space<hbm>>
        %dma_start3A_1091 = tpu.memref_squeeze %dma_start3A_1090 : memref<1x256xi32, #tpu.memory_space<hbm>> -> memref<256xi32, #tpu.memory_space<hbm>>
        %dma_start3A_1092 = arith.constant 1792 : i32
        %dma_start3A_1093 = tpu.memref_slice %arg7[%dma_start3A_1092] : memref<2048xi32, #tpu.memory_space<vmem>> -> memref<256xi32, #tpu.memory_space<vmem>>
        %dma_start3A_1094 = tpu.memref_slice %arg2[%add3A_1031, %add3A_989] : memref<200x16384xi32, #tpu.memory_space<hbm>> -> memref<1x256xi32, #tpu.memory_space<hbm>>
        %dma_start3A_1095 = tpu.memref_squeeze %dma_start3A_1094 : memref<1x256xi32, #tpu.memory_space<hbm>> -> memref<256xi32, #tpu.memory_space<hbm>>
        tpu.enqueue_dma source(%dma_start3A_1095 : memref<256xi32, #tpu.memory_space<hbm>>) target(%dma_start3A_1093 : memref<256xi32, #tpu.memory_space<vmem>>) target_semaphore(%arg11 : memref<!tpu.dma_semaphore, #tpu.memory_space<semaphore_mem>>)
      } else {
      }
    }
    %scan3A_173 = arith.constant 25 : i32
    %add3A_174 = arith.constant 0 : i32
    %add3A_175 = arith.addi %mul3A_2, %add3A_174 : i32
    %dma_wait3A = arith.constant 192 : i32
    %dma_wait3A_176 = arith.constant 0 : i32
    %dma_wait3A_177 = arith.constant 0 : i32
    %dma_wait3A_178 = tpu.memref_slice %arg8[%dma_wait3A_176, %dma_wait3A_177] : memref<10x2048xf32, #tpu.memory_space<vmem>> -> memref<10x256xf32, #tpu.memory_space<vmem>>
    %dma_wait3A_179 = arith.constant 0 : i32
    %dma_wait3A_180 = tpu.memref_slice %arg4[%dma_wait3A_179, %dma_wait3A, %add3A_175] : memref<10x200x16384xf32, #tpu.memory_space<hbm>> -> memref<10x1x256xf32, #tpu.memory_space<hbm>>
    %dma_wait3A_181 = tpu.memref_squeeze %dma_wait3A_180 : memref<10x1x256xf32, #tpu.memory_space<hbm>> -> memref<10x256xf32, #tpu.memory_space<hbm>>
    %dma_wait3A_182 = arith.constant 0 : i32
    %dma_wait3A_183 = tpu.memref_slice %arg4[%dma_wait3A_182, %dma_wait3A, %add3A_175] : memref<10x200x16384xf32, #tpu.memory_space<hbm>> -> memref<10x1x256xf32, #tpu.memory_space<hbm>>
    %dma_wait3A_184 = tpu.memref_squeeze %dma_wait3A_183 : memref<10x1x256xf32, #tpu.memory_space<hbm>> -> memref<10x256xf32, #tpu.memory_space<hbm>>
    %dma_wait3A_185 = arith.constant 0 : i32
    %dma_wait3A_186 = arith.constant 0 : i32
    %dma_wait3A_187 = tpu.memref_slice %arg8[%dma_wait3A_185, %dma_wait3A_186] : memref<10x2048xf32, #tpu.memory_space<vmem>> -> memref<10x256xf32, #tpu.memory_space<vmem>>
    tpu.wait_dma2 semaphore(%arg12 : memref<!tpu.dma_semaphore, #tpu.memory_space<semaphore_mem>>) src(%dma_wait3A_187 : memref<10x256xf32, #tpu.memory_space<vmem>>) dst(%dma_wait3A_184 : memref<10x256xf32, #tpu.memory_space<hbm>>)
    %dma_wait3A_188 = arith.constant 193 : i32
    %dma_wait3A_189 = arith.constant 0 : i32
    %dma_wait3A_190 = arith.constant 256 : i32
    %dma_wait3A_191 = tpu.memref_slice %arg8[%dma_wait3A_189, %dma_wait3A_190] : memref<10x2048xf32, #tpu.memory_space<vmem>> -> memref<10x256xf32, #tpu.memory_space<vmem>>
    %dma_wait3A_192 = arith.constant 0 : i32
    %dma_wait3A_193 = tpu.memref_slice %arg4[%dma_wait3A_192, %dma_wait3A_188, %add3A_175] : memref<10x200x16384xf32, #tpu.memory_space<hbm>> -> memref<10x1x256xf32, #tpu.memory_space<hbm>>
    %dma_wait3A_194 = tpu.memref_squeeze %dma_wait3A_193 : memref<10x1x256xf32, #tpu.memory_space<hbm>> -> memref<10x256xf32, #tpu.memory_space<hbm>>
    %dma_wait3A_195 = arith.constant 0 : i32
    %dma_wait3A_196 = tpu.memref_slice %arg4[%dma_wait3A_195, %dma_wait3A_188, %add3A_175] : memref<10x200x16384xf32, #tpu.memory_space<hbm>> -> memref<10x1x256xf32, #tpu.memory_space<hbm>>
    %dma_wait3A_197 = tpu.memref_squeeze %dma_wait3A_196 : memref<10x1x256xf32, #tpu.memory_space<hbm>> -> memref<10x256xf32, #tpu.memory_space<hbm>>
    %dma_wait3A_198 = arith.constant 0 : i32
    %dma_wait3A_199 = arith.constant 256 : i32
    %dma_wait3A_200 = tpu.memref_slice %arg8[%dma_wait3A_198, %dma_wait3A_199] : memref<10x2048xf32, #tpu.memory_space<vmem>> -> memref<10x256xf32, #tpu.memory_space<vmem>>
    tpu.wait_dma2 semaphore(%arg12 : memref<!tpu.dma_semaphore, #tpu.memory_space<semaphore_mem>>) src(%dma_wait3A_200 : memref<10x256xf32, #tpu.memory_space<vmem>>) dst(%dma_wait3A_197 : memref<10x256xf32, #tpu.memory_space<hbm>>)
    %dma_wait3A_201 = arith.constant 194 : i32
    %dma_wait3A_202 = arith.constant 0 : i32
    %dma_wait3A_203 = arith.constant 512 : i32
    %dma_wait3A_204 = tpu.memref_slice %arg8[%dma_wait3A_202, %dma_wait3A_203] : memref<10x2048xf32, #tpu.memory_space<vmem>> -> memref<10x256xf32, #tpu.memory_space<vmem>>
    %dma_wait3A_205 = arith.constant 0 : i32
    %dma_wait3A_206 = tpu.memref_slice %arg4[%dma_wait3A_205, %dma_wait3A_201, %add3A_175] : memref<10x200x16384xf32, #tpu.memory_space<hbm>> -> memref<10x1x256xf32, #tpu.memory_space<hbm>>
    %dma_wait3A_207 = tpu.memref_squeeze %dma_wait3A_206 : memref<10x1x256xf32, #tpu.memory_space<hbm>> -> memref<10x256xf32, #tpu.memory_space<hbm>>
    %dma_wait3A_208 = arith.constant 0 : i32
    %dma_wait3A_209 = tpu.memref_slice %arg4[%dma_wait3A_208, %dma_wait3A_201, %add3A_175] : memref<10x200x16384xf32, #tpu.memory_space<hbm>> -> memref<10x1x256xf32, #tpu.memory_space<hbm>>
    %dma_wait3A_210 = tpu.memref_squeeze %dma_wait3A_209 : memref<10x1x256xf32, #tpu.memory_space<hbm>> -> memref<10x256xf32, #tpu.memory_space<hbm>>
    %dma_wait3A_211 = arith.constant 0 : i32
    %dma_wait3A_212 = arith.constant 512 : i32
    %dma_wait3A_213 = tpu.memref_slice %arg8[%dma_wait3A_211, %dma_wait3A_212] : memref<10x2048xf32, #tpu.memory_space<vmem>> -> memref<10x256xf32, #tpu.memory_space<vmem>>
    tpu.wait_dma2 semaphore(%arg12 : memref<!tpu.dma_semaphore, #tpu.memory_space<semaphore_mem>>) src(%dma_wait3A_213 : memref<10x256xf32, #tpu.memory_space<vmem>>) dst(%dma_wait3A_210 : memref<10x256xf32, #tpu.memory_space<hbm>>)
    %dma_wait3A_214 = arith.constant 195 : i32
    %dma_wait3A_215 = arith.constant 0 : i32
    %dma_wait3A_216 = arith.constant 768 : i32
    %dma_wait3A_217 = tpu.memref_slice %arg8[%dma_wait3A_215, %dma_wait3A_216] : memref<10x2048xf32, #tpu.memory_space<vmem>> -> memref<10x256xf32, #tpu.memory_space<vmem>>
    %dma_wait3A_218 = arith.constant 0 : i32
    %dma_wait3A_219 = tpu.memref_slice %arg4[%dma_wait3A_218, %dma_wait3A_214, %add3A_175] : memref<10x200x16384xf32, #tpu.memory_space<hbm>> -> memref<10x1x256xf32, #tpu.memory_space<hbm>>
    %dma_wait3A_220 = tpu.memref_squeeze %dma_wait3A_219 : memref<10x1x256xf32, #tpu.memory_space<hbm>> -> memref<10x256xf32, #tpu.memory_space<hbm>>
    %dma_wait3A_221 = arith.constant 0 : i32
    %dma_wait3A_222 = tpu.memref_slice %arg4[%dma_wait3A_221, %dma_wait3A_214, %add3A_175] : memref<10x200x16384xf32, #tpu.memory_space<hbm>> -> memref<10x1x256xf32, #tpu.memory_space<hbm>>
    %dma_wait3A_223 = tpu.memref_squeeze %dma_wait3A_222 : memref<10x1x256xf32, #tpu.memory_space<hbm>> -> memref<10x256xf32, #tpu.memory_space<hbm>>
    %dma_wait3A_224 = arith.constant 0 : i32
    %dma_wait3A_225 = arith.constant 768 : i32
    %dma_wait3A_226 = tpu.memref_slice %arg8[%dma_wait3A_224, %dma_wait3A_225] : memref<10x2048xf32, #tpu.memory_space<vmem>> -> memref<10x256xf32, #tpu.memory_space<vmem>>
    tpu.wait_dma2 semaphore(%arg12 : memref<!tpu.dma_semaphore, #tpu.memory_space<semaphore_mem>>) src(%dma_wait3A_226 : memref<10x256xf32, #tpu.memory_space<vmem>>) dst(%dma_wait3A_223 : memref<10x256xf32, #tpu.memory_space<hbm>>)
    %dma_wait3A_227 = arith.constant 196 : i32
    %dma_wait3A_228 = arith.constant 0 : i32
    %dma_wait3A_229 = arith.constant 1024 : i32
    %dma_wait3A_230 = tpu.memref_slice %arg8[%dma_wait3A_228, %dma_wait3A_229] : memref<10x2048xf32, #tpu.memory_space<vmem>> -> memref<10x256xf32, #tpu.memory_space<vmem>>
    %dma_wait3A_231 = arith.constant 0 : i32
    %dma_wait3A_232 = tpu.memref_slice %arg4[%dma_wait3A_231, %dma_wait3A_227, %add3A_175] : memref<10x200x16384xf32, #tpu.memory_space<hbm>> -> memref<10x1x256xf32, #tpu.memory_space<hbm>>
    %dma_wait3A_233 = tpu.memref_squeeze %dma_wait3A_232 : memref<10x1x256xf32, #tpu.memory_space<hbm>> -> memref<10x256xf32, #tpu.memory_space<hbm>>
    %dma_wait3A_234 = arith.constant 0 : i32
    %dma_wait3A_235 = tpu.memref_slice %arg4[%dma_wait3A_234, %dma_wait3A_227, %add3A_175] : memref<10x200x16384xf32, #tpu.memory_space<hbm>> -> memref<10x1x256xf32, #tpu.memory_space<hbm>>
    %dma_wait3A_236 = tpu.memref_squeeze %dma_wait3A_235 : memref<10x1x256xf32, #tpu.memory_space<hbm>> -> memref<10x256xf32, #tpu.memory_space<hbm>>
    %dma_wait3A_237 = arith.constant 0 : i32
    %dma_wait3A_238 = arith.constant 1024 : i32
    %dma_wait3A_239 = tpu.memref_slice %arg8[%dma_wait3A_237, %dma_wait3A_238] : memref<10x2048xf32, #tpu.memory_space<vmem>> -> memref<10x256xf32, #tpu.memory_space<vmem>>
    tpu.wait_dma2 semaphore(%arg12 : memref<!tpu.dma_semaphore, #tpu.memory_space<semaphore_mem>>) src(%dma_wait3A_239 : memref<10x256xf32, #tpu.memory_space<vmem>>) dst(%dma_wait3A_236 : memref<10x256xf32, #tpu.memory_space<hbm>>)
    %dma_wait3A_240 = arith.constant 197 : i32
    %dma_wait3A_241 = arith.constant 0 : i32
    %dma_wait3A_242 = arith.constant 1280 : i32
    %dma_wait3A_243 = tpu.memref_slice %arg8[%dma_wait3A_241, %dma_wait3A_242] : memref<10x2048xf32, #tpu.memory_space<vmem>> -> memref<10x256xf32, #tpu.memory_space<vmem>>
    %dma_wait3A_244 = arith.constant 0 : i32
    %dma_wait3A_245 = tpu.memref_slice %arg4[%dma_wait3A_244, %dma_wait3A_240, %add3A_175] : memref<10x200x16384xf32, #tpu.memory_space<hbm>> -> memref<10x1x256xf32, #tpu.memory_space<hbm>>
    %dma_wait3A_246 = tpu.memref_squeeze %dma_wait3A_245 : memref<10x1x256xf32, #tpu.memory_space<hbm>> -> memref<10x256xf32, #tpu.memory_space<hbm>>
    %dma_wait3A_247 = arith.constant 0 : i32
    %dma_wait3A_248 = tpu.memref_slice %arg4[%dma_wait3A_247, %dma_wait3A_240, %add3A_175] : memref<10x200x16384xf32, #tpu.memory_space<hbm>> -> memref<10x1x256xf32, #tpu.memory_space<hbm>>
    %dma_wait3A_249 = tpu.memref_squeeze %dma_wait3A_248 : memref<10x1x256xf32, #tpu.memory_space<hbm>> -> memref<10x256xf32, #tpu.memory_space<hbm>>
    %dma_wait3A_250 = arith.constant 0 : i32
    %dma_wait3A_251 = arith.constant 1280 : i32
    %dma_wait3A_252 = tpu.memref_slice %arg8[%dma_wait3A_250, %dma_wait3A_251] : memref<10x2048xf32, #tpu.memory_space<vmem>> -> memref<10x256xf32, #tpu.memory_space<vmem>>
    tpu.wait_dma2 semaphore(%arg12 : memref<!tpu.dma_semaphore, #tpu.memory_space<semaphore_mem>>) src(%dma_wait3A_252 : memref<10x256xf32, #tpu.memory_space<vmem>>) dst(%dma_wait3A_249 : memref<10x256xf32, #tpu.memory_space<hbm>>)
    %dma_wait3A_253 = arith.constant 198 : i32
    %dma_wait3A_254 = arith.constant 0 : i32
    %dma_wait3A_255 = arith.constant 1536 : i32
    %dma_wait3A_256 = tpu.memref_slice %arg8[%dma_wait3A_254, %dma_wait3A_255] : memref<10x2048xf32, #tpu.memory_space<vmem>> -> memref<10x256xf32, #tpu.memory_space<vmem>>
    %dma_wait3A_257 = arith.constant 0 : i32
    %dma_wait3A_258 = tpu.memref_slice %arg4[%dma_wait3A_257, %dma_wait3A_253, %add3A_175] : memref<10x200x16384xf32, #tpu.memory_space<hbm>> -> memref<10x1x256xf32, #tpu.memory_space<hbm>>
    %dma_wait3A_259 = tpu.memref_squeeze %dma_wait3A_258 : memref<10x1x256xf32, #tpu.memory_space<hbm>> -> memref<10x256xf32, #tpu.memory_space<hbm>>
    %dma_wait3A_260 = arith.constant 0 : i32
    %dma_wait3A_261 = tpu.memref_slice %arg4[%dma_wait3A_260, %dma_wait3A_253, %add3A_175] : memref<10x200x16384xf32, #tpu.memory_space<hbm>> -> memref<10x1x256xf32, #tpu.memory_space<hbm>>
    %dma_wait3A_262 = tpu.memref_squeeze %dma_wait3A_261 : memref<10x1x256xf32, #tpu.memory_space<hbm>> -> memref<10x256xf32, #tpu.memory_space<hbm>>
    %dma_wait3A_263 = arith.constant 0 : i32
    %dma_wait3A_264 = arith.constant 1536 : i32
    %dma_wait3A_265 = tpu.memref_slice %arg8[%dma_wait3A_263, %dma_wait3A_264] : memref<10x2048xf32, #tpu.memory_space<vmem>> -> memref<10x256xf32, #tpu.memory_space<vmem>>
    tpu.wait_dma2 semaphore(%arg12 : memref<!tpu.dma_semaphore, #tpu.memory_space<semaphore_mem>>) src(%dma_wait3A_265 : memref<10x256xf32, #tpu.memory_space<vmem>>) dst(%dma_wait3A_262 : memref<10x256xf32, #tpu.memory_space<hbm>>)
    %dma_wait3A_266 = arith.constant 199 : i32
    %dma_wait3A_267 = arith.constant 0 : i32
    %dma_wait3A_268 = arith.constant 1792 : i32
    %dma_wait3A_269 = tpu.memref_slice %arg8[%dma_wait3A_267, %dma_wait3A_268] : memref<10x2048xf32, #tpu.memory_space<vmem>> -> memref<10x256xf32, #tpu.memory_space<vmem>>
    %dma_wait3A_270 = arith.constant 0 : i32
    %dma_wait3A_271 = tpu.memref_slice %arg4[%dma_wait3A_270, %dma_wait3A_266, %add3A_175] : memref<10x200x16384xf32, #tpu.memory_space<hbm>> -> memref<10x1x256xf32, #tpu.memory_space<hbm>>
    %dma_wait3A_272 = tpu.memref_squeeze %dma_wait3A_271 : memref<10x1x256xf32, #tpu.memory_space<hbm>> -> memref<10x256xf32, #tpu.memory_space<hbm>>
    %dma_wait3A_273 = arith.constant 0 : i32
    %dma_wait3A_274 = tpu.memref_slice %arg4[%dma_wait3A_273, %dma_wait3A_266, %add3A_175] : memref<10x200x16384xf32, #tpu.memory_space<hbm>> -> memref<10x1x256xf32, #tpu.memory_space<hbm>>
    %dma_wait3A_275 = tpu.memref_squeeze %dma_wait3A_274 : memref<10x1x256xf32, #tpu.memory_space<hbm>> -> memref<10x256xf32, #tpu.memory_space<hbm>>
    %dma_wait3A_276 = arith.constant 0 : i32
    %dma_wait3A_277 = arith.constant 1792 : i32
    %dma_wait3A_278 = tpu.memref_slice %arg8[%dma_wait3A_276, %dma_wait3A_277] : memref<10x2048xf32, #tpu.memory_space<vmem>> -> memref<10x256xf32, #tpu.memory_space<vmem>>
    tpu.wait_dma2 semaphore(%arg12 : memref<!tpu.dma_semaphore, #tpu.memory_space<semaphore_mem>>) src(%dma_wait3A_278 : memref<10x256xf32, #tpu.memory_space<vmem>>) dst(%dma_wait3A_275 : memref<10x256xf32, #tpu.memory_space<hbm>>)
    %add3A_279 = arith.constant 256 : i32
    %add3A_280 = arith.addi %mul3A_2, %add3A_279 : i32
    %dma_wait3A_281 = arith.constant 192 : i32
    %dma_wait3A_282 = arith.constant 0 : i32
    %dma_wait3A_283 = arith.constant 0 : i32
    %dma_wait3A_284 = tpu.memref_slice %arg9[%dma_wait3A_282, %dma_wait3A_283] : memref<10x2048xf32, #tpu.memory_space<vmem>> -> memref<10x256xf32, #tpu.memory_space<vmem>>
    %dma_wait3A_285 = arith.constant 0 : i32
    %dma_wait3A_286 = tpu.memref_slice %arg4[%dma_wait3A_285, %dma_wait3A_281, %add3A_280] : memref<10x200x16384xf32, #tpu.memory_space<hbm>> -> memref<10x1x256xf32, #tpu.memory_space<hbm>>
    %dma_wait3A_287 = tpu.memref_squeeze %dma_wait3A_286 : memref<10x1x256xf32, #tpu.memory_space<hbm>> -> memref<10x256xf32, #tpu.memory_space<hbm>>
    %dma_wait3A_288 = arith.constant 0 : i32
    %dma_wait3A_289 = tpu.memref_slice %arg4[%dma_wait3A_288, %dma_wait3A_281, %add3A_280] : memref<10x200x16384xf32, #tpu.memory_space<hbm>> -> memref<10x1x256xf32, #tpu.memory_space<hbm>>
    %dma_wait3A_290 = tpu.memref_squeeze %dma_wait3A_289 : memref<10x1x256xf32, #tpu.memory_space<hbm>> -> memref<10x256xf32, #tpu.memory_space<hbm>>
    %dma_wait3A_291 = arith.constant 0 : i32
    %dma_wait3A_292 = arith.constant 0 : i32
    %dma_wait3A_293 = tpu.memref_slice %arg9[%dma_wait3A_291, %dma_wait3A_292] : memref<10x2048xf32, #tpu.memory_space<vmem>> -> memref<10x256xf32, #tpu.memory_space<vmem>>
    tpu.wait_dma2 semaphore(%arg13 : memref<!tpu.dma_semaphore, #tpu.memory_space<semaphore_mem>>) src(%dma_wait3A_293 : memref<10x256xf32, #tpu.memory_space<vmem>>) dst(%dma_wait3A_290 : memref<10x256xf32, #tpu.memory_space<hbm>>)
    %dma_wait3A_294 = arith.constant 193 : i32
    %dma_wait3A_295 = arith.constant 0 : i32
    %dma_wait3A_296 = arith.constant 256 : i32
    %dma_wait3A_297 = tpu.memref_slice %arg9[%dma_wait3A_295, %dma_wait3A_296] : memref<10x2048xf32, #tpu.memory_space<vmem>> -> memref<10x256xf32, #tpu.memory_space<vmem>>
    %dma_wait3A_298 = arith.constant 0 : i32
    %dma_wait3A_299 = tpu.memref_slice %arg4[%dma_wait3A_298, %dma_wait3A_294, %add3A_280] : memref<10x200x16384xf32, #tpu.memory_space<hbm>> -> memref<10x1x256xf32, #tpu.memory_space<hbm>>
    %dma_wait3A_300 = tpu.memref_squeeze %dma_wait3A_299 : memref<10x1x256xf32, #tpu.memory_space<hbm>> -> memref<10x256xf32, #tpu.memory_space<hbm>>
    %dma_wait3A_301 = arith.constant 0 : i32
    %dma_wait3A_302 = tpu.memref_slice %arg4[%dma_wait3A_301, %dma_wait3A_294, %add3A_280] : memref<10x200x16384xf32, #tpu.memory_space<hbm>> -> memref<10x1x256xf32, #tpu.memory_space<hbm>>
    %dma_wait3A_303 = tpu.memref_squeeze %dma_wait3A_302 : memref<10x1x256xf32, #tpu.memory_space<hbm>> -> memref<10x256xf32, #tpu.memory_space<hbm>>
    %dma_wait3A_304 = arith.constant 0 : i32
    %dma_wait3A_305 = arith.constant 256 : i32
    %dma_wait3A_306 = tpu.memref_slice %arg9[%dma_wait3A_304, %dma_wait3A_305] : memref<10x2048xf32, #tpu.memory_space<vmem>> -> memref<10x256xf32, #tpu.memory_space<vmem>>
    tpu.wait_dma2 semaphore(%arg13 : memref<!tpu.dma_semaphore, #tpu.memory_space<semaphore_mem>>) src(%dma_wait3A_306 : memref<10x256xf32, #tpu.memory_space<vmem>>) dst(%dma_wait3A_303 : memref<10x256xf32, #tpu.memory_space<hbm>>)
    %dma_wait3A_307 = arith.constant 194 : i32
    %dma_wait3A_308 = arith.constant 0 : i32
    %dma_wait3A_309 = arith.constant 512 : i32
    %dma_wait3A_310 = tpu.memref_slice %arg9[%dma_wait3A_308, %dma_wait3A_309] : memref<10x2048xf32, #tpu.memory_space<vmem>> -> memref<10x256xf32, #tpu.memory_space<vmem>>
    %dma_wait3A_311 = arith.constant 0 : i32
    %dma_wait3A_312 = tpu.memref_slice %arg4[%dma_wait3A_311, %dma_wait3A_307, %add3A_280] : memref<10x200x16384xf32, #tpu.memory_space<hbm>> -> memref<10x1x256xf32, #tpu.memory_space<hbm>>
    %dma_wait3A_313 = tpu.memref_squeeze %dma_wait3A_312 : memref<10x1x256xf32, #tpu.memory_space<hbm>> -> memref<10x256xf32, #tpu.memory_space<hbm>>
    %dma_wait3A_314 = arith.constant 0 : i32
    %dma_wait3A_315 = tpu.memref_slice %arg4[%dma_wait3A_314, %dma_wait3A_307, %add3A_280] : memref<10x200x16384xf32, #tpu.memory_space<hbm>> -> memref<10x1x256xf32, #tpu.memory_space<hbm>>
    %dma_wait3A_316 = tpu.memref_squeeze %dma_wait3A_315 : memref<10x1x256xf32, #tpu.memory_space<hbm>> -> memref<10x256xf32, #tpu.memory_space<hbm>>
    %dma_wait3A_317 = arith.constant 0 : i32
    %dma_wait3A_318 = arith.constant 512 : i32
    %dma_wait3A_319 = tpu.memref_slice %arg9[%dma_wait3A_317, %dma_wait3A_318] : memref<10x2048xf32, #tpu.memory_space<vmem>> -> memref<10x256xf32, #tpu.memory_space<vmem>>
    tpu.wait_dma2 semaphore(%arg13 : memref<!tpu.dma_semaphore, #tpu.memory_space<semaphore_mem>>) src(%dma_wait3A_319 : memref<10x256xf32, #tpu.memory_space<vmem>>) dst(%dma_wait3A_316 : memref<10x256xf32, #tpu.memory_space<hbm>>)
    %dma_wait3A_320 = arith.constant 195 : i32
    %dma_wait3A_321 = arith.constant 0 : i32
    %dma_wait3A_322 = arith.constant 768 : i32
    %dma_wait3A_323 = tpu.memref_slice %arg9[%dma_wait3A_321, %dma_wait3A_322] : memref<10x2048xf32, #tpu.memory_space<vmem>> -> memref<10x256xf32, #tpu.memory_space<vmem>>
    %dma_wait3A_324 = arith.constant 0 : i32
    %dma_wait3A_325 = tpu.memref_slice %arg4[%dma_wait3A_324, %dma_wait3A_320, %add3A_280] : memref<10x200x16384xf32, #tpu.memory_space<hbm>> -> memref<10x1x256xf32, #tpu.memory_space<hbm>>
    %dma_wait3A_326 = tpu.memref_squeeze %dma_wait3A_325 : memref<10x1x256xf32, #tpu.memory_space<hbm>> -> memref<10x256xf32, #tpu.memory_space<hbm>>
    %dma_wait3A_327 = arith.constant 0 : i32
    %dma_wait3A_328 = tpu.memref_slice %arg4[%dma_wait3A_327, %dma_wait3A_320, %add3A_280] : memref<10x200x16384xf32, #tpu.memory_space<hbm>> -> memref<10x1x256xf32, #tpu.memory_space<hbm>>
    %dma_wait3A_329 = tpu.memref_squeeze %dma_wait3A_328 : memref<10x1x256xf32, #tpu.memory_space<hbm>> -> memref<10x256xf32, #tpu.memory_space<hbm>>
    %dma_wait3A_330 = arith.constant 0 : i32
    %dma_wait3A_331 = arith.constant 768 : i32
    %dma_wait3A_332 = tpu.memref_slice %arg9[%dma_wait3A_330, %dma_wait3A_331] : memref<10x2048xf32, #tpu.memory_space<vmem>> -> memref<10x256xf32, #tpu.memory_space<vmem>>
    tpu.wait_dma2 semaphore(%arg13 : memref<!tpu.dma_semaphore, #tpu.memory_space<semaphore_mem>>) src(%dma_wait3A_332 : memref<10x256xf32, #tpu.memory_space<vmem>>) dst(%dma_wait3A_329 : memref<10x256xf32, #tpu.memory_space<hbm>>)
    %dma_wait3A_333 = arith.constant 196 : i32
    %dma_wait3A_334 = arith.constant 0 : i32
    %dma_wait3A_335 = arith.constant 1024 : i32
    %dma_wait3A_336 = tpu.memref_slice %arg9[%dma_wait3A_334, %dma_wait3A_335] : memref<10x2048xf32, #tpu.memory_space<vmem>> -> memref<10x256xf32, #tpu.memory_space<vmem>>
    %dma_wait3A_337 = arith.constant 0 : i32
    %dma_wait3A_338 = tpu.memref_slice %arg4[%dma_wait3A_337, %dma_wait3A_333, %add3A_280] : memref<10x200x16384xf32, #tpu.memory_space<hbm>> -> memref<10x1x256xf32, #tpu.memory_space<hbm>>
    %dma_wait3A_339 = tpu.memref_squeeze %dma_wait3A_338 : memref<10x1x256xf32, #tpu.memory_space<hbm>> -> memref<10x256xf32, #tpu.memory_space<hbm>>
    %dma_wait3A_340 = arith.constant 0 : i32
    %dma_wait3A_341 = tpu.memref_slice %arg4[%dma_wait3A_340, %dma_wait3A_333, %add3A_280] : memref<10x200x16384xf32, #tpu.memory_space<hbm>> -> memref<10x1x256xf32, #tpu.memory_space<hbm>>
    %dma_wait3A_342 = tpu.memref_squeeze %dma_wait3A_341 : memref<10x1x256xf32, #tpu.memory_space<hbm>> -> memref<10x256xf32, #tpu.memory_space<hbm>>
    %dma_wait3A_343 = arith.constant 0 : i32
    %dma_wait3A_344 = arith.constant 1024 : i32
    %dma_wait3A_345 = tpu.memref_slice %arg9[%dma_wait3A_343, %dma_wait3A_344] : memref<10x2048xf32, #tpu.memory_space<vmem>> -> memref<10x256xf32, #tpu.memory_space<vmem>>
    tpu.wait_dma2 semaphore(%arg13 : memref<!tpu.dma_semaphore, #tpu.memory_space<semaphore_mem>>) src(%dma_wait3A_345 : memref<10x256xf32, #tpu.memory_space<vmem>>) dst(%dma_wait3A_342 : memref<10x256xf32, #tpu.memory_space<hbm>>)
    %dma_wait3A_346 = arith.constant 197 : i32
    %dma_wait3A_347 = arith.constant 0 : i32
    %dma_wait3A_348 = arith.constant 1280 : i32
    %dma_wait3A_349 = tpu.memref_slice %arg9[%dma_wait3A_347, %dma_wait3A_348] : memref<10x2048xf32, #tpu.memory_space<vmem>> -> memref<10x256xf32, #tpu.memory_space<vmem>>
    %dma_wait3A_350 = arith.constant 0 : i32
    %dma_wait3A_351 = tpu.memref_slice %arg4[%dma_wait3A_350, %dma_wait3A_346, %add3A_280] : memref<10x200x16384xf32, #tpu.memory_space<hbm>> -> memref<10x1x256xf32, #tpu.memory_space<hbm>>
    %dma_wait3A_352 = tpu.memref_squeeze %dma_wait3A_351 : memref<10x1x256xf32, #tpu.memory_space<hbm>> -> memref<10x256xf32, #tpu.memory_space<hbm>>
    %dma_wait3A_353 = arith.constant 0 : i32
    %dma_wait3A_354 = tpu.memref_slice %arg4[%dma_wait3A_353, %dma_wait3A_346, %add3A_280] : memref<10x200x16384xf32, #tpu.memory_space<hbm>> -> memref<10x1x256xf32, #tpu.memory_space<hbm>>
    %dma_wait3A_355 = tpu.memref_squeeze %dma_wait3A_354 : memref<10x1x256xf32, #tpu.memory_space<hbm>> -> memref<10x256xf32, #tpu.memory_space<hbm>>
    %dma_wait3A_356 = arith.constant 0 : i32
    %dma_wait3A_357 = arith.constant 1280 : i32
    %dma_wait3A_358 = tpu.memref_slice %arg9[%dma_wait3A_356, %dma_wait3A_357] : memref<10x2048xf32, #tpu.memory_space<vmem>> -> memref<10x256xf32, #tpu.memory_space<vmem>>
    tpu.wait_dma2 semaphore(%arg13 : memref<!tpu.dma_semaphore, #tpu.memory_space<semaphore_mem>>) src(%dma_wait3A_358 : memref<10x256xf32, #tpu.memory_space<vmem>>) dst(%dma_wait3A_355 : memref<10x256xf32, #tpu.memory_space<hbm>>)
    %dma_wait3A_359 = arith.constant 198 : i32
    %dma_wait3A_360 = arith.constant 0 : i32
    %dma_wait3A_361 = arith.constant 1536 : i32
    %dma_wait3A_362 = tpu.memref_slice %arg9[%dma_wait3A_360, %dma_wait3A_361] : memref<10x2048xf32, #tpu.memory_space<vmem>> -> memref<10x256xf32, #tpu.memory_space<vmem>>
    %dma_wait3A_363 = arith.constant 0 : i32
    %dma_wait3A_364 = tpu.memref_slice %arg4[%dma_wait3A_363, %dma_wait3A_359, %add3A_280] : memref<10x200x16384xf32, #tpu.memory_space<hbm>> -> memref<10x1x256xf32, #tpu.memory_space<hbm>>
    %dma_wait3A_365 = tpu.memref_squeeze %dma_wait3A_364 : memref<10x1x256xf32, #tpu.memory_space<hbm>> -> memref<10x256xf32, #tpu.memory_space<hbm>>
    %dma_wait3A_366 = arith.constant 0 : i32
    %dma_wait3A_367 = tpu.memref_slice %arg4[%dma_wait3A_366, %dma_wait3A_359, %add3A_280] : memref<10x200x16384xf32, #tpu.memory_space<hbm>> -> memref<10x1x256xf32, #tpu.memory_space<hbm>>
    %dma_wait3A_368 = tpu.memref_squeeze %dma_wait3A_367 : memref<10x1x256xf32, #tpu.memory_space<hbm>> -> memref<10x256xf32, #tpu.memory_space<hbm>>
    %dma_wait3A_369 = arith.constant 0 : i32
    %dma_wait3A_370 = arith.constant 1536 : i32
    %dma_wait3A_371 = tpu.memref_slice %arg9[%dma_wait3A_369, %dma_wait3A_370] : memref<10x2048xf32, #tpu.memory_space<vmem>> -> memref<10x256xf32, #tpu.memory_space<vmem>>
    tpu.wait_dma2 semaphore(%arg13 : memref<!tpu.dma_semaphore, #tpu.memory_space<semaphore_mem>>) src(%dma_wait3A_371 : memref<10x256xf32, #tpu.memory_space<vmem>>) dst(%dma_wait3A_368 : memref<10x256xf32, #tpu.memory_space<hbm>>)
    %dma_wait3A_372 = arith.constant 199 : i32
    %dma_wait3A_373 = arith.constant 0 : i32
    %dma_wait3A_374 = arith.constant 1792 : i32
    %dma_wait3A_375 = tpu.memref_slice %arg9[%dma_wait3A_373, %dma_wait3A_374] : memref<10x2048xf32, #tpu.memory_space<vmem>> -> memref<10x256xf32, #tpu.memory_space<vmem>>
    %dma_wait3A_376 = arith.constant 0 : i32
    %dma_wait3A_377 = tpu.memref_slice %arg4[%dma_wait3A_376, %dma_wait3A_372, %add3A_280] : memref<10x200x16384xf32, #tpu.memory_space<hbm>> -> memref<10x1x256xf32, #tpu.memory_space<hbm>>
    %dma_wait3A_378 = tpu.memref_squeeze %dma_wait3A_377 : memref<10x1x256xf32, #tpu.memory_space<hbm>> -> memref<10x256xf32, #tpu.memory_space<hbm>>
    %dma_wait3A_379 = arith.constant 0 : i32
    %dma_wait3A_380 = tpu.memref_slice %arg4[%dma_wait3A_379, %dma_wait3A_372, %add3A_280] : memref<10x200x16384xf32, #tpu.memory_space<hbm>> -> memref<10x1x256xf32, #tpu.memory_space<hbm>>
    %dma_wait3A_381 = tpu.memref_squeeze %dma_wait3A_380 : memref<10x1x256xf32, #tpu.memory_space<hbm>> -> memref<10x256xf32, #tpu.memory_space<hbm>>
    %dma_wait3A_382 = arith.constant 0 : i32
    %dma_wait3A_383 = arith.constant 1792 : i32
    %dma_wait3A_384 = tpu.memref_slice %arg9[%dma_wait3A_382, %dma_wait3A_383] : memref<10x2048xf32, #tpu.memory_space<vmem>> -> memref<10x256xf32, #tpu.memory_space<vmem>>
    tpu.wait_dma2 semaphore(%arg13 : memref<!tpu.dma_semaphore, #tpu.memory_space<semaphore_mem>>) src(%dma_wait3A_384 : memref<10x256xf32, #tpu.memory_space<vmem>>) dst(%dma_wait3A_381 : memref<10x256xf32, #tpu.memory_space<hbm>>)
    return
  }
}

module attributes {stable_mosaic.version = 14 : i64} {
  func.func @_fuse_table_body(%arg0: memref<1000x10xf32, #tpu.memory_space<vmem>>, %arg1: memref<10x10xf32, #tpu.memory_space<vmem>>, %arg2: memref<10x1xf32, #tpu.memory_space<vmem>>, %arg3: memref<16x1024xf32, #tpu.memory_space<vmem>>) attributes {dimension_semantics = [], scalar_prefetch = 0 : i64, scratch_operands = 0 : i64, tpu.core_type = #tpu.core_type<tc>} {
    %get3A = arith.constant 0 : index
    %get3A_0 = arith.constant 0 : index
    %get3A_1 = vector.load %arg1[%get3A, %get3A_0] : memref<10x10xf32, #tpu.memory_space<vmem>>, vector<10x10xf32>
    %get3A_2 = arith.constant 0 : index
    %get3A_3 = arith.constant 0 : index
    %get3A_4 = vector.load %arg0[%get3A_2, %get3A_3] : memref<1000x10xf32, #tpu.memory_space<vmem>>, vector<1000x10xf32>
    %dot_general3A = arith.constant dense<0.000000e+00> : vector<10x1000xf32>
    %dot_general3A_5 = tpu.matmul %get3A_1, %get3A_4, %dot_general3A {dimension_numbers = #tpu.dot_dimension_numbers<[1], [1], [0], [0], [0, 0, 1, 0], [], []>, transpose_lhs_hint = false} : vector<10x10xf32>, vector<1000x10xf32>, vector<10x1000xf32> -> vector<10x1000xf32>
    %get3A_6 = arith.constant 0 : index
    %get3A_7 = arith.constant 0 : index
    %get3A_8 = vector.load %arg2[%get3A_6, %get3A_7] : memref<10x1xf32, #tpu.memory_space<vmem>>, vector<10x1xf32>
    %add3A = vector.broadcast %get3A_8 : vector<10x1xf32> to vector<10x1000xf32>
    %add3A_9 = arith.addf %dot_general3A_5, %add3A : vector<10x1000xf32>
    %jit3A = arith.constant 0 : i32
    %convert_element_type3A = arith.sitofp %jit3A : i32 to f32
    %pad3A = vector.broadcast %convert_element_type3A : f32 to vector<6x1000xf32>
    %pad3A_10 = tpu.concatenate %add3A_9, %pad3A in 0 : vector<10x1000xf32>, vector<6x1000xf32> -> vector<16x1000xf32>
    %pad3A_11 = vector.broadcast %convert_element_type3A : f32 to vector<16x24xf32>
    %pad3A_12 = tpu.concatenate %pad3A_10, %pad3A_11 in 1 : vector<16x1000xf32>, vector<16x24xf32> -> vector<16x1024xf32>
    %swap3A = arith.constant 0 : index
    %swap3A_13 = arith.constant 0 : index
    %swap3A_14 = vector.load %arg3[%swap3A, %swap3A_13] : memref<16x1024xf32, #tpu.memory_space<vmem>>, vector<16x1024xf32>
    tpu.vector_store %arg3[%swap3A, %swap3A_13], %pad3A_12 {strides = array<i32>} : memref<16x1024xf32, #tpu.memory_space<vmem>>, vector<16x1024xf32>,
    return
  }
}

</mosaic_0001>

<sc_bundles>
// kernel: kernel.4.cloned.1.call-start
scs
__scs_entry_jumppad:
0x0: {  	(pc) =	sbr.rel $0x88, $3  }
0x1: {  	(tag) =	ssettag $0x0;
	lr =	simm.s32 $0x1  }
0x2: {  	[smem:$0x3F9D] =	sst lr;
	_ =	strace $0xD0000000  }
0x3: {  	_ = 	snop  }
0x4: {  	_ = 	snop  }
0x5: {  	_ = 	snop  }
0x6: {  	_ = 	snop  }
0x7: {  	_ = 	snop  }
__scs_overlays_trampoline_lowered:
0x8: {  	[smem:$0x3FAC] =	sst s0  }
0x9: {  	[smem:$0x3FAD] =	sst s1  }
0xa: {  	[smem:$0x3FAE] =	sst s2  }
0xb: {  	[smem:$0x3FAF] =	sst s3  }
0xc: {  	[smem:$0x3FB0] =	sst s4  }
0xd: {  	[smem:$0x3FB1] =	sst s5  }
0xe: {  	[smem:$0x3FB2] =	sst s6  }
0xf: {  	[smem:$0x3FB3] =	sst s7  }
0x10: {  	[smem:$0x3FB4] =	sst s8  }
0x11: {  	[smem:$0x3FB5] =	sst s9;
	s0 =	simm.s32 @!p0 $0x0  }
0x12: {  	s1 =	sld [smem:$0x3F9B];
	s0 =	simm.s32 @p0 $0x1  }
0x13: {  	[smem:$0x3FB6] =	sst s0;
	s0 =	simm.s32 @!p1 $0x0  }
0x14: {  	s2 =	sld [smem:$0x3F9A];
	s0 =	simm.s32 @p1 $0x1  }
0x15: {  	[smem:$0x3FB7] =	sst s0;
	s0 =	simm.s32 @!p2 $0x0  }
0x16: {  	s3 =	sld [smem:$0x3FDB];
	s0 =	simm.s32 @p2 $0x1  }
0x17: {  	s4 =	simm.s32 $0x1BF5;
	[smem:$0x3FB9] =	sst s0  }
0x18: {  	s0 =	sld [smem:$0x3F9C];
	_ =	swait.ge [sflag:s4], $0x0  }
0x19: {  	s7 =	sld [smem:$0x3F9D]  }
0x1a: {  	s8 =	sadd.s32 $0xFFFFE003, lr  }
0x1b: {  	s9 =	sadd.s32 $0xFFFFFEF7, lr;
	s5 =	simm.s32 $0xFFFFFFFF;
	p2 =	slt.u32 s8, $0xFFFFF086  }
0x1c: {  	p1 =	slt.u32 s9, $0xF7A;
	s5 =	simm.s32 @!p2 $0x0  }
0x1d: {  	s5 =	simm.s32 @p1 $0x1;
	p0 =	seq.s32 s7, s2  }
0x1e: {  	s7 =	smul.u32 @!p0 $0xF7A, s2;
	p2 =	seq.s32 @!p0 s5, $0x0  }
0x1f: {  	s9 =	smul.u32 $0xF7A, s1;
	s8 =	simm.s32 @!p0 $0x1BF5;
	p2 =	por !p2, p0  }
0x20: {  	[sflag:s8] =	ssyncset.s32 @!p0 $0xFFFFF086;
	s6 =	sadd.s32 @!p0 s3, s7;
	s7 =	simm.s32 @!p0 $0x108  }
0x21: {  	s3 =	sadd.s32 s3, s9;
	s6 =	sadd.s32 @!p0 $0x88, s6;
	s7 =	simm.s32 @p2 $0x1082  }
0x22: {  	[simem:s7], [sflag:s8] =	dma.local @!p0 [hbm:s6], $0xF7A  }
0x23: {  	s9 =	sor.u32 $0xD0000000, s2;
	s6 =	simm.s32 $0x108;
	_ =	swait.ge @!p0 [sflag:s8], $0x0  }
0x24: {  	s3 =	sadd.s32 $0x88, s3;
	s6 =	simm.s32 @!p1 $0x1082;
	[sflag:s4] =	ssyncset.s32 $0xFFFFF086  }
0x25: {  	[simem:s6], [sflag:s4] =	dma.local [hbm:s3], $0xF7A  }
0x26: {  	[smem:$0x3F9D] =	sst s1;
	(tag) =	ssettag s2;
	_ =	strace s9  }
0x27: {  	s1 =	sld [smem:$0x3FAD]  }
0x28: {  	s2 =	sld [smem:$0x3FAE]  }
0x29: {  	s4 =	sld [smem:$0x3FB0]  }
0x2a: {  	p0 =	seq.s32 s5, $0x0;
	s5 =	sld [smem:$0x3FB1]  }
0x2b: {  	s6 =	sld [smem:$0x3FB2]  }
0x2c: {  	s7 =	sld [smem:$0x3FB3]  }
0x2d: {  	s3 =	simm.s32 $0x108;
	s8 =	sld [smem:$0x3FB4]  }
0x2e: {  	s3 =	simm.s32 @!p0 $0x1082;
	s9 =	sld [smem:$0x3FB5]  }
0x2f: {  	lr =	sadd.s32 s0, s3;
	s0 =	sld [smem:$0x3FAC]  }
0x30: {  	s3 =	sld [smem:$0x3FAF]  }
0x31: {  	[smem:$0x3FB8] =	sst s10  }
0x32: {  	s10 =	sld [smem:$0x3FB6];
	_ =	sdelay $0x3  }
0x33: {  	p0 =	seq.s32 s10, $0x1;
	s10 =	sld [smem:$0x3FB8];
	_ =	sdelay $0x3  }
0x34: {  	[smem:$0x3FB8] =	sst s10  }
0x35: {  	s10 =	sld [smem:$0x3FB7];
	_ =	sdelay $0x3  }
0x36: {  	p1 =	seq.s32 s10, $0x1;
	s10 =	sld [smem:$0x3FB8];
	_ =	sdelay $0x3  }
0x37: {  	[smem:$0x3FB8] =	sst s10  }
0x38: {  	s10 =	sld [smem:$0x3FB9]  }
0x39: {  	_ = 	snop;
	(pc) =	sbr.ind lr, $3  }
0x3a: {  	_ = 	snop  }
0x3b: {  	_ = 	snop  }
0x3c: {  	p2 =	seq.s32 s10, $0x1;
	s10 =	sld [smem:$0x3FB8]  }
0x3d: {  	_ =	shalt  }
0x3e: {  	_ =	shalt  }
0x3f: {  	_ =	shalt  }
0x40: {  	_ =	shalt  }
0x41: {  	_ =	shalt  }
0x42: {  	_ =	shalt  }
0x43: {  	_ =	shalt  }
0x44: {  	_ =	shalt  }
0x45: {  	_ =	shalt  }
0x46: {  	_ =	shalt  }
0x47: {  	_ =	shalt  }
0x48: {  	_ =	shalt  }
0x49: {  	_ =	shalt  }
0x4a: {  	_ =	shalt  }
0x4b: {  	_ =	shalt  }
0x4c: {  	_ =	shalt  }
0x4d: {  	_ =	shalt  }
0x4e: {  	_ =	shalt  }
0x4f: {  	_ =	shalt  }
0x50: {  	_ =	shalt  }
0x51: {  	_ =	shalt  }
0x52: {  	_ =	shalt  }
0x53: {  	_ =	shalt  }
0x54: {  	_ =	shalt  }
0x55: {  	_ =	shalt  }
0x56: {  	_ =	shalt  }
0x57: {  	_ =	shalt  }
0x58: {  	_ =	shalt  }
0x59: {  	_ =	shalt  }
0x5a: {  	_ =	shalt  }
0x5b: {  	_ =	shalt  }
0x5c: {  	_ =	shalt  }
0x5d: {  	_ =	shalt  }
0x5e: {  	_ =	shalt  }
0x5f: {  	_ =	shalt  }
0x60: {  	_ =	shalt  }
0x61: {  	_ =	shalt  }
0x62: {  	_ =	shalt  }
0x63: {  	_ =	shalt  }
0x64: {  	_ =	shalt  }
0x65: {  	_ =	shalt  }
0x66: {  	_ =	shalt  }
0x67: {  	_ =	shalt  }
0x68: {  	_ =	shalt  }
0x69: {  	_ =	shalt  }
0x6a: {  	_ =	shalt  }
0x6b: {  	_ =	shalt  }
0x6c: {  	_ =	shalt  }
0x6d: {  	_ =	shalt  }
0x6e: {  	_ =	shalt  }
0x6f: {  	_ =	shalt  }
0x70: {  	_ =	shalt  }
0x71: {  	_ =	shalt  }
0x72: {  	_ =	shalt  }
0x73: {  	_ =	shalt  }
0x74: {  	_ =	shalt  }
0x75: {  	_ =	shalt  }
0x76: {  	_ =	shalt  }
0x77: {  	_ =	shalt  }
0x78: {  	_ =	shalt  }
0x79: {  	_ =	shalt  }
0x7a: {  	_ =	shalt  }
0x7b: {  	_ =	shalt  }
0x7c: {  	_ =	shalt  }
0x7d: {  	_ =	shalt  }
0x7e: {  	_ =	shalt  }
0x7f: {  	_ =	shalt  }
0x80: {  	_ =	shalt  }
0x81: {  	_ =	shalt  }
0x82: {  	_ =	shalt  }
0x83: {  	_ =	shalt  }
0x84: {  	_ =	shalt  }
0x85: {  	_ =	shalt  }
0x86: {  	_ =	shalt  }
0x87: {  	_ =	shalt  }
.Lfunc_end0:
.L_simem_size_0:
called_computation_lowered:
.L_overlay_start_0:
0x88: {  	s2 =	sld [smem:$0x3FD9]  }
0x89: {  	s3 =	sld [smem:$0x3FFE];
	_ =	sdelay $0x1  }
0x8a: {  	s1 =	srdreg.scid  }
0x8b: {  	s0 =	sand.u32 $0x1, s1  }
0x8c: {  	s17 =	sshll.u32 s0, $0xA;
	s2 =	sadd.s32 s3, s2  }
0x8d: {  	s2 =	sadd.s32 s2, s17  }
0x8e: {  	[smem:$0x3FC4] =	sst s2  }
0x8f: {  	_ = 	snop  }
0x90: {  	s2 =	sld [smem:$0x3FC9]  }
0x91: {  	s18 =	sld [smem:$0x3FD0];
	(tm) =	ssettm $0x1  }
0x92: {  	s4 =	sld [smem:$0x3FFB];
	_ =	sdelay $0x3  }
0x93: {  	_ =	strace s4  }
0x94: {  	s4 =	sld [smem:$0x3FFC];
	_ =	sdelay $0x3  }
0x95: {  	_ =	strace s4  }
0x96: {  	s4 =	sld [smem:$0x3FFD];
	_ =	sdelay $0x3  }
0x97: {  	_ =	strace s4  }
0x98: {  	_ =	strace $0x8FFFFFFF  }
0x99: {  	s19 =	sld [smem:$0x3FDB];
	_ =	sdelay $0x1  }
0x9a: {  	s5 =	simm.s32 $_scs_section_size  }
0x9b: {  	s6 =	simm.s32 $_size__tile_overlayer_lowered;
	s7 =	simm.s32 $_tile_overlayer_lowered  }
0x9c: {  	s22 =	simm.s32 $0x1BFF;
	s21 =	sshll.u32 s7, $0x1;
	s4 =	sadd.s32 s5, s19  }
0x9d: {  	s8 =	simm.s32 $0x0;
	s20 =	sshll.u32 s6, $0x1;
	s6 =	sadd.s32 s21, s4  }
0x9e: {  	[timem:s8], [sflag:s22] =	dma.local [hbm:s6], s20  }
0x9f: {  	_ =	swait.ge [sflag:s22], s20  }
0xa0: {  	s5 =	ssub.s32 $0x0, s20;
	[sflag:s22] =	ssyncset.done $0x0  }
0xa1: {  	[sflag:s22] =	ssyncadd.s32 s5;
	_ =	sdelay $0x1  }
0xa2: {  	s23 =	simm.s32 $0x1B8B  }
0xa3: {  	_ =	swait.ge [sflag:s23], $0x1  }
0xa4: {  	[sflag:s23] =	ssyncset.done $0x0  }
0xa5: {  	s25 =	simm.s32 $0x1B8E;
	s24 =	sld [smem:$0x3FFE];
	[sflag:s23] =	ssyncadd.s32 $0xFFFFFFFF  }
0xa6: {  	s26 =	simm.s32 $execute0_lowered;
	[smem:$0x3FD2] =	sst s25  }
0xa7: {  	s6 =	sshll.u32 s26, $0x1;
	_ =	strace $0x80000046;
	[dreg:$0x1] =	wrdreg $0xFFFFFFFF  }
0xa8: {  	s28 =	simm.s32 $_size_execute0_lowered;
	s4 =	sadd.s32 s4, s6;
	[dreg:$0x0] =	wrdreg $0x0  }
0xa9: {  	s6 =	sshll.u32 s28, $0x1;
	[dreg:$0x2] =	wrdreg s4  }
0xaa: {  	[dreg:$0x3] =	wrdreg s6  }
0xab: {  	[dreg:$0x4] =	wrdreg $0xC0  }
0xac: {  	_ =	task [dreg:s8], $0x5FFFF  }
0xad: {  	[dreg:$0x1] =	wrdreg $0xFFFFFFFF  }
0xae: {  	[dreg:$0x0] =	wrdreg $0x60  }
0xaf: {  	[dreg:$0x2] =	wrdreg s2  }
0xb0: {  	[dreg:$0x3] =	wrdreg s24  }
0xb1: {  	[dreg:$0x4] =	wrdreg s18  }
0xb2: {  	[dreg:$0x5] =	wrdreg $0x9  }
0xb3: {  	_ =	task.clear_ibuf [dreg:s8], $0x6FFFF;
	_ =	strace $0x90000046  }
0xb4: {  	s29 =	simm.s32 $0x9;
	_ =	strace $0x80000048  }
0xb5: {  	_ =	swait.ge [sflag:s29], $0x1  }
0xb6: {  	[sflag:s29] =	ssyncadd.s32 $0xFFFFFFFF  }
0xb7: {  	_ =	strace $0x90000048  }
0xb8: {  	_ =	sfence  }
0xb9: {  	s30 =	sld [smem:$0x0];
	_ =	sdelay $0x2  }
0xba: {  	s31 =	sshll.u32 s1, $0xD;
	s1 =	sshrl.u32 s1, $0x2  }
0xbb: {  	s3 =	sand.u32 $0x4000, s31;
	s1 =	sadd.s32 s1, s30  }
0xbc: {  	s0 =	sor.u32 s3, s0;
	s1 =	sshll.u32 s1, $0x11  }
0xbd: {  	s0 =	sor.u32 s1, s0  }
0xbe: {  	s0 =	sadd.s32 $0x8F2B, s0  }
0xbf: {  	[sflag:s0] =	ssyncadd.remote.s32 $0x1  }
0xc0: {  	_ =	sfence.sel $0xFFFF  }
0xc1: {  	[dreg:$0x0] =	wrdreg $0xFFFFFFFF;
	(pc) =	sbr.abs _section_cstart, $3  }
0xc2: {  	[dreg:$0x1] =	wrdreg $0xFFFFFFFF  }
0xc3: {  	_ =	task.clear_ibuf [dreg:s8], $0x2FFFF;
	_ =	strace $0x9FFFFFFF  }
0xc4: {  	(tm) =	ssettm $0x7FFFFFFF  }
0xc5: {  	_ =	shalt  }
tec
execute0_lowered:
.L_overlay_start_1:
0x0: {  	(tag) =	ssettag $0x1  }
0x1: {  	s5 =	rddreg [dreg:$0x0]  }
0x2: {  	s0 =	rddreg [dreg:$0x1]  }
0x3: {  	s11 =	rddreg [dreg:$0x2];
	s3 =	simm.s32 $0x0  }
0x4: {  	[smem:$0x7FF] =	sst s3;
	s0 =	sadd.s32 $0x800, s0  }
0x5: {  	s7 =	sadd.s32 $0x10, s5;
	_ =	strace $0x80000047;
	[dreg:$0x4] =	wrdreg s0  }
0x6: {  	s1 =	srdreg.scid;
	s8 =	sadd.s32 $0x20, s5;
	[dreg:$0x6] =	wrdreg s7  }
0x7: {  	s4 =	stileid.u32;
	s9 =	sadd.s32 $0x30, s5;
	[dreg:$0x9] =	wrdreg s8  }
0x8: {  	s1 =	sand.u32 $0x1, s1;
	s6 =	sadd.s32 $0x40, s5;
	[dreg:$0xb] =	wrdreg s9  }
0x9: {  	s4 =	sshll.u32 s4, $0xA;
	s12 =	sadd.s32 $0x50, s5;
	[dreg:$0xc] =	wrdreg s6  }
0xa: {  	s13 =	sadd.s32 $0x60, s5;
	s26 =	sadd.s32 $0x10, s11;
	[dreg:$0xf] =	wrdreg s12  }
0xb: {  	s30 =	ssub.s32 $0x2, s1;
	s1 =	sshll.u32 s1, $0x9;
	[dreg:$0x11] =	wrdreg s13  }
0xc: {  	[smem:$0x7FB] =	sst s26;
	s31 =	sor.u32 s1, s4  }
0xd: {  	s1 =	sadd.s32 s31, s7;
	[dreg:$0x5] =	wrdreg s31  }
0xe: {  	s10 =	sadd.s32 s31, s6;
	[dreg:$0x8] =	wrdreg s1  }
0xf: {  	s4 =	sadd.s32 s5, s31;
	s5 =	sadd.s32 $0x70, s5;
	[dreg:$0xe] =	wrdreg s10  }
0x10: {  	[dreg:$0x12] =	wrdreg s5  }
0x11: {  	s2 =	sshrl.u32 s30, $0x1;
	s25 =	sor.u32 $0x4000, s31;
	[dreg:$0x7] =	wrdreg s4  }
0x12: {  	s0 =	ssub.s32 s30, s2;
	s30 =	sadd.s32 $0x20, s11;
	[smem:$0x7FA] =	sst s25  }
0x13: {  	s1 =	sadd.s32 s31, s8;
	[smem:$0x7FC] =	sst s30  }
0x14: {  	s14 =	sadd.s32 s31, s5;
	[dreg:$0xa] =	wrdreg s1  }
0x15: {  	s15 =	sshll.u32 s31, $0x3;
	s16 =	sadd.s32 $0x100, s4;
	[dreg:$0x14] =	wrdreg s14  }
0x16: {  	s17 =	sor.u32 $0x800, s15;
	[dreg:$0x15] =	wrdreg s16  }
0x17: {  	s0 =	smax.u32 s0, $0x1;
	[dreg:$0x16] =	wrdreg s17  }
0x18: {  	s18 =	sadd.s32 $0x110, s4;
	[dreg:$0x18] =	wrdreg s0  }
0x19: {  	s19 =	sadd.s32 $0x120, s4;
	[dreg:$0x19] =	wrdreg s18  }
0x1a: {  	s20 =	sadd.s32 $0x130, s4;
	[dreg:$0x1a] =	wrdreg s19  }
0x1b: {  	s28 =	simm.s32 $0x1;
	s21 =	sadd.s32 $0x140, s4;
	[dreg:$0x1b] =	wrdreg s20  }
0x1c: {  	s29 =	simm.s32 $0x320000;
	s22 =	sadd.s32 $0x150, s4;
	[dreg:$0x1c] =	wrdreg s21  }
0x1d: {  	s26 =	simm.s32 $0x400;
	s23 =	sadd.s32 $0x160, s4;
	[dreg:$0x1d] =	wrdreg s22  }
0x1e: {  	s24 =	sadd.s32 $0x170, s4;
	s25 =	simm.s32 $0x80;
	[dreg:$0x1e] =	wrdreg s23  }
0x1f: {  	s4 =	simm.s32 $0x0;
	s1 =	sadd.s32 s31, s9;
	[dreg:$0x1f] =	wrdreg s24  }
.Ltmp0:
0x20: {  	[dreg:$0xd] =	wrdreg s1;
	s1 =	sadd.s32 s31, s12;
	(pc) =	sbr.rel .LBB2_1-.Ltmp0, $4  }
0x21: {  	s17 =	sadd.s32 $0x50, s11;
	[dreg:$0x10] =	wrdreg s1;
	s1 =	sadd.s32 s31, s13  }
0x22: {  	s20 =	sadd.s32 $0x60, s11;
	s31 =	sadd.s32 $0x30, s11;
	[dreg:$0x13] =	wrdreg s1  }
0x23: {  	s21 =	sadd.s32 $0x70, s11;
	s1 =	sor.u32 $0x20800, s15;
	[smem:$0x7FD] =	sst s31  }
0x24: {  	s0 =	simm.s32 $0x2;
	s15 =	sadd.s32 $0x40, s11;
	[dreg:$0x17] =	wrdreg s1  }
.LBB2_8:
0x25: {  	s1 =	simm.s32 $0x3  }
0x26: {  	_ =	swait.ge [sflag:s1], $0xA00  }
0x27: {  	[sflag:s1] =	ssyncset.done $0x0  }
0x28: {  	[sflag:s1] =	ssyncadd.s32 $0xFFFFF600  }
0x29: {  	_ =	swait.ge [sflag:s1], $0xA00  }
0x2a: {  	[sflag:s1] =	ssyncset.done $0x0  }
0x2b: {  	[sflag:s1] =	ssyncadd.s32 $0xFFFFF600  }
0x2c: {  	_ =	swait.ge [sflag:s1], $0xA00  }
0x2d: {  	[sflag:s1] =	ssyncset.done $0x0  }
0x2e: {  	[sflag:s1] =	ssyncadd.s32 $0xFFFFF600  }
0x2f: {  	_ =	swait.ge [sflag:s1], $0xA00  }
0x30: {  	[sflag:s1] =	ssyncset.done $0x0  }
0x31: {  	[sflag:s1] =	ssyncadd.s32 $0xFFFFF600  }
0x32: {  	_ =	swait.ge [sflag:s1], $0xA00  }
0x33: {  	[sflag:s1] =	ssyncset.done $0x0  }
0x34: {  	[sflag:s1] =	ssyncadd.s32 $0xFFFFF600  }
0x35: {  	_ =	swait.ge [sflag:s1], $0xA00  }
0x36: {  	[sflag:s1] =	ssyncset.done $0x0  }
0x37: {  	[sflag:s1] =	ssyncadd.s32 $0xFFFFF600  }
0x38: {  	_ =	swait.ge [sflag:s1], $0xA00  }
0x39: {  	[sflag:s1] =	ssyncset.done $0x0  }
0x3a: {  	[sflag:s1] =	ssyncadd.s32 $0xFFFFF600  }
0x3b: {  	_ =	swait.ge [sflag:s1], $0xA00  }
0x3c: {  	[sflag:s1] =	ssyncset.done $0x0  }
0x3d: {  	s2 =	simm.s32 $0x4;
	[sflag:s1] =	ssyncadd.s32 $0xFFFFF600  }
0x3e: {  	_ =	swait.ge [sflag:s2], $0xA00  }
0x3f: {  	[sflag:s2] =	ssyncset.done $0x0  }
0x40: {  	[sflag:s2] =	ssyncadd.s32 $0xFFFFF600  }
0x41: {  	_ =	swait.ge [sflag:s2], $0xA00  }
0x42: {  	[sflag:s2] =	ssyncset.done $0x0  }
0x43: {  	[sflag:s2] =	ssyncadd.s32 $0xFFFFF600  }
0x44: {  	_ =	swait.ge [sflag:s2], $0xA00  }
0x45: {  	[sflag:s2] =	ssyncset.done $0x0  }
0x46: {  	[sflag:s2] =	ssyncadd.s32 $0xFFFFF600  }
0x47: {  	_ =	swait.ge [sflag:s2], $0xA00  }
0x48: {  	[sflag:s2] =	ssyncset.done $0x0  }
0x49: {  	[sflag:s2] =	ssyncadd.s32 $0xFFFFF600  }
0x4a: {  	_ =	swait.ge [sflag:s2], $0xA00  }
0x4b: {  	[sflag:s2] =	ssyncset.done $0x0  }
0x4c: {  	[sflag:s2] =	ssyncadd.s32 $0xFFFFF600  }
0x4d: {  	_ =	swait.ge [sflag:s2], $0xA00  }
0x4e: {  	[sflag:s2] =	ssyncset.done $0x0  }
0x4f: {  	[sflag:s2] =	ssyncadd.s32 $0xFFFFF600  }
0x50: {  	_ =	swait.ge [sflag:s2], $0xA00  }
0x51: {  	[sflag:s2] =	ssyncset.done $0x0  }
0x52: {  	[sflag:s2] =	ssyncadd.s32 $0xFFFFF600  }
0x53: {  	_ =	swait.ge [sflag:s2], $0xA00  }
0x54: {  	s4 =	sld [smem:$0x7F9];
	_ =	sdelay $0x2  }
0x55: {  	s31 =	rddreg [dreg:$0x18];
	s4 =	sadd.s32 $0x1, s4  }
0x56: {  	p0 =	sne.s32 s4, s31  }
.Ltmp1:
0x57: {  	_ = 	snop;
	(pc) =	sbr.rel @!p0 .LBB2_9-.Ltmp1, $3  }
0x58: {  	_ =	sdelay $0x1  }
0x59: {  	[sflag:s2] =	ssyncset.done $0x0  }
0x5a: {  	[sflag:s2] =	ssyncadd.s32 $0xFFFFF600  }
.LBB2_1:
0x5b: {  	[smem:$0x7F9] =	sst s4  }
0x5c: {  	s1 =	rddreg [dreg:$0x4];
	s8 =	simm.s32 $0x5  }
0x5d: {  	[tilespmem:s3], [sflag:$0x5] =	stream.linear.gather [hbm4b:s1+s3], $0x4000, $0x38;
	[tilespmem:$0x15000] =	vst v63  }
0x5e: {  	_ =	swait.ge [sflag:s8], $0x4000  }
0x5f: {  	[sflag:s8] =	ssyncset.done $0x0  }
0x60: {  	s2 =	simm.s32 $0x4000;
	s9 =	rddreg [dreg:$0x7];
	[sflag:s8] =	ssyncadd.s32 $0xFFFFC000  }
0x61: {  	[tilespmem:s2], [sflag:$0x1] =	stream.strided.gather [hbm4b:s9+s25], $0x100, s26, s25, $0x38;
	[tilespmem:$0x15000] =	vst v63  }
0x62: {  	s12 =	simm.s32 $0x4100;
	s10 =	rddreg [dreg:$0x8]  }
0x63: {  	[tilespmem:s12], [sflag:$0x1] =	stream.strided.gather [hbm4b:s10+s25], $0x100, s26, s25, $0x38;
	[tilespmem:$0x15000] =	vst v63  }
0x64: {  	s14 =	simm.s32 $0x4200;
	s13 =	rddreg [dreg:$0xa]  }
0x65: {  	[tilespmem:s14], [sflag:$0x1] =	stream.strided.gather [hbm4b:s13+s25], $0x100, s26, s25, $0x38;
	[tilespmem:$0x15000] =	vst v63  }
0x66: {  	s18 =	simm.s32 $0x4300;
	s16 =	rddreg [dreg:$0xd]  }
0x67: {  	[tilespmem:s18], [sflag:$0x1] =	stream.strided.gather [hbm4b:s16+s25], $0x100, s26, s25, $0x38;
	[tilespmem:$0x15000] =	vst v63  }
0x68: {  	s22 =	simm.s32 $0x4400;
	s19 =	rddreg [dreg:$0xe]  }
0x69: {  	[tilespmem:s22], [sflag:$0x1] =	stream.strided.gather [hbm4b:s19+s25], $0x100, s26, s25, $0x38;
	[tilespmem:$0x15000] =	vst v63  }
0x6a: {  	s24 =	simm.s32 $0x4500;
	s23 =	rddreg [dreg:$0x10]  }
0x6b: {  	[tilespmem:s24], [sflag:$0x1] =	stream.strided.gather [hbm4b:s23+s25], $0x100, s26, s25, $0x38;
	[tilespmem:$0x15000] =	vst v63  }
0x6c: {  	s31 =	simm.s32 $0x4600;
	s30 =	rddreg [dreg:$0x13]  }
0x6d: {  	[tilespmem:s31], [sflag:$0x1] =	stream.strided.gather [hbm4b:s30+s25], $0x100, s26, s25, $0x38;
	[tilespmem:$0x15000] =	vst v63  }
0x6e: {  	s5 =	simm.s32 $0x4700;
	s4 =	rddreg [dreg:$0x14]  }
0x6f: {  	[tilespmem:s5], [sflag:$0x1] =	stream.strided.gather [hbm4b:s4+s25], $0x100, s26, s25, $0x38;
	[tilespmem:$0x15000] =	vst v63  }
0x70: {  	s7 =	simm.s32 $0x4800;
	s6 =	rddreg [dreg:$0x15]  }
0x71: {  	[tilespmem:s7], [sflag:$0x2] =	stream.strided.gather [hbm4b:s6+s25], $0x100, s26, s25, $0x38;
	[tilespmem:$0x15000] =	vst v63  }
0x72: {  	s8 =	rddreg [dreg:$0x19];
	s9 =	simm.s32 $0x4900  }
0x73: {  	[tilespmem:s9], [sflag:$0x2] =	stream.strided.gather [hbm4b:s8+s25], $0x100, s26, s25, $0x38;
	[tilespmem:$0x15000] =	vst v63  }
0x74: {  	s10 =	rddreg [dreg:$0x1a];
	s12 =	simm.s32 $0x4A00  }
0x75: {  	[tilespmem:s12], [sflag:$0x2] =	stream.strided.gather [hbm4b:s10+s25], $0x100, s26, s25, $0x38;
	[tilespmem:$0x15000] =	vst v63  }
0x76: {  	s13 =	rddreg [dreg:$0x1b];
	s14 =	simm.s32 $0x4B00  }
0x77: {  	[tilespmem:s14], [sflag:$0x2] =	stream.strided.gather [hbm4b:s13+s25], $0x100, s26, s25, $0x38;
	[tilespmem:$0x15000] =	vst v63  }
0x78: {  	s16 =	rddreg [dreg:$0x1c];
	s18 =	simm.s32 $0x4C00  }
0x79: {  	[tilespmem:s18], [sflag:$0x2] =	stream.strided.gather [hbm4b:s16+s25], $0x100, s26, s25, $0x38;
	[tilespmem:$0x15000] =	vst v63  }
0x7a: {  	s19 =	rddreg [dreg:$0x1d];
	s22 =	simm.s32 $0x4D00  }
0x7b: {  	[tilespmem:s22], [sflag:$0x2] =	stream.strided.gather [hbm4b:s19+s25], $0x100, s26, s25, $0x38;
	[tilespmem:$0x15000] =	vst v63  }
0x7c: {  	s23 =	rddreg [dreg:$0x1e];
	s24 =	simm.s32 $0x4E00  }
0x7d: {  	[tilespmem:s24], [sflag:$0x2] =	stream.strided.gather [hbm4b:s23+s25], $0x100, s26, s25, $0x38;
	[tilespmem:$0x15000] =	vst v63  }
0x7e: {  	s30 =	rddreg [dreg:$0x1f];
	s31 =	simm.s32 $0x4F00;
	s22 =	simm.s32 $0x0  }
0x7f: {  	[tilespmem:s31], [sflag:$0x2] =	stream.strided.gather [hbm4b:s30+s25], $0x100, s26, s25, $0x38;
	[tilespmem:$0x15000] =	vst v63  }
.LBB2_2:
0x80: {  	_ =	swait.ge [sflag:s28], $0x100  }
0x81: {  	[sflag:s28] =	ssyncset.done $0x0  }
0x82: {  	[sflag:s28] =	ssyncadd.s32 $0xFFFFFF00  }
0x83: {  	_ =	swait.ge [sflag:s28], $0x100  }
0x84: {  	[sflag:s28] =	ssyncset.done $0x0  }
0x85: {  	[sflag:s28] =	ssyncadd.s32 $0xFFFFFF00  }
0x86: {  	_ =	swait.ge [sflag:s28], $0x100  }
0x87: {  	[sflag:s28] =	ssyncset.done $0x0  }
0x88: {  	[sflag:s28] =	ssyncadd.s32 $0xFFFFFF00  }
0x89: {  	_ =	swait.ge [sflag:s28], $0x100  }
0x8a: {  	[sflag:s28] =	ssyncset.done $0x0  }
0x8b: {  	[sflag:s28] =	ssyncadd.s32 $0xFFFFFF00  }
0x8c: {  	_ =	swait.ge [sflag:s28], $0x100  }
0x8d: {  	[sflag:s28] =	ssyncset.done $0x0  }
0x8e: {  	[sflag:s28] =	ssyncadd.s32 $0xFFFFFF00  }
0x8f: {  	_ =	swait.ge [sflag:s28], $0x100  }
0x90: {  	[sflag:s28] =	ssyncset.done $0x0  }
0x91: {  	[sflag:s28] =	ssyncadd.s32 $0xFFFFFF00  }
0x92: {  	_ =	swait.ge [sflag:s28], $0x100  }
0x93: {  	[sflag:s28] =	ssyncset.done $0x0  }
0x94: {  	[sflag:s28] =	ssyncadd.s32 $0xFFFFFF00  }
0x95: {  	_ =	swait.ge [sflag:s28], $0x100  }
0x96: {  	p0 =	seq.s32 s22, $0x0;
	[sflag:s28] =	ssyncset.done $0x0  }
0x97: {  	s1 =	simm.s32 @!p0 $0x3;
	[sflag:s28] =	ssyncadd.s32 $0xFFFFFF00  }
0x98: {  	_ =	swait.ge @!p0 [sflag:s1], $0xA00  }
0x99: {  	[sflag:s1] =	ssyncset.done @!p0 $0x0  }
0x9a: {  	[sflag:s1] =	ssyncadd.s32 @!p0 $0xFFFFF600  }
0x9b: {  	_ =	swait.ge @!p0 [sflag:s1], $0xA00  }
0x9c: {  	[sflag:s1] =	ssyncset.done @!p0 $0x0  }
0x9d: {  	[sflag:s1] =	ssyncadd.s32 @!p0 $0xFFFFF600  }
0x9e: {  	_ =	swait.ge @!p0 [sflag:s1], $0xA00  }
0x9f: {  	[sflag:s1] =	ssyncset.done @!p0 $0x0  }
0xa0: {  	[sflag:s1] =	ssyncadd.s32 @!p0 $0xFFFFF600  }
0xa1: {  	_ =	swait.ge @!p0 [sflag:s1], $0xA00  }
0xa2: {  	[sflag:s1] =	ssyncset.done @!p0 $0x0  }
0xa3: {  	[sflag:s1] =	ssyncadd.s32 @!p0 $0xFFFFF600  }
0xa4: {  	_ =	swait.ge @!p0 [sflag:s1], $0xA00  }
0xa5: {  	[sflag:s1] =	ssyncset.done @!p0 $0x0  }
0xa6: {  	[sflag:s1] =	ssyncadd.s32 @!p0 $0xFFFFF600  }
0xa7: {  	_ =	swait.ge @!p0 [sflag:s1], $0xA00  }
0xa8: {  	[sflag:s1] =	ssyncset.done @!p0 $0x0  }
0xa9: {  	[sflag:s1] =	ssyncadd.s32 @!p0 $0xFFFFF600  }
0xaa: {  	_ =	swait.ge @!p0 [sflag:s1], $0xA00  }
0xab: {  	[sflag:s1] =	ssyncset.done @!p0 $0x0  }
0xac: {  	[sflag:s1] =	ssyncadd.s32 @!p0 $0xFFFFF600  }
0xad: {  	s8 =	simm.s32 $0x0;
	_ =	swait.ge @!p0 [sflag:s1], $0xA00  }
0xae: {  	s12 =	simm.s32 $0x4000;
	s2 =	sand.u32 $0x60, s8;
	[sflag:s1] =	ssyncset.done @!p0 $0x0  }
0xaf: {  	s4 =	sand.u32 $0x780, s8;
	s5 =	sor.u32 $0x10, s2;
	[sflag:s1] =	ssyncadd.s32 @!p0 $0xFFFFF600  }
0xb0: {  	s13 =	sor.u32 s5, s4;
	v0 =	vld [tilespmem:s12+$0x0]  }
0xb1: {  	v1 =	vld [tilespmem:s13+$0x4000];
	_ =	sdelay $0x3  }
0xb2: {  	v2 =	vshll.u32 v0, $0x3  }
0xb3: {  	v0 =	vand.u32 $0x7F, v0;
	v3 =	vshll.u32 v1, $0x3;
	v2 =	vand.u32 $0xFFFFFC00, v2  }
0xb4: {  	v5 =	vor.u32 v0, v2;
	v0 =	vand.u32 $0x7F, v1;
	v1 =	vand.u32 $0xFFFFFC00, v3  }
0xb5: {  	v1 =	vor.u32 v0, v1  }
0xb6: {  	v2 =	vor.u32 $0x80, v1  }
0xb7: {  	v3 =	vor.u32 $0x100, v1  }
0xb8: {  	s14 =	simm.s32 $0x4020;
	v4 =	vor.u32 $0x180, v1  }
0xb9: {  	v9 =	vld [tilespmem:s14+$0x0];
	v6 =	vor.u32 $0x200, v1  }
0xba: {  	v8 =	vor.u32 $0x280, v1;
	v7 =	vld.idx.msk [tilespmem:v1+s3+$0x0], $0xffff  }
0xbb: {  	v10 =	vor.u32 $0x300, v1;
	v2 =	vld.idx.msk [tilespmem:v2+s3+$0x0], $0xffff  }
0xbc: {  	v11 =	vor.u32 $0x380, v1;
	v3 =	vld.idx.msk [tilespmem:v3+s3+$0x0], $0xffff  }
0xbd: {  	v12 =	vadd.s32 $0x2000, v1;
	v4 =	vld.idx.msk [tilespmem:v4+s3+$0x0], $0xffff  }
0xbe: {  	v1 =	vadd.s32 $0x2080, v1;
	v6 =	vld.idx.msk [tilespmem:v6+s3+$0x0], $0xffff  }
0xbf: {  	v8 =	vld.idx.msk [tilespmem:v8+s3+$0x0], $0xffff  }
0xc0: {  	s24 =	simm.s32 $0x20;
	s6 =	sand.u32 $0x3C00, s8;
	v14 =	vor.u32 $0x100, v5;
	v10 =	vld.idx.msk [tilespmem:v10+s3+$0x0], $0xffff  }
0xc1: {  	s7 =	sadd.s32 $0x5000, s6;
	s4 =	sand.u32 $0x60, s24;
	v15 =	vor.u32 $0x180, v5;
	v11 =	vld.idx.msk [tilespmem:v11+s3+$0x0], $0xffff  }
0xc2: {  	s10 =	sand.u32 $0x780, s24;
	s1 =	sor.u32 $0x10, s4;
	s12 =	sor.u32 s5, s7;
	v12 =	vld.idx.msk [tilespmem:v12+s3+$0x0], $0xffff  }
0xc3: {  	s10 =	sor.u32 s1, s10;
	v13 =	vor.u32 $0x80, v5;
	v1 =	vld.idx.msk [tilespmem:v1+s3+$0x0], $0xffff;
	[tilespmem:s12+$0x0] =	vst v7  }
0xc4: {  	s16 =	sand.u32 $0x3, s8;
	v17 =	vld [tilespmem:s10+$0x4000];
	v7 =	vor.u32 $0x280, v5;
	[tilespmem:s12+$0x80] =	vst v2  }
0xc5: {  	s10 =	sshll.u32 s16, $0x5;
	[tilespmem:s12+$0x100] =	vst v3;
	v2 =	vld.idx.msk [tilespmem:v14+s3+$0x0], $0xffff;
	v14 =	vor.u32 $0x380, v5  }
0xc6: {  	s10 =	sadd.s32 $0x0, s10;
	[tilespmem:s12+$0x180] =	vst v4;
	v3 =	vld.idx.msk [tilespmem:v15+s3+$0x0], $0xffff;
	v15 =	vadd.s32 $0x2000, v5  }
0xc7: {  	s13 =	sadd.s32 $0x10, s10;
	v0 =	vld.idx.msk [tilespmem:v5+s3+$0x0], $0xffff;
	[tilespmem:s12+$0x200] =	vst v6  }
0xc8: {  	s18 =	sor.u32 $0x300, s13;
	v16 =	vor.u32 $0x200, v5;
	v13 =	vld.idx.msk [tilespmem:v13+s3+$0x0], $0xffff;
	[tilespmem:s12+$0x280] =	vst v8  }
0xc9: {  	s16 =	sadd.s32 $0x9000, s6;
	s19 =	sor.u32 $0x380, s13;
	v18 =	vor.u32 $0x300, v5;
	v63 =	vadd.s32 $0x2080, v5;
	[tilespmem:s18+$0x5000] =	vst v10;
	v5 =	vld.idx.msk [tilespmem:v7+s3+$0x0], $0xffff  }
0xca: {  	s23 =	sor.u32 s5, s16;
	v8 =	vshll.u32 v17, $0x3;
	s18 =	sadd.s32 $0x9080, s6;
	v10 =	vshll.u32 v9, $0x3;
	s9 =	rddreg [dreg:$0x5];
	[tilespmem:s19+$0x5000] =	vst v11;
	v7 =	vld.idx.msk [tilespmem:v14+s3+$0x0], $0xffff  }
0xcb: {  	s5 =	sor.u32 s5, s18;
	[tilespmem:s23+$0x0] =	vst v12;
	v12 =	vand.u32 $0x7F, v9;
	v14 =	vand.u32 $0xFFFFFC00, v8;
	v8 =	vld.idx.msk [tilespmem:v15+s3+$0x0], $0xffff;
	v15 =	vand.u32 $0xFFFFFC00, v10  }
0xcc: {  	s30 =	sshll.u32 s22, $0xE;
	v11 =	vand.u32 $0x7F, v17;
	[tilespmem:s5+$0x0] =	vst v1;
	v1 =	vor.u32 v12, v15  }
0xcd: {  	s13 =	sor.u32 s2, s16;
	v4 =	vld.idx.msk [tilespmem:v16+s3+$0x0], $0xffff;
	s6 =	sor.u32 s2, s7;
	s7 =	sor.u32 $0x300, s10;
	v10 =	vor.u32 v11, v14  }
0xce: {  	v6 =	vld.idx.msk [tilespmem:v18+s3+$0x0], $0xffff;
	s10 =	sor.u32 $0x380, s10;
	s12 =	sor.u32 s2, s18;
	s2 =	simm.s32 $0x0;
	v11 =	vor.u32 $0x80, v10  }
0xcf: {  	s31 =	sor.u32 s9, s30;
	v9 =	vld.idx.msk [tilespmem:v63+s3+$0x0], $0xffff;
	s23 =	simm.s32 $0x2;
	s5 =	simm.s32 $0x4040;
	[tilespmem:s6+$0x80] =	vst v13;
	v12 =	vor.u32 $0x100, v10  }
.LBB2_3:
0xd0: {  	v13 =	vld [tilespmem:s5+$0x0];
	v14 =	vor.u32 $0x180, v10;
	[tilespmem:s6+$0x100] =	vst v2  }
0xd1: {  	v15 =	vor.u32 $0x200, v10;
	v2 =	vld.idx.msk [tilespmem:v1+s3+$0x0], $0xffff;
	[tilespmem:s6+$0x180] =	vst v3  }
0xd2: {  	v16 =	vor.u32 $0x280, v10;
	v3 =	vld.idx.msk [tilespmem:v10+s3+$0x0], $0xffff;
	[tilespmem:s6+$0x200] =	vst v4  }
0xd3: {  	v4 =	vld.idx.msk [tilespmem:v11+s3+$0x0], $0xffff;
	v11 =	vor.u32 $0x300, v10;
	[tilespmem:s6+$0x280] =	vst v5  }
0xd4: {  	v5 =	vld.idx.msk [tilespmem:v12+s3+$0x0], $0xffff;
	v12 =	vor.u32 $0x380, v10;
	[tilespmem:s6+$0x0] =	vst v0  }
0xd5: {  	v17 =	vadd.s32 $0x2000, v10;
	v14 =	vld.idx.msk [tilespmem:v14+s3+$0x0], $0xffff;
	[tilespmem:s7+$0x5000] =	vst v6  }
0xd6: {  	v10 =	vadd.s32 $0x2080, v10;
	v6 =	vld.idx.msk [tilespmem:v15+s3+$0x0], $0xffff;
	[tilespmem:s10+$0x5000] =	vst v7  }
0xd7: {  	s8 =	sadd.s32 $0x100, s8;
	v0 =	vmov v2;
	v7 =	vld.idx.msk [tilespmem:v16+s3+$0x0], $0xffff;
	[tilespmem:s13+$0x0] =	vst v8  }
0xd8: {  	s24 =	sadd.s32 $0x20, s24;
	s19 =	sand.u32 $0x3C00, s8;
	v2 =	vor.u32 $0x80, v1;
	v8 =	vld.idx.msk [tilespmem:v11+s3+$0x0], $0xffff;
	[tilespmem:s12+$0x0] =	vst v9  }
0xd9: {  	s18 =	sand.u32 $0x60, s24;
	s6 =	sadd.s32 $0x5000, s19;
	v9 =	vor.u32 $0x100, v1;
	v11 =	vld.idx.msk [tilespmem:v12+s3+$0x0], $0xffff  }
0xda: {  	s16 =	sor.u32 $0x10, s18;
	s7 =	sand.u32 $0x780, s24;
	s12 =	sor.u32 s1, s6;
	v12 =	vor.u32 $0x180, v1;
	v15 =	vld.idx.msk [tilespmem:v17+s3+$0x0], $0xffff  }
0xdb: {  	s2 =	sadd.s32 $0x1, s2;
	s7 =	sor.u32 s16, s7;
	v16 =	vor.u32 $0x200, v1;
	s6 =	sor.u32 s4, s6;
	v17 =	vld.idx.msk [tilespmem:v10+s3+$0x0], $0xffff;
	[tilespmem:s12+$0x0] =	vst v3  }
0xdc: {  	v18 =	vor.u32 $0x280, v1;
	v10 =	vld [tilespmem:s7+$0x4000];
	s7 =	sand.u32 $0x3, s2;
	[tilespmem:s12+$0x80] =	vst v4  }
0xdd: {  	v20 =	vor.u32 $0x300, v1;
	s7 =	sshll.u32 s7, $0x5;
	v19 =	vld.idx.msk [tilespmem:v2+s3+$0x0], $0xffff;
	[tilespmem:s12+$0x100] =	vst v5  }
0xde: {  	s23 =	sadd.s32 $0x2, s23;
	s13 =	sadd.s32 s7, s8;
	v2 =	vld.idx.msk [tilespmem:v9+s3+$0x0], $0xffff;
	v9 =	vor.u32 $0x380, v1;
	[tilespmem:s12+$0x180] =	vst v14  }
0xdf: {  	v3 =	vld.idx.msk [tilespmem:v12+s3+$0x0], $0xffff;
	v12 =	vadd.s32 $0x2000, v1;
	s7 =	sor.u32 $0x300, s13;
	s10 =	sor.u32 $0x380, s13;
	[tilespmem:s12+$0x200] =	vst v6;
	s13 =	sadd.s32 $0x10, s13  }
0xe0: {  	p1 =	slt.u32 s23, $0x7E;
	v5 =	vshll.u32 v13, $0x3;
	v14 =	vadd.s32 $0x2080, v1;
	v4 =	vld.idx.msk [tilespmem:v16+s3+$0x0], $0xffff;
	[tilespmem:s12+$0x280] =	vst v7;
	s12 =	sor.u32 $0x300, s13  }
.Ltmp2:
0xe1: {  	s9 =	sadd.s32 $0x9000, s19;
	v1 =	vand.u32 $0x7F, v13;
	v6 =	vand.u32 $0xFFFFFC00, v5;
	v7 =	vshll.u32 v10, $0x3;
	v5 =	vld.idx.msk [tilespmem:v18+s3+$0x0], $0xffff;
	[tilespmem:s12+$0x5000] =	vst v8;
	s12 =	sor.u32 $0x380, s13;
	(pc) =	sbr.rel @p1 .LBB2_3-.Ltmp2, $4  }
0xe2: {  	s19 =	sadd.s32 $0x9080, s19;
	v1 =	vor.u32 v1, v6;
	v8 =	vand.u32 $0x7F, v10;
	s13 =	sor.u32 s4, s9;
	s9 =	sor.u32 s1, s9;
	v7 =	vand.u32 $0xFFFFFC00, v7;
	v6 =	vld.idx.msk [tilespmem:v20+s3+$0x0], $0xffff;
	[tilespmem:s12+$0x5000] =	vst v11  }
0xe3: {  	s1 =	sor.u32 s1, s19;
	s12 =	sor.u32 s4, s19;
	s4 =	smov.u32 s18;
	v10 =	vor.u32 v8, v7;
	v7 =	vld.idx.msk [tilespmem:v9+s3+$0x0], $0xffff;
	[tilespmem:s9+$0x0] =	vst v15  }
0xe4: {  	v11 =	vor.u32 $0x80, v10;
	v8 =	vld.idx.msk [tilespmem:v12+s3+$0x0], $0xffff;
	[tilespmem:s1+$0x0] =	vst v17;
	s1 =	smov.u32 s16  }
0xe5: {  	s5 =	sadd.s32 $0x20, s5;
	v12 =	vor.u32 $0x100, v10;
	v9 =	vld.idx.msk [tilespmem:v14+s3+$0x0], $0xffff;
	[tilespmem:s6+$0x80] =	vst v19  }
0xe6: {  	_ =	sdelay $0x1  }
0xe7: {  	v13 =	vor.u32 $0x180, v10  }
0xe8: {  	v14 =	vor.u32 $0x200, v10  }
0xe9: {  	v15 =	vld.idx.msk [tilespmem:v10+s3+$0x0], $0xffff;
	v16 =	vor.u32 $0x280, v10  }
0xea: {  	[tilespmem:s6+$0x100] =	vst v2;
	v2 =	vld.idx.msk [tilespmem:v11+s3+$0x0], $0xffff;
	v11 =	vor.u32 $0x300, v10  }
0xeb: {  	[tilespmem:s6+$0x180] =	vst v3;
	v3 =	vld.idx.msk [tilespmem:v12+s3+$0x0], $0xffff;
	v12 =	vor.u32 $0x380, v10  }
0xec: {  	[tilespmem:s6+$0x200] =	vst v4;
	v4 =	vld.idx.msk [tilespmem:v13+s3+$0x0], $0xffff  }
0xed: {  	[tilespmem:s6+$0x280] =	vst v5;
	v13 =	vadd.s32 $0x2000, v10;
	v5 =	vld.idx.msk [tilespmem:v14+s3+$0x0], $0xffff  }
0xee: {  	[tilespmem:s6+$0x0] =	vst v0;
	v10 =	vadd.s32 $0x2080, v10;
	v0 =	vld.idx.msk [tilespmem:v16+s3+$0x0], $0xffff  }
0xef: {  	s5 =	sadd.s32 $0x100, s8;
	[tilespmem:s7+$0x5000] =	vst v6;
	v6 =	vor.u32 $0x80, v1;
	v11 =	vld.idx.msk [tilespmem:v11+s3+$0x0], $0xffff  }
0xf0: {  	[tilespmem:s10+$0x5000] =	vst v7;
	s10 =	sand.u32 $0x3C00, s5;
	v7 =	vor.u32 $0x100, v1;
	v12 =	vld.idx.msk [tilespmem:v12+s3+$0x0], $0xffff  }
0xf1: {  	[tilespmem:s13+$0x0] =	vst v8;
	s13 =	sadd.s32 $0x5000, s10;
	v8 =	vor.u32 $0x180, v1;
	v14 =	vld.idx.msk [tilespmem:v1+s3+$0x0], $0xffff  }
0xf2: {  	[tilespmem:s12+$0x0] =	vst v9;
	s14 =	sor.u32 s1, s13;
	v9 =	vor.u32 $0x200, v1;
	v13 =	vld.idx.msk [tilespmem:v13+s3+$0x0], $0xffff  }
0xf3: {  	s2 =	sadd.s32 $0x1, s2;
	v10 =	vld.idx.msk [tilespmem:v10+s3+$0x0], $0xffff;
	[tilespmem:s14+$0x0] =	vst v15;
	v15 =	vor.u32 $0x280, v1  }
0xf4: {  	s2 =	sand.u32 $0x3, s2;
	[tilespmem:s14+$0x80] =	vst v2;
	v2 =	vld.idx.msk [tilespmem:v6+s3+$0x0], $0xffff;
	v6 =	vor.u32 $0x300, v1  }
0xf5: {  	s2 =	sshll.u32 s2, $0x5;
	[tilespmem:s14+$0x100] =	vst v3;
	v3 =	vld.idx.msk [tilespmem:v7+s3+$0x0], $0xffff;
	v7 =	vor.u32 $0x380, v1  }
0xf6: {  	s2 =	sadd.s32 s2, s5;
	[tilespmem:s14+$0x180] =	vst v4;
	v4 =	vld.idx.msk [tilespmem:v8+s3+$0x0], $0xffff;
	v8 =	vadd.s32 $0x2000, v1  }
0xf7: {  	s5 =	sadd.s32 $0x10, s2;
	[tilespmem:s14+$0x200] =	vst v5;
	v5 =	vld.idx.msk [tilespmem:v9+s3+$0x0], $0xffff;
	v1 =	vadd.s32 $0x2080, v1  }
0xf8: {  	s16 =	sor.u32 $0x300, s5;
	[tilespmem:s14+$0x280] =	vst v0;
	v0 =	vld.idx.msk [tilespmem:v15+s3+$0x0], $0xffff  }
0xf9: {  	s9 =	sadd.s32 $0x9000, s10;
	s5 =	sor.u32 $0x380, s5;
	[tilespmem:s16+$0x5000] =	vst v11;
	v6 =	vld.idx.msk [tilespmem:v6+s3+$0x0], $0xffff  }
0xfa: {  	s18 =	sor.u32 s1, s9;
	[tilespmem:s5+$0x5000] =	vst v12;
	v7 =	vld.idx.msk [tilespmem:v7+s3+$0x0], $0xffff  }
0xfb: {  	s23 =	sor.u32 s4, s13;
	[tilespmem:s18+$0x0] =	vst v13;
	v8 =	vld.idx.msk [tilespmem:v8+s3+$0x0], $0xffff  }
0xfc: {  	v1 =	vld.idx.msk [tilespmem:v1+s3+$0x0], $0xffff;
	[tilespmem:s23+$0x80] =	vst v2  }
0xfd: {  	[tilespmem:s23+$0x100] =	vst v3  }
0xfe: {  	[tilespmem:s23+$0x180] =	vst v4  }
0xff: {  	s6 =	sadd.s32 $0x9080, s10;
	[tilespmem:s23+$0x200] =	vst v5  }
0x100: {  	s19 =	sor.u32 s1, s6;
	[tilespmem:s23+$0x0] =	vst v14  }
0x101: {  	[tilespmem:s19+$0x0] =	vst v10  }
0x102: {  	s24 =	sor.u32 $0x300, s2;
	[tilespmem:s23+$0x280] =	vst v0  }
0x103: {  	s2 =	sor.u32 $0x380, s2;
	[tilespmem:s24+$0x5000] =	vst v6  }
0x104: {  	s5 =	sor.u32 s4, s9;
	[tilespmem:s2+$0x5000] =	vst v7  }
0x105: {  	s6 =	sor.u32 s4, s6;
	[tilespmem:s5+$0x0] =	vst v8  }
0x106: {  	s8 =	simm.s32 $0x5000;
	s7 =	sadd.s32 s11, s31;
	[tilespmem:s6+$0x0] =	vst v1  }
0x107: {  	[hbm4b:s7+s25] =	stream.strided.scatter [tilespmem:s8], [sflag:$0x3], $0x400, s29, s25, $0x38;
	[tilespmem:$0x15000] =	vst v63  }
0x108: {  	s10 =	simm.s32 $0x5400;
	s1 =	sadd.s32 $0x320000, s7;
	s9 =	sadd.s32 $0x80, s7  }
0x109: {  	[hbm4b:s9+s25] =	stream.strided.scatter [tilespmem:s10], [sflag:$0x3], $0x400, s29, s25, $0x38;
	[tilespmem:$0x15000] =	vst v63  }
0x10a: {  	s14 =	smov.u32 s11;
	s11 =	simm.s32 $0x9000;
	s13 =	sld [smem:$0x7FB]  }
0x10b: {  	[hbm4b:s1+s25] =	stream.strided.scatter [tilespmem:s11], [sflag:$0x3], $0x100, s29, s25, $0x38;
	[tilespmem:$0x15000] =	vst v63  }
0x10c: {  	s12 =	simm.s32 $0x9400;
	s1 =	sadd.s32 $0x80, s1  }
0x10d: {  	[hbm4b:s1+s25] =	stream.strided.scatter [tilespmem:s12], [sflag:$0x3], $0x100, s29, s25, $0x38;
	[tilespmem:$0x15000] =	vst v63  }
0x10e: {  	s16 =	simm.s32 $0x5800;
	s1 =	sadd.s32 s31, s13  }
0x10f: {  	[hbm4b:s1+s25] =	stream.strided.scatter [tilespmem:s16], [sflag:$0x3], $0x400, s29, s25, $0x38;
	[tilespmem:$0x15000] =	vst v63  }
0x110: {  	s19 =	simm.s32 $0x5C00;
	s18 =	sadd.s32 $0x80, s1  }
0x111: {  	[hbm4b:s18+s25] =	stream.strided.scatter [tilespmem:s19], [sflag:$0x3], $0x400, s29, s25, $0x38;
	[tilespmem:$0x15000] =	vst v63  }
0x112: {  	s23 =	simm.s32 $0x9800;
	s2 =	sld [smem:$0x7FC];
	s1 =	sadd.s32 $0x320000, s1  }
0x113: {  	[hbm4b:s1+s25] =	stream.strided.scatter [tilespmem:s23], [sflag:$0x3], $0x100, s29, s25, $0x38;
	[tilespmem:$0x15000] =	vst v63  }
0x114: {  	s24 =	simm.s32 $0x9C00;
	s1 =	sadd.s32 $0x80, s1  }
0x115: {  	[hbm4b:s1+s25] =	stream.strided.scatter [tilespmem:s24], [sflag:$0x3], $0x100, s29, s25, $0x38;
	[tilespmem:$0x15000] =	vst v63  }
0x116: {  	s4 =	simm.s32 $0x6000;
	s1 =	sadd.s32 s31, s2  }
0x117: {  	[hbm4b:s1+s25] =	stream.strided.scatter [tilespmem:s4], [sflag:$0x3], $0x400, s29, s25, $0x38;
	[tilespmem:$0x15000] =	vst v63  }
0x118: {  	s6 =	simm.s32 $0x6400;
	s5 =	sadd.s32 $0x80, s1  }
0x119: {  	[hbm4b:s5+s25] =	stream.strided.scatter [tilespmem:s6], [sflag:$0x3], $0x400, s29, s25, $0x38;
	[tilespmem:$0x15000] =	vst v63  }
0x11a: {  	s7 =	simm.s32 $0xA000;
	s9 =	sld [smem:$0x7FD];
	s1 =	sadd.s32 $0x320000, s1  }
0x11b: {  	[hbm4b:s1+s25] =	stream.strided.scatter [tilespmem:s7], [sflag:$0x3], $0x100, s29, s25, $0x38;
	[tilespmem:$0x15000] =	vst v63  }
0x11c: {  	s8 =	simm.s32 $0xA400;
	s1 =	sadd.s32 $0x80, s1  }
0x11d: {  	[hbm4b:s1+s25] =	stream.strided.scatter [tilespmem:s8], [sflag:$0x3], $0x100, s29, s25, $0x38;
	[tilespmem:$0x15000] =	vst v63  }
0x11e: {  	s10 =	simm.s32 $0x6800;
	s1 =	sadd.s32 s31, s9  }
0x11f: {  	[hbm4b:s1+s25] =	stream.strided.scatter [tilespmem:s10], [sflag:$0x3], $0x400, s29, s25, $0x38;
	[tilespmem:$0x15000] =	vst v63  }
0x120: {  	s12 =	simm.s32 $0x6C00;
	s11 =	sadd.s32 $0x80, s1  }
0x121: {  	[hbm4b:s11+s25] =	stream.strided.scatter [tilespmem:s12], [sflag:$0x3], $0x400, s29, s25, $0x38;
	[tilespmem:$0x15000] =	vst v63  }
0x122: {  	s13 =	simm.s32 $0xA800;
	s1 =	sadd.s32 $0x320000, s1  }
0x123: {  	[hbm4b:s1+s25] =	stream.strided.scatter [tilespmem:s13], [sflag:$0x3], $0x100, s29, s25, $0x38;
	[tilespmem:$0x15000] =	vst v63  }
0x124: {  	s16 =	simm.s32 $0xAC00;
	s1 =	sadd.s32 $0x80, s1  }
0x125: {  	[hbm4b:s1+s25] =	stream.strided.scatter [tilespmem:s16], [sflag:$0x3], $0x100, s29, s25, $0x38;
	[tilespmem:$0x15000] =	vst v63  }
0x126: {  	s18 =	sadd.s32 s31, s15;
	s19 =	simm.s32 $0x7000  }
0x127: {  	[hbm4b:s18+s25] =	stream.strided.scatter [tilespmem:s19], [sflag:$0x3], $0x400, s29, s25, $0x38;
	[tilespmem:$0x15000] =	vst v63  }
0x128: {  	s23 =	sadd.s32 $0x80, s18;
	s24 =	simm.s32 $0x7400  }
0x129: {  	[hbm4b:s23+s25] =	stream.strided.scatter [tilespmem:s24], [sflag:$0x3], $0x400, s29, s25, $0x38;
	[tilespmem:$0x15000] =	vst v63  }
0x12a: {  	s4 =	simm.s32 $0xB000;
	s1 =	sadd.s32 $0x320000, s18  }
0x12b: {  	[hbm4b:s1+s25] =	stream.strided.scatter [tilespmem:s4], [sflag:$0x3], $0x100, s29, s25, $0x38;
	[tilespmem:$0x15000] =	vst v63  }
0x12c: {  	s5 =	simm.s32 $0xB400;
	s1 =	sadd.s32 $0x80, s1  }
0x12d: {  	[hbm4b:s1+s25] =	stream.strided.scatter [tilespmem:s5], [sflag:$0x3], $0x100, s29, s25, $0x38;
	[tilespmem:$0x15000] =	vst v63  }
0x12e: {  	s6 =	sadd.s32 s31, s17;
	s7 =	simm.s32 $0x7800  }
0x12f: {  	[hbm4b:s6+s25] =	stream.strided.scatter [tilespmem:s7], [sflag:$0x3], $0x400, s29, s25, $0x38;
	[tilespmem:$0x15000] =	vst v63  }
0x130: {  	s8 =	sadd.s32 $0x80, s6;
	s9 =	simm.s32 $0x7C00  }
0x131: {  	[hbm4b:s8+s25] =	stream.strided.scatter [tilespmem:s9], [sflag:$0x3], $0x400, s29, s25, $0x38;
	[tilespmem:$0x15000] =	vst v63  }
0x132: {  	s10 =	simm.s32 $0xB800;
	s1 =	sadd.s32 $0x320000, s6  }
0x133: {  	[hbm4b:s1+s25] =	stream.strided.scatter [tilespmem:s10], [sflag:$0x3], $0x100, s29, s25, $0x38;
	[tilespmem:$0x15000] =	vst v63  }
0x134: {  	s11 =	simm.s32 $0xBC00;
	s1 =	sadd.s32 $0x80, s1  }
0x135: {  	[hbm4b:s1+s25] =	stream.strided.scatter [tilespmem:s11], [sflag:$0x3], $0x100, s29, s25, $0x38;
	[tilespmem:$0x15000] =	vst v63  }
0x136: {  	s12 =	sadd.s32 s31, s20;
	s13 =	simm.s32 $0x8000  }
0x137: {  	[hbm4b:s12+s25] =	stream.strided.scatter [tilespmem:s13], [sflag:$0x3], $0x400, s29, s25, $0x38;
	[tilespmem:$0x15000] =	vst v63  }
0x138: {  	s16 =	sadd.s32 $0x80, s12;
	s18 =	simm.s32 $0x8400  }
0x139: {  	[hbm4b:s16+s25] =	stream.strided.scatter [tilespmem:s18], [sflag:$0x3], $0x400, s29, s25, $0x38;
	[tilespmem:$0x15000] =	vst v63  }
0x13a: {  	s19 =	simm.s32 $0xC000;
	s1 =	sadd.s32 $0x320000, s12  }
0x13b: {  	[hbm4b:s1+s25] =	stream.strided.scatter [tilespmem:s19], [sflag:$0x3], $0x100, s29, s25, $0x38;
	[tilespmem:$0x15000] =	vst v63  }
0x13c: {  	s23 =	simm.s32 $0xC400;
	s1 =	sadd.s32 $0x80, s1  }
0x13d: {  	[hbm4b:s1+s25] =	stream.strided.scatter [tilespmem:s23], [sflag:$0x3], $0x100, s29, s25, $0x38;
	[tilespmem:$0x15000] =	vst v63  }
0x13e: {  	s24 =	sadd.s32 s31, s21;
	s5 =	simm.s32 $0x8800  }
0x13f: {  	[hbm4b:s24+s25] =	stream.strided.scatter [tilespmem:s5], [sflag:$0x3], $0x400, s29, s25, $0x38;
	[tilespmem:$0x15000] =	vst v63  }
0x140: {  	s6 =	sadd.s32 $0x80, s24;
	s7 =	simm.s32 $0x8C00  }
0x141: {  	[hbm4b:s6+s25] =	stream.strided.scatter [tilespmem:s7], [sflag:$0x3], $0x400, s29, s25, $0x38;
	[tilespmem:$0x15000] =	vst v63  }
0x142: {  	s8 =	simm.s32 $0xC800;
	s1 =	sadd.s32 $0x320000, s24  }
0x143: {  	[hbm4b:s1+s25] =	stream.strided.scatter [tilespmem:s8], [sflag:$0x3], $0x100, s29, s25, $0x38;
	[tilespmem:$0x15000] =	vst v63  }
0x144: {  	s9 =	simm.s32 $0xCC00;
	s1 =	sadd.s32 $0x80, s1  }
0x145: {  	[hbm4b:s1+s25] =	stream.strided.scatter [tilespmem:s9], [sflag:$0x3], $0x100, s29, s25, $0x38;
	[tilespmem:$0x15000] =	vst v63  }
0x146: {  	s1 =	sld [smem:$0x7FA];
	_ =	sdelay $0x1  }
0x147: {  	p1 =	seq.s32 s22, $0x18  }
0x148: {  	s2 =	rddreg [dreg:$0x0];
	s4 =	simm.s32 @!p1 $0x80;
	s1 =	sadd.s32 @!p1 s1, s30  }
0x149: {  	s5 =	simm.s32 @!p1 $0x400;
	s6 =	simm.s32 @!p1 $0x4000;
	s2 =	sadd.s32 @!p1 s2, s1  }
0x14a: {  	[tilespmem:s6], [sflag:$0x1] =	stream.strided.gather @!p1 [hbm4b:s2+s4], $0x100, s5, s4, $0x38;
	[tilespmem:$0x15000] =	vst v63  }
0x14b: {  	s2 =	rddreg [dreg:$0x6]  }
0x14c: {  	s6 =	simm.s32 @!p1 $0x4100;
	s2 =	sadd.s32 @!p1 s1, s2  }
0x14d: {  	[tilespmem:s6], [sflag:$0x1] =	stream.strided.gather @!p1 [hbm4b:s2+s4], $0x100, s5, s4, $0x38;
	[tilespmem:$0x15000] =	vst v63  }
0x14e: {  	s2 =	rddreg [dreg:$0x9]  }
0x14f: {  	s6 =	simm.s32 @!p1 $0x4200;
	s2 =	sadd.s32 @!p1 s1, s2  }
0x150: {  	[tilespmem:s6], [sflag:$0x1] =	stream.strided.gather @!p1 [hbm4b:s2+s4], $0x100, s5, s4, $0x38;
	[tilespmem:$0x15000] =	vst v63  }
0x151: {  	s2 =	rddreg [dreg:$0xb]  }
0x152: {  	s6 =	simm.s32 @!p1 $0x4300;
	s2 =	sadd.s32 @!p1 s1, s2  }
0x153: {  	[tilespmem:s6], [sflag:$0x1] =	stream.strided.gather @!p1 [hbm4b:s2+s4], $0x100, s5, s4, $0x38;
	[tilespmem:$0x15000] =	vst v63  }
0x154: {  	s2 =	rddreg [dreg:$0xc]  }
0x155: {  	s6 =	simm.s32 @!p1 $0x4400;
	s2 =	sadd.s32 @!p1 s1, s2  }
0x156: {  	[tilespmem:s6], [sflag:$0x1] =	stream.strided.gather @!p1 [hbm4b:s2+s4], $0x100, s5, s4, $0x38;
	[tilespmem:$0x15000] =	vst v63  }
0x157: {  	s2 =	rddreg [dreg:$0xf]  }
0x158: {  	s6 =	simm.s32 @!p1 $0x4500;
	s2 =	sadd.s32 @!p1 s1, s2  }
0x159: {  	[tilespmem:s6], [sflag:$0x1] =	stream.strided.gather @!p1 [hbm4b:s2+s4], $0x100, s5, s4, $0x38;
	[tilespmem:$0x15000] =	vst v63  }
0x15a: {  	s2 =	rddreg [dreg:$0x11]  }
0x15b: {  	s6 =	simm.s32 @!p1 $0x4600;
	s2 =	sadd.s32 @!p1 s1, s2  }
0x15c: {  	[tilespmem:s6], [sflag:$0x1] =	stream.strided.gather @!p1 [hbm4b:s2+s4], $0x100, s5, s4, $0x38;
	[tilespmem:$0x15000] =	vst v63  }
0x15d: {  	s2 =	rddreg [dreg:$0x12]  }
0x15e: {  	s1 =	sadd.s32 @!p1 s1, s2;
	s2 =	simm.s32 @!p1 $0x4700  }
0x15f: {  	[tilespmem:s2], [sflag:$0x1] =	stream.strided.gather @!p1 [hbm4b:s1+s4], $0x100, s5, s4, $0x38;
	[tilespmem:$0x15000] =	vst v63  }
0x160: {  	_ =	swait.ge [sflag:s0], $0x100  }
0x161: {  	[sflag:s0] =	ssyncset.done $0x0  }
0x162: {  	[sflag:s0] =	ssyncadd.s32 $0xFFFFFF00  }
0x163: {  	_ =	swait.ge [sflag:s0], $0x100  }
0x164: {  	[sflag:s0] =	ssyncset.done $0x0  }
0x165: {  	[sflag:s0] =	ssyncadd.s32 $0xFFFFFF00  }
0x166: {  	_ =	swait.ge [sflag:s0], $0x100  }
0x167: {  	[sflag:s0] =	ssyncset.done $0x0  }
0x168: {  	[sflag:s0] =	ssyncadd.s32 $0xFFFFFF00  }
0x169: {  	_ =	swait.ge [sflag:s0], $0x100  }
0x16a: {  	[sflag:s0] =	ssyncset.done $0x0  }
0x16b: {  	[sflag:s0] =	ssyncadd.s32 $0xFFFFFF00  }
0x16c: {  	_ =	swait.ge [sflag:s0], $0x100  }
0x16d: {  	[sflag:s0] =	ssyncset.done $0x0  }
0x16e: {  	[sflag:s0] =	ssyncadd.s32 $0xFFFFFF00  }
0x16f: {  	_ =	swait.ge [sflag:s0], $0x100  }
0x170: {  	[sflag:s0] =	ssyncset.done $0x0  }
0x171: {  	[sflag:s0] =	ssyncadd.s32 $0xFFFFFF00  }
0x172: {  	_ =	swait.ge [sflag:s0], $0x100  }
0x173: {  	[sflag:s0] =	ssyncset.done $0x0  }
0x174: {  	[sflag:s0] =	ssyncadd.s32 $0xFFFFFF00  }
0x175: {  	_ =	swait.ge [sflag:s0], $0x100  }
0x176: {  	[sflag:s0] =	ssyncset.done $0x0  }
0x177: {  	s1 =	simm.s32 @!p0 $0x4;
	[sflag:s0] =	ssyncadd.s32 $0xFFFFFF00  }
0x178: {  	_ =	swait.ge @!p0 [sflag:s1], $0xA00  }
0x179: {  	[sflag:s1] =	ssyncset.done @!p0 $0x0  }
0x17a: {  	[sflag:s1] =	ssyncadd.s32 @!p0 $0xFFFFF600  }
0x17b: {  	_ =	swait.ge @!p0 [sflag:s1], $0xA00  }
0x17c: {  	[sflag:s1] =	ssyncset.done @!p0 $0x0  }
0x17d: {  	[sflag:s1] =	ssyncadd.s32 @!p0 $0xFFFFF600  }
0x17e: {  	_ =	swait.ge @!p0 [sflag:s1], $0xA00  }
0x17f: {  	[sflag:s1] =	ssyncset.done @!p0 $0x0  }
0x180: {  	[sflag:s1] =	ssyncadd.s32 @!p0 $0xFFFFF600  }
0x181: {  	_ =	swait.ge @!p0 [sflag:s1], $0xA00  }
0x182: {  	[sflag:s1] =	ssyncset.done @!p0 $0x0  }
0x183: {  	[sflag:s1] =	ssyncadd.s32 @!p0 $0xFFFFF600  }
0x184: {  	_ =	swait.ge @!p0 [sflag:s1], $0xA00  }
0x185: {  	[sflag:s1] =	ssyncset.done @!p0 $0x0  }
0x186: {  	[sflag:s1] =	ssyncadd.s32 @!p0 $0xFFFFF600  }
0x187: {  	_ =	swait.ge @!p0 [sflag:s1], $0xA00  }
0x188: {  	[sflag:s1] =	ssyncset.done @!p0 $0x0  }
0x189: {  	[sflag:s1] =	ssyncadd.s32 @!p0 $0xFFFFF600  }
0x18a: {  	_ =	swait.ge @!p0 [sflag:s1], $0xA00  }
0x18b: {  	[sflag:s1] =	ssyncset.done @!p0 $0x0  }
0x18c: {  	[sflag:s1] =	ssyncadd.s32 @!p0 $0xFFFFF600  }
0x18d: {  	s8 =	simm.s32 $0x0;
	_ =	swait.ge @!p0 [sflag:s1], $0xA00  }
0x18e: {  	s10 =	simm.s32 $0x4800;
	s2 =	sand.u32 $0x60, s8;
	[sflag:s1] =	ssyncset.done @!p0 $0x0  }
0x18f: {  	s11 =	sand.u32 $0x780, s8;
	s5 =	sor.u32 $0x10, s2;
	[sflag:s1] =	ssyncadd.s32 @!p0 $0xFFFFF600  }
0x190: {  	s12 =	sor.u32 s5, s11;
	v0 =	vld [tilespmem:s10+$0x0]  }
0x191: {  	v1 =	vld [tilespmem:s12+$0x4800];
	_ =	sdelay $0x3  }
0x192: {  	v2 =	vshll.u32 v0, $0x3  }
0x193: {  	v0 =	vand.u32 $0x7F, v0;
	v3 =	vshll.u32 v1, $0x3;
	v2 =	vand.u32 $0xFFFFFC00, v2  }
0x194: {  	v5 =	vor.u32 v0, v2;
	v0 =	vand.u32 $0x7F, v1;
	v1 =	vand.u32 $0xFFFFFC00, v3  }
0x195: {  	v1 =	vor.u32 v0, v1  }
0x196: {  	v2 =	vor.u32 $0x80, v1  }
0x197: {  	v3 =	vor.u32 $0x100, v1  }
0x198: {  	s13 =	simm.s32 $0x4820;
	v4 =	vor.u32 $0x180, v1  }
0x199: {  	v9 =	vld [tilespmem:s13+$0x0];
	v6 =	vor.u32 $0x200, v1  }
0x19a: {  	v8 =	vor.u32 $0x280, v1;
	v7 =	vld.idx.msk [tilespmem:v1+s3+$0x0], $0xffff  }
0x19b: {  	v10 =	vor.u32 $0x300, v1;
	v2 =	vld.idx.msk [tilespmem:v2+s3+$0x0], $0xffff  }
0x19c: {  	v11 =	vor.u32 $0x380, v1;
	v3 =	vld.idx.msk [tilespmem:v3+s3+$0x0], $0xffff  }
0x19d: {  	v12 =	vadd.s32 $0x2000, v1;
	v4 =	vld.idx.msk [tilespmem:v4+s3+$0x0], $0xffff  }
0x19e: {  	v1 =	vadd.s32 $0x2080, v1;
	v6 =	vld.idx.msk [tilespmem:v6+s3+$0x0], $0xffff  }
0x19f: {  	v8 =	vld.idx.msk [tilespmem:v8+s3+$0x0], $0xffff  }
0x1a0: {  	s24 =	simm.s32 $0x20;
	s6 =	sand.u32 $0x3C00, s8;
	v14 =	vor.u32 $0x100, v5;
	v10 =	vld.idx.msk [tilespmem:v10+s3+$0x0], $0xffff  }
0x1a1: {  	s7 =	sadd.s32 $0xD000, s6;
	s4 =	sand.u32 $0x60, s24;
	v15 =	vor.u32 $0x180, v5;
	v11 =	vld.idx.msk [tilespmem:v11+s3+$0x0], $0xffff  }
0x1a2: {  	s16 =	sand.u32 $0x780, s24;
	s18 =	sor.u32 s5, s7;
	s1 =	sor.u32 $0x10, s4;
	v12 =	vld.idx.msk [tilespmem:v12+s3+$0x0], $0xffff  }
0x1a3: {  	s9 =	sor.u32 s1, s16;
	v13 =	vor.u32 $0x80, v5;
	v1 =	vld.idx.msk [tilespmem:v1+s3+$0x0], $0xffff;
	[tilespmem:s18+$0x0] =	vst v7  }
0x1a4: {  	s19 =	sand.u32 $0x3, s8;
	v17 =	vld [tilespmem:s9+$0x4800];
	v7 =	vor.u32 $0x280, v5;
	[tilespmem:s18+$0x80] =	vst v2  }
0x1a5: {  	s9 =	sshll.u32 s19, $0x5;
	[tilespmem:s18+$0x100] =	vst v3;
	v2 =	vld.idx.msk [tilespmem:v14+s3+$0x0], $0xffff;
	v14 =	vor.u32 $0x380, v5  }
0x1a6: {  	s9 =	sadd.s32 $0x0, s9;
	[tilespmem:s18+$0x180] =	vst v4;
	v3 =	vld.idx.msk [tilespmem:v15+s3+$0x0], $0xffff;
	v15 =	vadd.s32 $0x2000, v5  }
0x1a7: {  	s23 =	sadd.s32 $0x10, s9;
	v0 =	vld.idx.msk [tilespmem:v5+s3+$0x0], $0xffff;
	[tilespmem:s18+$0x200] =	vst v6  }
0x1a8: {  	s11 =	sor.u32 $0x300, s23;
	v62 =	vor.u32 $0x200, v5;
	v13 =	vld.idx.msk [tilespmem:v13+s3+$0x0], $0xffff;
	[tilespmem:s18+$0x280] =	vst v8  }
0x1a9: {  	s13 =	sadd.s32 $0x11000, s6;
	s16 =	sor.u32 $0x380, s23;
	v18 =	vor.u32 $0x300, v5;
	v63 =	vadd.s32 $0x2080, v5;
	[tilespmem:s11+$0xD000] =	vst v10;
	v5 =	vld.idx.msk [tilespmem:v7+s3+$0x0], $0xffff  }
0x1aa: {  	s19 =	sadd.s32 $0x11080, s6;
	s23 =	sor.u32 s5, s13;
	v8 =	vshll.u32 v17, $0x3;
	v10 =	vshll.u32 v9, $0x3;
	s18 =	rddreg [dreg:$0x16];
	[tilespmem:s16+$0xD000] =	vst v11;
	v7 =	vld.idx.msk [tilespmem:v14+s3+$0x0], $0xffff  }
0x1ab: {  	s5 =	sor.u32 s5, s19;
	[tilespmem:s23+$0x0] =	vst v12;
	v12 =	vand.u32 $0x7F, v9;
	v14 =	vand.u32 $0xFFFFFC00, v8;
	v8 =	vld.idx.msk [tilespmem:v15+s3+$0x0], $0xffff;
	v15 =	vand.u32 $0xFFFFFC00, v10  }
0x1ac: {  	s30 =	sshll.u32 s22, $0x11;
	v11 =	vand.u32 $0x7F, v17;
	[tilespmem:s5+$0x0] =	vst v1;
	v1 =	vor.u32 v12, v15  }
0x1ad: {  	s6 =	sor.u32 s2, s7;
	s12 =	sor.u32 s2, s19;
	s7 =	sor.u32 $0x300, s9;
	v4 =	vld.idx.msk [tilespmem:v62+s3+$0x0], $0xffff;
	v10 =	vor.u32 v11, v14  }
0x1ae: {  	s10 =	sor.u32 $0x380, s9;
	s13 =	sor.u32 s2, s13;
	s2 =	simm.s32 $0x0;
	v6 =	vld.idx.msk [tilespmem:v18+s3+$0x0], $0xffff;
	v11 =	vor.u32 $0x80, v10  }
0x1af: {  	s31 =	sor.u32 s18, s30;
	v9 =	vld.idx.msk [tilespmem:v63+s3+$0x0], $0xffff;
	s23 =	simm.s32 $0x2;
	s5 =	simm.s32 $0x4840;
	[tilespmem:s6+$0x80] =	vst v13;
	v12 =	vor.u32 $0x100, v10  }
.LBB2_5:
0x1b0: {  	v13 =	vld [tilespmem:s5+$0x0];
	v14 =	vor.u32 $0x180, v10;
	[tilespmem:s6+$0x100] =	vst v2  }
0x1b1: {  	v15 =	vor.u32 $0x200, v10;
	v2 =	vld.idx.msk [tilespmem:v1+s3+$0x0], $0xffff;
	[tilespmem:s6+$0x180] =	vst v3  }
0x1b2: {  	v16 =	vor.u32 $0x280, v10;
	v3 =	vld.idx.msk [tilespmem:v10+s3+$0x0], $0xffff;
	[tilespmem:s6+$0x200] =	vst v4  }
0x1b3: {  	v4 =	vld.idx.msk [tilespmem:v11+s3+$0x0], $0xffff;
	v11 =	vor.u32 $0x300, v10;
	[tilespmem:s6+$0x280] =	vst v5  }
0x1b4: {  	v5 =	vld.idx.msk [tilespmem:v12+s3+$0x0], $0xffff;
	v12 =	vor.u32 $0x380, v10;
	[tilespmem:s6+$0x0] =	vst v0  }
0x1b5: {  	v17 =	vadd.s32 $0x2000, v10;
	v14 =	vld.idx.msk [tilespmem:v14+s3+$0x0], $0xffff;
	[tilespmem:s7+$0xD000] =	vst v6  }
0x1b6: {  	v10 =	vadd.s32 $0x2080, v10;
	v6 =	vld.idx.msk [tilespmem:v15+s3+$0x0], $0xffff;
	[tilespmem:s10+$0xD000] =	vst v7  }
0x1b7: {  	s8 =	sadd.s32 $0x100, s8;
	v0 =	vmov v2;
	v7 =	vld.idx.msk [tilespmem:v16+s3+$0x0], $0xffff;
	[tilespmem:s13+$0x0] =	vst v8  }
0x1b8: {  	s24 =	sadd.s32 $0x20, s24;
	s19 =	sand.u32 $0x3C00, s8;
	v2 =	vor.u32 $0x80, v1;
	v8 =	vld.idx.msk [tilespmem:v11+s3+$0x0], $0xffff;
	[tilespmem:s12+$0x0] =	vst v9  }
0x1b9: {  	s18 =	sand.u32 $0x60, s24;
	s6 =	sadd.s32 $0xD000, s19;
	v9 =	vor.u32 $0x100, v1;
	v11 =	vld.idx.msk [tilespmem:v12+s3+$0x0], $0xffff  }
0x1ba: {  	s16 =	sor.u32 $0x10, s18;
	s7 =	sand.u32 $0x780, s24;
	s9 =	sor.u32 s1, s6;
	v12 =	vor.u32 $0x180, v1;
	v15 =	vld.idx.msk [tilespmem:v17+s3+$0x0], $0xffff  }
0x1bb: {  	s2 =	sadd.s32 $0x1, s2;
	s6 =	sor.u32 s4, s6;
	s7 =	sor.u32 s16, s7;
	v16 =	vor.u32 $0x200, v1;
	v17 =	vld.idx.msk [tilespmem:v10+s3+$0x0], $0xffff;
	[tilespmem:s9+$0x0] =	vst v3  }
0x1bc: {  	v18 =	vor.u32 $0x280, v1;
	v10 =	vld [tilespmem:s7+$0x4800];
	s7 =	sand.u32 $0x3, s2;
	[tilespmem:s9+$0x80] =	vst v4  }
0x1bd: {  	v20 =	vor.u32 $0x300, v1;
	s7 =	sshll.u32 s7, $0x5;
	v19 =	vld.idx.msk [tilespmem:v2+s3+$0x0], $0xffff;
	[tilespmem:s9+$0x100] =	vst v5  }
0x1be: {  	s23 =	sadd.s32 $0x2, s23;
	s12 =	sadd.s32 s7, s8;
	v2 =	vld.idx.msk [tilespmem:v9+s3+$0x0], $0xffff;
	v9 =	vor.u32 $0x380, v1;
	[tilespmem:s9+$0x180] =	vst v14  }
0x1bf: {  	v3 =	vld.idx.msk [tilespmem:v12+s3+$0x0], $0xffff;
	v12 =	vadd.s32 $0x2000, v1;
	s7 =	sor.u32 $0x300, s12;
	s10 =	sor.u32 $0x380, s12;
	[tilespmem:s9+$0x200] =	vst v6;
	s12 =	sadd.s32 $0x10, s12  }
0x1c0: {  	p0 =	slt.u32 s23, $0x7E;
	v5 =	vshll.u32 v13, $0x3;
	v14 =	vadd.s32 $0x2080, v1;
	v4 =	vld.idx.msk [tilespmem:v16+s3+$0x0], $0xffff;
	[tilespmem:s9+$0x280] =	vst v7;
	s9 =	sor.u32 $0x300, s12  }
.Ltmp3:
0x1c1: {  	s11 =	sadd.s32 $0x11000, s19;
	v1 =	vand.u32 $0x7F, v13;
	v6 =	vand.u32 $0xFFFFFC00, v5;
	v7 =	vshll.u32 v10, $0x3;
	v5 =	vld.idx.msk [tilespmem:v18+s3+$0x0], $0xffff;
	[tilespmem:s9+$0xD000] =	vst v8;
	s9 =	sor.u32 $0x380, s12;
	(pc) =	sbr.rel @p0 .LBB2_5-.Ltmp3, $4  }
0x1c2: {  	s19 =	sadd.s32 $0x11080, s19;
	s13 =	sor.u32 s4, s11;
	v1 =	vor.u32 v1, v6;
	v8 =	vand.u32 $0x7F, v10;
	v7 =	vand.u32 $0xFFFFFC00, v7;
	v6 =	vld.idx.msk [tilespmem:v20+s3+$0x0], $0xffff;
	[tilespmem:s9+$0xD000] =	vst v11;
	s9 =	sor.u32 s1, s11  }
0x1c3: {  	s12 =	sor.u32 s4, s19;
	s4 =	smov.u32 s18;
	s1 =	sor.u32 s1, s19;
	v10 =	vor.u32 v8, v7;
	v7 =	vld.idx.msk [tilespmem:v9+s3+$0x0], $0xffff;
	[tilespmem:s9+$0x0] =	vst v15  }
0x1c4: {  	v11 =	vor.u32 $0x80, v10;
	v8 =	vld.idx.msk [tilespmem:v12+s3+$0x0], $0xffff;
	[tilespmem:s1+$0x0] =	vst v17;
	s1 =	smov.u32 s16  }
0x1c5: {  	s5 =	sadd.s32 $0x20, s5;
	v12 =	vor.u32 $0x100, v10;
	v9 =	vld.idx.msk [tilespmem:v14+s3+$0x0], $0xffff;
	[tilespmem:s6+$0x80] =	vst v19  }
0x1c6: {  	_ =	sdelay $0x2  }
0x1c7: {  	v13 =	vor.u32 $0x180, v10  }
0x1c8: {  	v14 =	vor.u32 $0x200, v10;
	v15 =	vld.idx.msk [tilespmem:v10+s3+$0x0], $0xffff  }
0x1c9: {  	v16 =	vor.u32 $0x280, v10;
	v40 =	vld.idx.msk [tilespmem:v11+s3+$0x0], $0xffff  }
0x1ca: {  	v41 =	vor.u32 $0x300, v10;
	v42 =	vld.idx.msk [tilespmem:v12+s3+$0x0], $0xffff  }
0x1cb: {  	v43 =	vor.u32 $0x380, v10;
	v53 =	vld.idx.msk [tilespmem:v1+s3+$0x0], $0xffff  }
0x1cc: {  	v45 =	vadd.s32 $0x2000, v10;
	v44 =	vld.idx.msk [tilespmem:v13+s3+$0x0], $0xffff  }
0x1cd: {  	v47 =	vadd.s32 $0x2080, v10;
	v46 =	vld.idx.msk [tilespmem:v14+s3+$0x0], $0xffff  }
0x1ce: {  	v49 =	vor.u32 $0x80, v1;
	v48 =	vld.idx.msk [tilespmem:v16+s3+$0x0], $0xffff  }
0x1cf: {  	[tilespmem:s6+$0x100] =	vst v2;
	v50 =	vor.u32 $0x100, v1;
	v11 =	vld.idx.msk [tilespmem:v41+s3+$0x0], $0xffff  }
0x1d0: {  	[tilespmem:s6+$0x180] =	vst v3;
	v51 =	vor.u32 $0x180, v1;
	v12 =	vld.idx.msk [tilespmem:v43+s3+$0x0], $0xffff  }
0x1d1: {  	[tilespmem:s6+$0x200] =	vst v4;
	v52 =	vor.u32 $0x200, v1;
	v13 =	vld.idx.msk [tilespmem:v45+s3+$0x0], $0xffff  }
0x1d2: {  	[tilespmem:s6+$0x280] =	vst v5;
	v54 =	vor.u32 $0x280, v1;
	v10 =	vld.idx.msk [tilespmem:v47+s3+$0x0], $0xffff  }
0x1d3: {  	[tilespmem:s6+$0x0] =	vst v0;
	v56 =	vor.u32 $0x300, v1;
	v55 =	vld.idx.msk [tilespmem:v49+s3+$0x0], $0xffff  }
0x1d4: {  	s5 =	sadd.s32 $0x100, s8;
	v58 =	vor.u32 $0x380, v1;
	[tilespmem:s7+$0xD000] =	vst v6;
	v57 =	vld.idx.msk [tilespmem:v50+s3+$0x0], $0xffff  }
0x1d5: {  	v60 =	vadd.s32 $0x2000, v1;
	s19 =	sand.u32 $0x3C00, s5;
	[tilespmem:s10+$0xD000] =	vst v7;
	v59 =	vld.idx.msk [tilespmem:v51+s3+$0x0], $0xffff  }
0x1d6: {  	v62 =	vadd.s32 $0x2080, v1;
	s23 =	sadd.s32 $0xD000, s19;
	[tilespmem:s13+$0x0] =	vst v8;
	v61 =	vld.idx.msk [tilespmem:v52+s3+$0x0], $0xffff  }
0x1d7: {  	s24 =	sor.u32 s1, s23;
	[tilespmem:s12+$0x0] =	vst v9;
	v63 =	vld.idx.msk [tilespmem:v54+s3+$0x0], $0xffff  }
0x1d8: {  	[tilespmem:s24+$0x0] =	vst v15;
	v6 =	vld.idx.msk [tilespmem:v56+s3+$0x0], $0xffff  }
0x1d9: {  	[tilespmem:s24+$0x80] =	vst v40;
	v7 =	vld.idx.msk [tilespmem:v58+s3+$0x0], $0xffff  }
0x1da: {  	s13 =	sor.u32 s4, s23;
	[tilespmem:s24+$0x100] =	vst v42;
	v8 =	vld.idx.msk [tilespmem:v60+s3+$0x0], $0xffff  }
0x1db: {  	v1 =	vld.idx.msk [tilespmem:v62+s3+$0x0], $0xffff;
	[tilespmem:s13+$0x0] =	vst v53  }
0x1dc: {  	[tilespmem:s24+$0x180] =	vst v44  }
0x1dd: {  	[tilespmem:s24+$0x200] =	vst v46  }
0x1de: {  	s2 =	sadd.s32 $0x1, s2;
	[tilespmem:s24+$0x280] =	vst v48  }
0x1df: {  	s2 =	sand.u32 $0x3, s2;
	[tilespmem:s13+$0x80] =	vst v55  }
0x1e0: {  	s2 =	sshll.u32 s2, $0x5;
	[tilespmem:s13+$0x100] =	vst v57  }
0x1e1: {  	s2 =	sadd.s32 s2, s5;
	[tilespmem:s13+$0x180] =	vst v59  }
0x1e2: {  	s5 =	sadd.s32 $0x10, s2;
	[tilespmem:s13+$0x200] =	vst v61  }
0x1e3: {  	s9 =	sor.u32 $0x300, s5;
	[tilespmem:s13+$0x280] =	vst v63  }
0x1e4: {  	s16 =	sor.u32 $0x300, s2;
	[tilespmem:s9+$0xD000] =	vst v11  }
0x1e5: {  	s5 =	sor.u32 $0x380, s5;
	[tilespmem:s16+$0xD000] =	vst v6  }
0x1e6: {  	s10 =	sadd.s32 $0x11000, s19;
	s18 =	sor.u32 $0x380, s2;
	[tilespmem:s5+$0xD000] =	vst v12  }
0x1e7: {  	s11 =	sor.u32 s1, s10;
	[tilespmem:s18+$0xD000] =	vst v7  }
0x1e8: {  	s6 =	sadd.s32 $0x11080, s19;
	s19 =	sor.u32 s4, s10;
	[tilespmem:s11+$0x0] =	vst v13  }
0x1e9: {  	s12 =	sor.u32 s1, s6;
	[tilespmem:s19+$0x0] =	vst v8  }
0x1ea: {  	s23 =	sor.u32 s4, s6;
	s1 =	sshrl.u32 s31, $0x3;
	[tilespmem:s12+$0x0] =	vst v10  }
0x1eb: {  	s31 =	simm.s32 $0xD000;
	s24 =	sadd.s32 s14, s1;
	[tilespmem:s23+$0x0] =	vst v1  }
0x1ec: {  	[hbm4b:s24+s25] =	stream.strided.scatter [tilespmem:s31], [sflag:$0x4], $0x400, s29, s25, $0x38;
	[tilespmem:$0x15000] =	vst v63  }
0x1ed: {  	s6 =	simm.s32 $0xD400;
	s5 =	sadd.s32 $0x80, s24  }
0x1ee: {  	[hbm4b:s5+s25] =	stream.strided.scatter [tilespmem:s6], [sflag:$0x4], $0x400, s29, s25, $0x38;
	[tilespmem:$0x15000] =	vst v63  }
0x1ef: {  	s7 =	simm.s32 $0x11000;
	s2 =	sadd.s32 $0x320000, s24;
	s9 =	sld [smem:$0x7FB]  }
0x1f0: {  	[hbm4b:s2+s25] =	stream.strided.scatter [tilespmem:s7], [sflag:$0x4], $0x100, s29, s25, $0x38;
	[tilespmem:$0x15000] =	vst v63  }
0x1f1: {  	s8 =	simm.s32 $0x11400;
	s2 =	sadd.s32 $0x80, s2  }
0x1f2: {  	[hbm4b:s2+s25] =	stream.strided.scatter [tilespmem:s8], [sflag:$0x4], $0x100, s29, s25, $0x38;
	[tilespmem:$0x15000] =	vst v63  }
0x1f3: {  	s10 =	simm.s32 $0xD800;
	s2 =	sadd.s32 s1, s9  }
0x1f4: {  	[hbm4b:s2+s25] =	stream.strided.scatter [tilespmem:s10], [sflag:$0x4], $0x400, s29, s25, $0x38;
	[tilespmem:$0x15000] =	vst v63  }
0x1f5: {  	s13 =	simm.s32 $0xDC00;
	s11 =	smov.u32 s14;
	s12 =	sadd.s32 $0x80, s2  }
0x1f6: {  	[hbm4b:s12+s25] =	stream.strided.scatter [tilespmem:s13], [sflag:$0x4], $0x400, s29, s25, $0x38;
	[tilespmem:$0x15000] =	vst v63  }
0x1f7: {  	s14 =	simm.s32 $0x11800;
	s18 =	sld [smem:$0x7FC];
	s2 =	sadd.s32 $0x320000, s2  }
0x1f8: {  	[hbm4b:s2+s25] =	stream.strided.scatter [tilespmem:s14], [sflag:$0x4], $0x100, s29, s25, $0x38;
	[tilespmem:$0x15000] =	vst v63  }
0x1f9: {  	s16 =	simm.s32 $0x11C00;
	s2 =	sadd.s32 $0x80, s2  }
0x1fa: {  	[hbm4b:s2+s25] =	stream.strided.scatter [tilespmem:s16], [sflag:$0x4], $0x100, s29, s25, $0x38;
	[tilespmem:$0x15000] =	vst v63  }
0x1fb: {  	s19 =	simm.s32 $0xE000;
	s2 =	sadd.s32 s1, s18  }
0x1fc: {  	[hbm4b:s2+s25] =	stream.strided.scatter [tilespmem:s19], [sflag:$0x4], $0x400, s29, s25, $0x38;
	[tilespmem:$0x15000] =	vst v63  }
0x1fd: {  	s24 =	simm.s32 $0xE400;
	s23 =	sadd.s32 $0x80, s2  }
0x1fe: {  	[hbm4b:s23+s25] =	stream.strided.scatter [tilespmem:s24], [sflag:$0x4], $0x400, s29, s25, $0x38;
	[tilespmem:$0x15000] =	vst v63  }
0x1ff: {  	s31 =	simm.s32 $0x12000;
	s6 =	sld [smem:$0x7FD];
	s2 =	sadd.s32 $0x320000, s2  }
0x200: {  	[hbm4b:s2+s25] =	stream.strided.scatter [tilespmem:s31], [sflag:$0x4], $0x100, s29, s25, $0x38;
	[tilespmem:$0x15000] =	vst v63  }
0x201: {  	s5 =	simm.s32 $0x12400;
	s2 =	sadd.s32 $0x80, s2  }
0x202: {  	[hbm4b:s2+s25] =	stream.strided.scatter [tilespmem:s5], [sflag:$0x4], $0x100, s29, s25, $0x38;
	[tilespmem:$0x15000] =	vst v63  }
0x203: {  	s7 =	simm.s32 $0xE800;
	s2 =	sadd.s32 s1, s6  }
0x204: {  	[hbm4b:s2+s25] =	stream.strided.scatter [tilespmem:s7], [sflag:$0x4], $0x400, s29, s25, $0x38;
	[tilespmem:$0x15000] =	vst v63  }
0x205: {  	s9 =	simm.s32 $0xEC00;
	s8 =	sadd.s32 $0x80, s2  }
0x206: {  	[hbm4b:s8+s25] =	stream.strided.scatter [tilespmem:s9], [sflag:$0x4], $0x400, s29, s25, $0x38;
	[tilespmem:$0x15000] =	vst v63  }
0x207: {  	s10 =	simm.s32 $0x12800;
	s2 =	sadd.s32 $0x320000, s2  }
0x208: {  	[hbm4b:s2+s25] =	stream.strided.scatter [tilespmem:s10], [sflag:$0x4], $0x100, s29, s25, $0x38;
	[tilespmem:$0x15000] =	vst v63  }
0x209: {  	s12 =	simm.s32 $0x12C00;
	s2 =	sadd.s32 $0x80, s2  }
0x20a: {  	[hbm4b:s2+s25] =	stream.strided.scatter [tilespmem:s12], [sflag:$0x4], $0x100, s29, s25, $0x38;
	[tilespmem:$0x15000] =	vst v63  }
0x20b: {  	s13 =	sadd.s32 s1, s15;
	s14 =	simm.s32 $0xF000  }
0x20c: {  	[hbm4b:s13+s25] =	stream.strided.scatter [tilespmem:s14], [sflag:$0x4], $0x400, s29, s25, $0x38;
	[tilespmem:$0x15000] =	vst v63  }
0x20d: {  	s16 =	sadd.s32 $0x80, s13;
	s18 =	simm.s32 $0xF400  }
0x20e: {  	[hbm4b:s16+s25] =	stream.strided.scatter [tilespmem:s18], [sflag:$0x4], $0x400, s29, s25, $0x38;
	[tilespmem:$0x15000] =	vst v63  }
0x20f: {  	s19 =	simm.s32 $0x13000;
	s2 =	sadd.s32 $0x320000, s13  }
0x210: {  	[hbm4b:s2+s25] =	stream.strided.scatter [tilespmem:s19], [sflag:$0x4], $0x100, s29, s25, $0x38;
	[tilespmem:$0x15000] =	vst v63  }
0x211: {  	s23 =	simm.s32 $0x13400;
	s2 =	sadd.s32 $0x80, s2  }
0x212: {  	[hbm4b:s2+s25] =	stream.strided.scatter [tilespmem:s23], [sflag:$0x4], $0x100, s29, s25, $0x38;
	[tilespmem:$0x15000] =	vst v63  }
0x213: {  	s24 =	sadd.s32 s1, s17;
	s31 =	simm.s32 $0xF800  }
0x214: {  	[hbm4b:s24+s25] =	stream.strided.scatter [tilespmem:s31], [sflag:$0x4], $0x400, s29, s25, $0x38;
	[tilespmem:$0x15000] =	vst v63  }
0x215: {  	s5 =	sadd.s32 $0x80, s24;
	s6 =	simm.s32 $0xFC00  }
0x216: {  	[hbm4b:s5+s25] =	stream.strided.scatter [tilespmem:s6], [sflag:$0x4], $0x400, s29, s25, $0x38;
	[tilespmem:$0x15000] =	vst v63  }
0x217: {  	s7 =	simm.s32 $0x13800;
	s2 =	sadd.s32 $0x320000, s24  }
0x218: {  	[hbm4b:s2+s25] =	stream.strided.scatter [tilespmem:s7], [sflag:$0x4], $0x100, s29, s25, $0x38;
	[tilespmem:$0x15000] =	vst v63  }
0x219: {  	s8 =	simm.s32 $0x13C00;
	s2 =	sadd.s32 $0x80, s2  }
0x21a: {  	[hbm4b:s2+s25] =	stream.strided.scatter [tilespmem:s8], [sflag:$0x4], $0x100, s29, s25, $0x38;
	[tilespmem:$0x15000] =	vst v63  }
0x21b: {  	s9 =	sadd.s32 s1, s20;
	s10 =	simm.s32 $0x10000  }
0x21c: {  	[hbm4b:s9+s25] =	stream.strided.scatter [tilespmem:s10], [sflag:$0x4], $0x400, s29, s25, $0x38;
	[tilespmem:$0x15000] =	vst v63  }
0x21d: {  	s12 =	sadd.s32 $0x80, s9;
	s13 =	simm.s32 $0x10400  }
0x21e: {  	[hbm4b:s12+s25] =	stream.strided.scatter [tilespmem:s13], [sflag:$0x4], $0x400, s29, s25, $0x38;
	[tilespmem:$0x15000] =	vst v63  }
0x21f: {  	s14 =	simm.s32 $0x14000;
	s2 =	sadd.s32 $0x320000, s9  }
0x220: {  	[hbm4b:s2+s25] =	stream.strided.scatter [tilespmem:s14], [sflag:$0x4], $0x100, s29, s25, $0x38;
	[tilespmem:$0x15000] =	vst v63  }
0x221: {  	s16 =	simm.s32 $0x14400;
	s2 =	sadd.s32 $0x80, s2  }
0x222: {  	[hbm4b:s2+s25] =	stream.strided.scatter [tilespmem:s16], [sflag:$0x4], $0x100, s29, s25, $0x38;
	[tilespmem:$0x15000] =	vst v63  }
0x223: {  	s1 =	sadd.s32 s1, s21;
	s18 =	simm.s32 $0x10800  }
0x224: {  	[hbm4b:s1+s25] =	stream.strided.scatter [tilespmem:s18], [sflag:$0x4], $0x400, s29, s25, $0x38;
	[tilespmem:$0x15000] =	vst v63  }
0x225: {  	s19 =	sadd.s32 $0x80, s1;
	s23 =	simm.s32 $0x10C00  }
0x226: {  	[hbm4b:s19+s25] =	stream.strided.scatter [tilespmem:s23], [sflag:$0x4], $0x400, s29, s25, $0x38;
	[tilespmem:$0x15000] =	vst v63  }
.Ltmp4:
0x227: {  	_ = 	snop;
	(pc) =	sbr.rel @p1 .LBB2_8-.Ltmp4, $4  }
0x228: {  	s24 =	simm.s32 $0x14800;
	s1 =	sadd.s32 $0x320000, s1  }
0x229: {  	[hbm4b:s1+s25] =	stream.strided.scatter [tilespmem:s24], [sflag:$0x4], $0x100, s29, s25, $0x38;
	[tilespmem:$0x15000] =	vst v63  }
0x22a: {  	s31 =	simm.s32 $0x14C00;
	s1 =	sadd.s32 $0x80, s1  }
0x22b: {  	[hbm4b:s1+s25] =	stream.strided.scatter [tilespmem:s31], [sflag:$0x4], $0x100, s29, s25, $0x38;
	[tilespmem:$0x15000] =	vst v63  }
0x22c: {  	s1 =	rddreg [dreg:$0x17]  }
0x22d: {  	s1 =	sadd.s32 s1, s30  }
0x22e: {  	s2 =	rddreg [dreg:$0x0];
	s1 =	sshrl.u32 s1, $0x3  }
0x22f: {  	s4 =	simm.s32 $0x4800;
	s7 =	rddreg [dreg:$0x6];
	s2 =	sadd.s32 s2, s1  }
0x230: {  	[tilespmem:s4], [sflag:$0x2] =	stream.strided.gather [hbm4b:s2+s25], $0x100, s26, s25, $0x38;
	[tilespmem:$0x15000] =	vst v63  }
0x231: {  	s8 =	simm.s32 $0x4900;
	s9 =	rddreg [dreg:$0x9];
	s2 =	sadd.s32 s1, s7  }
0x232: {  	[tilespmem:s8], [sflag:$0x2] =	stream.strided.gather [hbm4b:s2+s25], $0x100, s26, s25, $0x38;
	[tilespmem:$0x15000] =	vst v63  }
0x233: {  	s10 =	simm.s32 $0x4A00;
	s12 =	rddreg [dreg:$0xb];
	s2 =	sadd.s32 s1, s9  }
0x234: {  	[tilespmem:s10], [sflag:$0x2] =	stream.strided.gather [hbm4b:s2+s25], $0x100, s26, s25, $0x38;
	[tilespmem:$0x15000] =	vst v63  }
0x235: {  	s13 =	simm.s32 $0x4B00;
	s14 =	rddreg [dreg:$0xc];
	s2 =	sadd.s32 s1, s12  }
0x236: {  	[tilespmem:s13], [sflag:$0x2] =	stream.strided.gather [hbm4b:s2+s25], $0x100, s26, s25, $0x38;
	[tilespmem:$0x15000] =	vst v63  }
0x237: {  	s16 =	simm.s32 $0x4C00;
	s18 =	rddreg [dreg:$0xf];
	s2 =	sadd.s32 s1, s14  }
0x238: {  	[tilespmem:s16], [sflag:$0x2] =	stream.strided.gather [hbm4b:s2+s25], $0x100, s26, s25, $0x38;
	[tilespmem:$0x15000] =	vst v63  }
0x239: {  	s19 =	simm.s32 $0x4D00;
	s2 =	sadd.s32 s1, s18  }
0x23a: {  	[tilespmem:s19], [sflag:$0x2] =	stream.strided.gather [hbm4b:s2+s25], $0x100, s26, s25, $0x38;
	[tilespmem:$0x15000] =	vst v63  }
.Ltmp5:
0x23b: {  	s23 =	rddreg [dreg:$0x11];
	(pc) =	sbr.rel .LBB2_2-.Ltmp5, $4  }
0x23c: {  	s24 =	simm.s32 $0x4E00;
	s30 =	rddreg [dreg:$0x12];
	s2 =	sadd.s32 s1, s23  }
0x23d: {  	[tilespmem:s24], [sflag:$0x2] =	stream.strided.gather [hbm4b:s2+s25], $0x100, s26, s25, $0x38;
	[tilespmem:$0x15000] =	vst v63  }
0x23e: {  	s31 =	simm.s32 $0x4F00;
	s22 =	sadd.s32 $0x1, s22;
	s1 =	sadd.s32 s1, s30  }
0x23f: {  	[tilespmem:s31], [sflag:$0x2] =	stream.strided.gather [hbm4b:s1+s25], $0x100, s26, s25, $0x38;
	[tilespmem:$0x15000] =	vst v63  }
.LBB2_9:
0x240: {  	_ =	sfence.sel $0x180000  }
0x241: {  	[bflag:$0x0] =	sbarrier.arrive $0xFFFF  }
0x242: {  	_ =	strace $0x90000047  }
0x243: {  	s0 =	stileid.u32;
	[bflag:$0x2] =	sbarrier.arrive $0xFFFF  }
0x244: {  	p0 =	sne.s32 s0, $0x0;
	s0 =	rddreg [dreg:$0x3]  }
0x245: {  	s0 =	sadd.s32 @!p0 $0x100000, s0  }
0x246: {  	[sflag:s0] =	ssyncadd.tile.s32 @!p0 $0x1;
	_ =	shalt  }
.Lfunc_end2:
_tile_overlayer_lowered:
.L_overlay_start_2:
0x247: {  	(tag) =	ssettag $0x2  }
0x248: {  	s0 =	rddreg [dreg:$0x0];
	s2 =	stileid.u32  }
0x249: {  	s1 =	rddreg [dreg:$0x1];
	p0 =	sne.s32 s2, $0x0  }
0x24a: {  	s3 =	rddreg [dreg:$0x2];
	[bflag:$0x3] =	sbarrier.arrive $0xFFFF;
	s2 =	simm.s32 @!p0 $0x1C05  }
0x24b: {  	[timem:s3], [sflag:s2] =	dma.local @!p0 [hbm:s0], s1  }
0x24c: {  	s0 =	simm.s32 @!p0 $0x5  }
0x24d: {  	_ =	swait.ge @!p0 [sflag:s0], s1  }
0x24e: {  	s1 =	ssub.s32 @!p0 $0x0, s1;
	[sflag:s0] =	ssyncset.done @!p0 $0x0  }
0x24f: {  	[sflag:s0] =	ssyncadd.s32 @!p0 s1  }
0x250: {  	[bflag:$0x3] =	sbarrier.arrive $0xFFFF  }
0x251: {  	_ =	shalt  }

</sc_bundles>
